<compile_context>
chip_gen: v7x
topology: tpu7x:2x2x1
jax: 0.10.2.dev20260603
libtpu: 0.0.44.dev20260713+nightly
codegen_flags: <defaults>
</compile_context>

<pallas_src>
import functools

import jax
import jax.numpy as jnp
from jax import lax
from jax.experimental import pallas as pl
from jax.experimental.pallas import tpu as pltpu
from jax.experimental.pallas import tpu_sc as plsc

D = 64
L = 200
W = 40
NG = L // W
NC, NS = 2, 16
NW = NC * NS
UNROLL = 20


def _sc_pool(ids2, table, batch):
    bpw = batch // NW
    mesh = plsc.VectorSubcoreMesh(core_axis_name="c", subcore_axis_name="s")

    @functools.partial(
        pl.kernel,
        mesh=mesh,
        out_type=jax.ShapeDtypeStruct((batch, D), jnp.float32),
        compiler_params=pltpu.CompilerParams(use_tc_tiling_on_sc=False),
        scratch_types=[
            pltpu.VMEM((NG * bpw, W), jnp.int32),
            pltpu.VMEM((L, D), jnp.float32),
            pltpu.VMEM((L, D), jnp.float32),
            pltpu.VMEM((L, D), jnp.float32),
            pltpu.VMEM((L, D), jnp.float32),
            pltpu.VMEM((bpw, D), jnp.float32),
            pltpu.SemaphoreType.DMA,
            pltpu.SemaphoreType.DMA,
            pltpu.SemaphoreType.DMA,
            pltpu.SemaphoreType.DMA,
        ],
    )
    def pool_kernel(ids_hbm, table_hbm, out_hbm, ids_v, rows_a, rows_b,
                    rows_c, rows_d, pool_v, sem_a, sem_b, sem_c, sem_d):
        wid = lax.axis_index("s") * NC + lax.axis_index("c")
        base = wid * bpw

        pltpu.sync_copy(ids_hbm.at[pl.ds(NG * base, NG * bpw)], ids_v)

        def issue(s, rows, sem):
            for c in range(NG):
                pltpu.async_copy(table_hbm.at[ids_v.at[NG * s + c]],
                                 rows.at[pl.ds(W * c, W)], sem)

        def wait(rows, sem):
            pltpu.make_async_copy(table_hbm.at[pl.ds(0, L)], rows, sem).wait()

        def accum(rows, s):
            def body(k, acc):
                i = UNROLL * k
                for u in range(UNROLL):
                    acc = tuple(
                        acc[j] + rows[i + u, pl.ds(16 * j, 16)]
                        for j in range(4)
                    )
                return acc

            zero = jnp.zeros((16,), jnp.float32)
            acc = lax.fori_loop(0, L // UNROLL, body, (zero,) * 4)
            scale = jnp.float32(1.0 / L)
            for j in range(4):
                pool_v[s, pl.ds(16 * j, 16)] = acc[j] * scale

        bufs = ((rows_a, sem_a), (rows_b, sem_b), (rows_c, sem_c),
                (rows_d, sem_d))
        NBUF = len(bufs)

        for b in range(NBUF - 1):
            issue(b, *bufs[b])

        def outer(k, carry):
            s = NBUF * k
            for b in range(NBUF):
                rows, sem = bufs[b]
                nxt = s + b + NBUF - 1

                @pl.when(nxt < bpw)
                def _(nxt=nxt, nb=bufs[(b + NBUF - 1) % NBUF]):
                    issue(nxt, *nb)

                wait(rows, sem)
                accum(rows, s + b)
            return carry

        lax.fori_loop(0, bpw // NBUF, outer, 0)

        for m in range(bpw - bpw % NBUF, bpw):
            rows, sem = bufs[m % NBUF]
            wait(rows, sem)
            accum(rows, m)

        pltpu.sync_copy(pool_v, out_hbm.at[pl.ds(base, bpw)])

    return pool_kernel(ids2, table)


def _mlp_body(x_ref, w1_ref, b1_ref, w2_ref, b2_ref, o_ref):
    h = jnp.dot(x_ref[...], w1_ref[...],
                preferred_element_type=jnp.float32) + b1_ref[...]
    h = jnp.maximum(h, 0.0)
    o_ref[...] = jnp.dot(h, w2_ref[...],
                         preferred_element_type=jnp.float32) + b2_ref[...]


@jax.jit
def kernel(text_ids, table, W1, b1, W2, b2):
    batch = text_ids.shape[0]
    ids2 = text_ids.astype(jnp.int32).reshape(NG * batch, W)
    pooled = _sc_pool(ids2, table, batch)
    return pl.pallas_call(
        _mlp_body,
        out_shape=jax.ShapeDtypeStruct((batch, D), jnp.float32),
    )(pooled, W1, b1.reshape(1, D), W2, b2.reshape(1, D))

# --- scband reference (transcript-rebuilt; emitter-appended) ---
"""Pipeline reference for scband-simple-text-encoder-38405597561321 (READ-ONLY COPY).

The authoritative reference and input builder live on the scoring server;
editing this copy changes nothing except your own understanding.
"""

import jax, jax.numpy as jnp
import numpy as np

VOCAB = 1000000
EMBED_DIM = 64
HIDDEN = 64
BATCH = 4096
HIST = 200

def setup_inputs(seed: int = 0) -> dict:
    key = jax.random.key(seed)
    k_ids, k_tab, k_w1, k_b1, k_w2, k_b2 = jax.random.split(key, 6)
    text_ids = jax.random.randint(k_ids, (BATCH, HIST), 0, VOCAB, dtype=jnp.int64 if jax.config.jax_enable_x64 else jnp.int32)
    table = jax.random.normal(k_tab, (VOCAB, EMBED_DIM), dtype=jnp.float32) * 0.02
    W1 = jax.random.normal(k_w1, (EMBED_DIM, HIDDEN), dtype=jnp.float32) * (1.0 / np.sqrt(EMBED_DIM))
    b1 = jnp.zeros((HIDDEN,), dtype=jnp.float32)
    W2 = jax.random.normal(k_w2, (HIDDEN, EMBED_DIM), dtype=jnp.float32) * (1.0 / np.sqrt(HIDDEN))
    b2 = jnp.zeros((EMBED_DIM,), dtype=jnp.float32)
    return {"text_ids": text_ids, "table": table, "W1": W1, "b1": b1, "W2": W2, "b2": b2}

def reference(text_ids, table, W1, b1, W2, b2):
    # Embedding lookup (gather) -> mean pool over sequence -> 2-layer MLP with relu
    embedded = jnp.take(table, text_ids, axis=0)          # [B, L, D]
    pooled = jnp.mean(embedded, axis=1)                   # [B, D]
    h = jnp.maximum(pooled @ W1 + b1, 0.0)                # [B, H]
    out = h @ W2 + b2                                     # [B, D]
    return out

if __name__ == "__main__":
    import jax
    _d = setup_inputs()
    print(jax.jit(kernel)(*tuple(_d.values())))

</pallas_src>

<mosaic_0001>
#map = affine_map<(d0, d1) -> (0, 0)>
module attributes {stable_mosaic.version = 14 : i64} {
  func.func @pool_kernel(%arg0: i32, %arg1: i32, %arg2: memref<20480x40xi32, #tpu.memory_space<hbm>>, %arg3: memref<1000000x64xf32, #tpu.memory_space<hbm>>, %arg4: memref<4096x64xf32, #tpu.memory_space<hbm>>, %arg5: memref<640x40xi32, #tpu.memory_space<vmem>>, %arg6: memref<200x64xf32, #tpu.memory_space<vmem>>, %arg7: memref<200x64xf32, #tpu.memory_space<vmem>>, %arg8: memref<200x64xf32, #tpu.memory_space<vmem>>, %arg9: memref<200x64xf32, #tpu.memory_space<vmem>>, %arg10: memref<128x64xf32, #tpu.memory_space<vmem>>, %arg11: memref<!tpu.dma_semaphore, #tpu.memory_space<semaphore_mem>>, %arg12: memref<!tpu.dma_semaphore, #tpu.memory_space<semaphore_mem>>, %arg13: memref<!tpu.dma_semaphore, #tpu.memory_space<semaphore_mem>>, %arg14: memref<!tpu.dma_semaphore, #tpu.memory_space<semaphore_mem>>) attributes {dimension_semantics = [#tpu.dimension_semantics<core_parallel>, #tpu.dimension_semantics<subcore_parallel>], iteration_bounds = array<i64: 2, 16>, scalar_prefetch = 0 : i64, scratch_operands = 10 : i64, tpu.core_type = #tpu.core_type<sc_vector_subcore>, window_params = [{transform_indices = #map}, {transform_indices = #map}, {transform_indices = #map}]} {
    %mul3A = arith.constant 2 : i32
    %mul3A_0 = arith.muli %arg1, %mul3A : i32
    %add3A = arith.addi %mul3A_0, %arg0 : i32
    %mul3A_1 = arith.constant 128 : i32
    %mul3A_2 = arith.muli %add3A, %mul3A_1 : i32
    %mul3A_3 = arith.constant 5 : i32
    %mul3A_4 = arith.muli %mul3A_3, %mul3A_2 : i32
    "tpu.region"() ({
      %run_scoped3A = tpu.sem_alloc : memref<!tpu.dma_semaphore, #tpu.memory_space<semaphore_mem>>
      %dma_start3A_159 = arith.constant 0 : i32
      %dma_start3A_160 = tpu.memref_slice %arg2[%mul3A_4, %dma_start3A_159] : memref<20480x40xi32, #tpu.memory_space<hbm>> -> memref<640x40xi32, #tpu.memory_space<hbm>>
      %dma_start3A_161 = arith.constant 0 : i32
      %dma_start3A_162 = tpu.memref_slice %arg2[%mul3A_4, %dma_start3A_161] : memref<20480x40xi32, #tpu.memory_space<hbm>> -> memref<640x40xi32, #tpu.memory_space<hbm>>
      tpu.enqueue_dma source(%dma_start3A_162 : memref<640x40xi32, #tpu.memory_space<hbm>>) target(%arg5 : memref<640x40xi32, #tpu.memory_space<vmem>>) target_semaphore(%run_scoped3A : memref<!tpu.dma_semaphore, #tpu.memory_space<semaphore_mem>>)
      %dma_wait3A = arith.constant 0 : i32
      %dma_wait3A_163 = tpu.memref_slice %arg2[%mul3A_4, %dma_wait3A] : memref<20480x40xi32, #tpu.memory_space<hbm>> -> memref<640x40xi32, #tpu.memory_space<hbm>>
      %dma_wait3A_164 = arith.constant 0 : i32
      %dma_wait3A_165 = tpu.memref_slice %arg2[%mul3A_4, %dma_wait3A_164] : memref<20480x40xi32, #tpu.memory_space<hbm>> -> memref<640x40xi32, #tpu.memory_space<hbm>>
      tpu.wait_dma2 semaphore(%run_scoped3A : memref<!tpu.dma_semaphore, #tpu.memory_space<semaphore_mem>>) src(%dma_wait3A_165 : memref<640x40xi32, #tpu.memory_space<hbm>>) dst(%arg5 : memref<640x40xi32, #tpu.memory_space<vmem>>)
      tpu.yield
    }) : () -> ()
    %dma_start3A = arith.constant 0 : i32
    %dma_start3A_5 = arith.constant 0 : i32
    %dma_start3A_6 = arith.constant 0 : i32
    %dma_start3A_7 = tpu.memref_slice %arg6[%dma_start3A_5, %dma_start3A_6] : memref<200x64xf32, #tpu.memory_space<vmem>> -> memref<40x64xf32, #tpu.memory_space<vmem>>
    %dma_start3A_8 = arith.constant 0 : i32
    %dma_start3A_9 = tpu.memref_slice %arg5[%dma_start3A, %dma_start3A_8] : memref<640x40xi32, #tpu.memory_space<vmem>> -> memref<1x40xi32, #tpu.memory_space<vmem>>
    %dma_start3A_10 = tpu.memref_squeeze %dma_start3A_9 : memref<1x40xi32, #tpu.memory_space<vmem>> -> memref<40xi32, #tpu.memory_space<vmem>>
    %dma_start3A_11 = arith.constant 0 : i32
    %dma_start3A_12 = arith.constant 0 : i32
    %dma_start3A_13 = tpu.memref_slice %arg3[%dma_start3A_11, %dma_start3A_12] : memref<1000000x64xf32, #tpu.memory_space<hbm>> -> memref<1000000x64xf32, #tpu.memory_space<hbm>>
    tpu.enqueue_indirect_dma source(%dma_start3A_13 : memref<1000000x64xf32, #tpu.memory_space<hbm>>) target(%dma_start3A_7 : memref<40x64xf32, #tpu.memory_space<vmem>>) offsets(%dma_start3A_10 : memref<40xi32, #tpu.memory_space<vmem>>) semaphore(%arg11 : memref<!tpu.dma_semaphore, #tpu.memory_space<semaphore_mem>>)
    %dma_start3A_14 = arith.constant 1 : i32
    %dma_start3A_15 = arith.constant 40 : i32
    %dma_start3A_16 = arith.constant 0 : i32
    %dma_start3A_17 = tpu.memref_slice %arg6[%dma_start3A_15, %dma_start3A_16] : memref<200x64xf32, #tpu.memory_space<vmem>> -> memref<40x64xf32, #tpu.memory_space<vmem>>
    %dma_start3A_18 = arith.constant 0 : i32
    %dma_start3A_19 = tpu.memref_slice %arg5[%dma_start3A_14, %dma_start3A_18] : memref<640x40xi32, #tpu.memory_space<vmem>> -> memref<1x40xi32, #tpu.memory_space<vmem>>
    %dma_start3A_20 = tpu.memref_squeeze %dma_start3A_19 : memref<1x40xi32, #tpu.memory_space<vmem>> -> memref<40xi32, #tpu.memory_space<vmem>>
    %dma_start3A_21 = arith.constant 0 : i32
    %dma_start3A_22 = arith.constant 0 : i32
    %dma_start3A_23 = tpu.memref_slice %arg3[%dma_start3A_21, %dma_start3A_22] : memref<1000000x64xf32, #tpu.memory_space<hbm>> -> memref<1000000x64xf32, #tpu.memory_space<hbm>>
    tpu.enqueue_indirect_dma source(%dma_start3A_23 : memref<1000000x64xf32, #tpu.memory_space<hbm>>) target(%dma_start3A_17 : memref<40x64xf32, #tpu.memory_space<vmem>>) offsets(%dma_start3A_20 : memref<40xi32, #tpu.memory_space<vmem>>) semaphore(%arg11 : memref<!tpu.dma_semaphore, #tpu.memory_space<semaphore_mem>>)
    %dma_start3A_24 = arith.constant 2 : i32
    %dma_start3A_25 = arith.constant 80 : i32
    %dma_start3A_26 = arith.constant 0 : i32
    %dma_start3A_27 = tpu.memref_slice %arg6[%dma_start3A_25, %dma_start3A_26] : memref<200x64xf32, #tpu.memory_space<vmem>> -> memref<40x64xf32, #tpu.memory_space<vmem>>
    %dma_start3A_28 = arith.constant 0 : i32
    %dma_start3A_29 = tpu.memref_slice %arg5[%dma_start3A_24, %dma_start3A_28] : memref<640x40xi32, #tpu.memory_space<vmem>> -> memref<1x40xi32, #tpu.memory_space<vmem>>
    %dma_start3A_30 = tpu.memref_squeeze %dma_start3A_29 : memref<1x40xi32, #tpu.memory_space<vmem>> -> memref<40xi32, #tpu.memory_space<vmem>>
    %dma_start3A_31 = arith.constant 0 : i32
    %dma_start3A_32 = arith.constant 0 : i32
    %dma_start3A_33 = tpu.memref_slice %arg3[%dma_start3A_31, %dma_start3A_32] : memref<1000000x64xf32, #tpu.memory_space<hbm>> -> memref<1000000x64xf32, #tpu.memory_space<hbm>>
    tpu.enqueue_indirect_dma source(%dma_start3A_33 : memref<1000000x64xf32, #tpu.memory_space<hbm>>) target(%dma_start3A_27 : memref<40x64xf32, #tpu.memory_space<vmem>>) offsets(%dma_start3A_30 : memref<40xi32, #tpu.memory_space<vmem>>) semaphore(%arg11 : memref<!tpu.dma_semaphore, #tpu.memory_space<semaphore_mem>>)
    %dma_start3A_34 = arith.constant 3 : i32
    %dma_start3A_35 = arith.constant 120 : i32
    %dma_start3A_36 = arith.constant 0 : i32
    %dma_start3A_37 = tpu.memref_slice %arg6[%dma_start3A_35, %dma_start3A_36] : memref<200x64xf32, #tpu.memory_space<vmem>> -> memref<40x64xf32, #tpu.memory_space<vmem>>
    %dma_start3A_38 = arith.constant 0 : i32
    %dma_start3A_39 = tpu.memref_slice %arg5[%dma_start3A_34, %dma_start3A_38] : memref<640x40xi32, #tpu.memory_space<vmem>> -> memref<1x40xi32, #tpu.memory_space<vmem>>
    %dma_start3A_40 = tpu.memref_squeeze %dma_start3A_39 : memref<1x40xi32, #tpu.memory_space<vmem>> -> memref<40xi32, #tpu.memory_space<vmem>>
    %dma_start3A_41 = arith.constant 0 : i32
    %dma_start3A_42 = arith.constant 0 : i32
    %dma_start3A_43 = tpu.memref_slice %arg3[%dma_start3A_41, %dma_start3A_42] : memref<1000000x64xf32, #tpu.memory_space<hbm>> -> memref<1000000x64xf32, #tpu.memory_space<hbm>>
    tpu.enqueue_indirect_dma source(%dma_start3A_43 : memref<1000000x64xf32, #tpu.memory_space<hbm>>) target(%dma_start3A_37 : memref<40x64xf32, #tpu.memory_space<vmem>>) offsets(%dma_start3A_40 : memref<40xi32, #tpu.memory_space<vmem>>) semaphore(%arg11 : memref<!tpu.dma_semaphore, #tpu.memory_space<semaphore_mem>>)
    %dma_start3A_44 = arith.constant 4 : i32
    %dma_start3A_45 = arith.constant 160 : i32
    %dma_start3A_46 = arith.constant 0 : i32
    %dma_start3A_47 = tpu.memref_slice %arg6[%dma_start3A_45, %dma_start3A_46] : memref<200x64xf32, #tpu.memory_space<vmem>> -> memref<40x64xf32, #tpu.memory_space<vmem>>
    %dma_start3A_48 = arith.constant 0 : i32
    %dma_start3A_49 = tpu.memref_slice %arg5[%dma_start3A_44, %dma_start3A_48] : memref<640x40xi32, #tpu.memory_space<vmem>> -> memref<1x40xi32, #tpu.memory_space<vmem>>
    %dma_start3A_50 = tpu.memref_squeeze %dma_start3A_49 : memref<1x40xi32, #tpu.memory_space<vmem>> -> memref<40xi32, #tpu.memory_space<vmem>>
    %dma_start3A_51 = arith.constant 0 : i32
    %dma_start3A_52 = arith.constant 0 : i32
    %dma_start3A_53 = tpu.memref_slice %arg3[%dma_start3A_51, %dma_start3A_52] : memref<1000000x64xf32, #tpu.memory_space<hbm>> -> memref<1000000x64xf32, #tpu.memory_space<hbm>>
    tpu.enqueue_indirect_dma source(%dma_start3A_53 : memref<1000000x64xf32, #tpu.memory_space<hbm>>) target(%dma_start3A_47 : memref<40x64xf32, #tpu.memory_space<vmem>>) offsets(%dma_start3A_50 : memref<40xi32, #tpu.memory_space<vmem>>) semaphore(%arg11 : memref<!tpu.dma_semaphore, #tpu.memory_space<semaphore_mem>>)
    %dma_start3A_54 = arith.constant 5 : i32
    %dma_start3A_55 = arith.constant 0 : i32
    %dma_start3A_56 = arith.constant 0 : i32
    %dma_start3A_57 = tpu.memref_slice %arg7[%dma_start3A_55, %dma_start3A_56] : memref<200x64xf32, #tpu.memory_space<vmem>> -> memref<40x64xf32, #tpu.memory_space<vmem>>
    %dma_start3A_58 = arith.constant 0 : i32
    %dma_start3A_59 = tpu.memref_slice %arg5[%dma_start3A_54, %dma_start3A_58] : memref<640x40xi32, #tpu.memory_space<vmem>> -> memref<1x40xi32, #tpu.memory_space<vmem>>
    %dma_start3A_60 = tpu.memref_squeeze %dma_start3A_59 : memref<1x40xi32, #tpu.memory_space<vmem>> -> memref<40xi32, #tpu.memory_space<vmem>>
    %dma_start3A_61 = arith.constant 0 : i32
    %dma_start3A_62 = arith.constant 0 : i32
    %dma_start3A_63 = tpu.memref_slice %arg3[%dma_start3A_61, %dma_start3A_62] : memref<1000000x64xf32, #tpu.memory_space<hbm>> -> memref<1000000x64xf32, #tpu.memory_space<hbm>>
    tpu.enqueue_indirect_dma source(%dma_start3A_63 : memref<1000000x64xf32, #tpu.memory_space<hbm>>) target(%dma_start3A_57 : memref<40x64xf32, #tpu.memory_space<vmem>>) offsets(%dma_start3A_60 : memref<40xi32, #tpu.memory_space<vmem>>) semaphore(%arg12 : memref<!tpu.dma_semaphore, #tpu.memory_space<semaphore_mem>>)
    %dma_start3A_64 = arith.constant 6 : i32
    %dma_start3A_65 = arith.constant 40 : i32
    %dma_start3A_66 = arith.constant 0 : i32
    %dma_start3A_67 = tpu.memref_slice %arg7[%dma_start3A_65, %dma_start3A_66] : memref<200x64xf32, #tpu.memory_space<vmem>> -> memref<40x64xf32, #tpu.memory_space<vmem>>
    %dma_start3A_68 = arith.constant 0 : i32
    %dma_start3A_69 = tpu.memref_slice %arg5[%dma_start3A_64, %dma_start3A_68] : memref<640x40xi32, #tpu.memory_space<vmem>> -> memref<1x40xi32, #tpu.memory_space<vmem>>
    %dma_start3A_70 = tpu.memref_squeeze %dma_start3A_69 : memref<1x40xi32, #tpu.memory_space<vmem>> -> memref<40xi32, #tpu.memory_space<vmem>>
    %dma_start3A_71 = arith.constant 0 : i32
    %dma_start3A_72 = arith.constant 0 : i32
    %dma_start3A_73 = tpu.memref_slice %arg3[%dma_start3A_71, %dma_start3A_72] : memref<1000000x64xf32, #tpu.memory_space<hbm>> -> memref<1000000x64xf32, #tpu.memory_space<hbm>>
    tpu.enqueue_indirect_dma source(%dma_start3A_73 : memref<1000000x64xf32, #tpu.memory_space<hbm>>) target(%dma_start3A_67 : memref<40x64xf32, #tpu.memory_space<vmem>>) offsets(%dma_start3A_70 : memref<40xi32, #tpu.memory_space<vmem>>) semaphore(%arg12 : memref<!tpu.dma_semaphore, #tpu.memory_space<semaphore_mem>>)
    %dma_start3A_74 = arith.constant 7 : i32
    %dma_start3A_75 = arith.constant 80 : i32
    %dma_start3A_76 = arith.constant 0 : i32
    %dma_start3A_77 = tpu.memref_slice %arg7[%dma_start3A_75, %dma_start3A_76] : memref<200x64xf32, #tpu.memory_space<vmem>> -> memref<40x64xf32, #tpu.memory_space<vmem>>
    %dma_start3A_78 = arith.constant 0 : i32
    %dma_start3A_79 = tpu.memref_slice %arg5[%dma_start3A_74, %dma_start3A_78] : memref<640x40xi32, #tpu.memory_space<vmem>> -> memref<1x40xi32, #tpu.memory_space<vmem>>
    %dma_start3A_80 = tpu.memref_squeeze %dma_start3A_79 : memref<1x40xi32, #tpu.memory_space<vmem>> -> memref<40xi32, #tpu.memory_space<vmem>>
    %dma_start3A_81 = arith.constant 0 : i32
    %dma_start3A_82 = arith.constant 0 : i32
    %dma_start3A_83 = tpu.memref_slice %arg3[%dma_start3A_81, %dma_start3A_82] : memref<1000000x64xf32, #tpu.memory_space<hbm>> -> memref<1000000x64xf32, #tpu.memory_space<hbm>>
    tpu.enqueue_indirect_dma source(%dma_start3A_83 : memref<1000000x64xf32, #tpu.memory_space<hbm>>) target(%dma_start3A_77 : memref<40x64xf32, #tpu.memory_space<vmem>>) offsets(%dma_start3A_80 : memref<40xi32, #tpu.memory_space<vmem>>) semaphore(%arg12 : memref<!tpu.dma_semaphore, #tpu.memory_space<semaphore_mem>>)
    %dma_start3A_84 = arith.constant 8 : i32
    %dma_start3A_85 = arith.constant 120 : i32
    %dma_start3A_86 = arith.constant 0 : i32
    %dma_start3A_87 = tpu.memref_slice %arg7[%dma_start3A_85, %dma_start3A_86] : memref<200x64xf32, #tpu.memory_space<vmem>> -> memref<40x64xf32, #tpu.memory_space<vmem>>
    %dma_start3A_88 = arith.constant 0 : i32
    %dma_start3A_89 = tpu.memref_slice %arg5[%dma_start3A_84, %dma_start3A_88] : memref<640x40xi32, #tpu.memory_space<vmem>> -> memref<1x40xi32, #tpu.memory_space<vmem>>
    %dma_start3A_90 = tpu.memref_squeeze %dma_start3A_89 : memref<1x40xi32, #tpu.memory_space<vmem>> -> memref<40xi32, #tpu.memory_space<vmem>>
    %dma_start3A_91 = arith.constant 0 : i32
    %dma_start3A_92 = arith.constant 0 : i32
    %dma_start3A_93 = tpu.memref_slice %arg3[%dma_start3A_91, %dma_start3A_92] : memref<1000000x64xf32, #tpu.memory_space<hbm>> -> memref<1000000x64xf32, #tpu.memory_space<hbm>>
    tpu.enqueue_indirect_dma source(%dma_start3A_93 : memref<1000000x64xf32, #tpu.memory_space<hbm>>) target(%dma_start3A_87 : memref<40x64xf32, #tpu.memory_space<vmem>>) offsets(%dma_start3A_90 : memref<40xi32, #tpu.memory_space<vmem>>) semaphore(%arg12 : memref<!tpu.dma_semaphore, #tpu.memory_space<semaphore_mem>>)
    %dma_start3A_94 = arith.constant 9 : i32
    %dma_start3A_95 = arith.constant 160 : i32
    %dma_start3A_96 = arith.constant 0 : i32
    %dma_start3A_97 = tpu.memref_slice %arg7[%dma_start3A_95, %dma_start3A_96] : memref<200x64xf32, #tpu.memory_space<vmem>> -> memref<40x64xf32, #tpu.memory_space<vmem>>
    %dma_start3A_98 = arith.constant 0 : i32
    %dma_start3A_99 = tpu.memref_slice %arg5[%dma_start3A_94, %dma_start3A_98] : memref<640x40xi32, #tpu.memory_space<vmem>> -> memref<1x40xi32, #tpu.memory_space<vmem>>
    %dma_start3A_100 = tpu.memref_squeeze %dma_start3A_99 : memref<1x40xi32, #tpu.memory_space<vmem>> -> memref<40xi32, #tpu.memory_space<vmem>>
    %dma_start3A_101 = arith.constant 0 : i32
    %dma_start3A_102 = arith.constant 0 : i32
    %dma_start3A_103 = tpu.memref_slice %arg3[%dma_start3A_101, %dma_start3A_102] : memref<1000000x64xf32, #tpu.memory_space<hbm>> -> memref<1000000x64xf32, #tpu.memory_space<hbm>>
    tpu.enqueue_indirect_dma source(%dma_start3A_103 : memref<1000000x64xf32, #tpu.memory_space<hbm>>) target(%dma_start3A_97 : memref<40x64xf32, #tpu.memory_space<vmem>>) offsets(%dma_start3A_100 : memref<40xi32, #tpu.memory_space<vmem>>) semaphore(%arg12 : memref<!tpu.dma_semaphore, #tpu.memory_space<semaphore_mem>>)
    %dma_start3A_104 = arith.constant 10 : i32
    %dma_start3A_105 = arith.constant 0 : i32
    %dma_start3A_106 = arith.constant 0 : i32
    %dma_start3A_107 = tpu.memref_slice %arg8[%dma_start3A_105, %dma_start3A_106] : memref<200x64xf32, #tpu.memory_space<vmem>> -> memref<40x64xf32, #tpu.memory_space<vmem>>
    %dma_start3A_108 = arith.constant 0 : i32
    %dma_start3A_109 = tpu.memref_slice %arg5[%dma_start3A_104, %dma_start3A_108] : memref<640x40xi32, #tpu.memory_space<vmem>> -> memref<1x40xi32, #tpu.memory_space<vmem>>
    %dma_start3A_110 = tpu.memref_squeeze %dma_start3A_109 : memref<1x40xi32, #tpu.memory_space<vmem>> -> memref<40xi32, #tpu.memory_space<vmem>>
    %dma_start3A_111 = arith.constant 0 : i32
    %dma_start3A_112 = arith.constant 0 : i32
    %dma_start3A_113 = tpu.memref_slice %arg3[%dma_start3A_111, %dma_start3A_112] : memref<1000000x64xf32, #tpu.memory_space<hbm>> -> memref<1000000x64xf32, #tpu.memory_space<hbm>>
    tpu.enqueue_indirect_dma source(%dma_start3A_113 : memref<1000000x64xf32, #tpu.memory_space<hbm>>) target(%dma_start3A_107 : memref<40x64xf32, #tpu.memory_space<vmem>>) offsets(%dma_start3A_110 : memref<40xi32, #tpu.memory_space<vmem>>) semaphore(%arg13 : memref<!tpu.dma_semaphore, #tpu.memory_space<semaphore_mem>>)
    %dma_start3A_114 = arith.constant 11 : i32
    %dma_start3A_115 = arith.constant 40 : i32
    %dma_start3A_116 = arith.constant 0 : i32
    %dma_start3A_117 = tpu.memref_slice %arg8[%dma_start3A_115, %dma_start3A_116] : memref<200x64xf32, #tpu.memory_space<vmem>> -> memref<40x64xf32, #tpu.memory_space<vmem>>
    %dma_start3A_118 = arith.constant 0 : i32
    %dma_start3A_119 = tpu.memref_slice %arg5[%dma_start3A_114, %dma_start3A_118] : memref<640x40xi32, #tpu.memory_space<vmem>> -> memref<1x40xi32, #tpu.memory_space<vmem>>
    %dma_start3A_120 = tpu.memref_squeeze %dma_start3A_119 : memref<1x40xi32, #tpu.memory_space<vmem>> -> memref<40xi32, #tpu.memory_space<vmem>>
    %dma_start3A_121 = arith.constant 0 : i32
    %dma_start3A_122 = arith.constant 0 : i32
    %dma_start3A_123 = tpu.memref_slice %arg3[%dma_start3A_121, %dma_start3A_122] : memref<1000000x64xf32, #tpu.memory_space<hbm>> -> memref<1000000x64xf32, #tpu.memory_space<hbm>>
    tpu.enqueue_indirect_dma source(%dma_start3A_123 : memref<1000000x64xf32, #tpu.memory_space<hbm>>) target(%dma_start3A_117 : memref<40x64xf32, #tpu.memory_space<vmem>>) offsets(%dma_start3A_120 : memref<40xi32, #tpu.memory_space<vmem>>) semaphore(%arg13 : memref<!tpu.dma_semaphore, #tpu.memory_space<semaphore_mem>>)
    %dma_start3A_124 = arith.constant 12 : i32
    %dma_start3A_125 = arith.constant 80 : i32
    %dma_start3A_126 = arith.constant 0 : i32
    %dma_start3A_127 = tpu.memref_slice %arg8[%dma_start3A_125, %dma_start3A_126] : memref<200x64xf32, #tpu.memory_space<vmem>> -> memref<40x64xf32, #tpu.memory_space<vmem>>
    %dma_start3A_128 = arith.constant 0 : i32
    %dma_start3A_129 = tpu.memref_slice %arg5[%dma_start3A_124, %dma_start3A_128] : memref<640x40xi32, #tpu.memory_space<vmem>> -> memref<1x40xi32, #tpu.memory_space<vmem>>
    %dma_start3A_130 = tpu.memref_squeeze %dma_start3A_129 : memref<1x40xi32, #tpu.memory_space<vmem>> -> memref<40xi32, #tpu.memory_space<vmem>>
    %dma_start3A_131 = arith.constant 0 : i32
    %dma_start3A_132 = arith.constant 0 : i32
    %dma_start3A_133 = tpu.memref_slice %arg3[%dma_start3A_131, %dma_start3A_132] : memref<1000000x64xf32, #tpu.memory_space<hbm>> -> memref<1000000x64xf32, #tpu.memory_space<hbm>>
    tpu.enqueue_indirect_dma source(%dma_start3A_133 : memref<1000000x64xf32, #tpu.memory_space<hbm>>) target(%dma_start3A_127 : memref<40x64xf32, #tpu.memory_space<vmem>>) offsets(%dma_start3A_130 : memref<40xi32, #tpu.memory_space<vmem>>) semaphore(%arg13 : memref<!tpu.dma_semaphore, #tpu.memory_space<semaphore_mem>>)
    %dma_start3A_134 = arith.constant 13 : i32
    %dma_start3A_135 = arith.constant 120 : i32
    %dma_start3A_136 = arith.constant 0 : i32
    %dma_start3A_137 = tpu.memref_slice %arg8[%dma_start3A_135, %dma_start3A_136] : memref<200x64xf32, #tpu.memory_space<vmem>> -> memref<40x64xf32, #tpu.memory_space<vmem>>
    %dma_start3A_138 = arith.constant 0 : i32
    %dma_start3A_139 = tpu.memref_slice %arg5[%dma_start3A_134, %dma_start3A_138] : memref<640x40xi32, #tpu.memory_space<vmem>> -> memref<1x40xi32, #tpu.memory_space<vmem>>
    %dma_start3A_140 = tpu.memref_squeeze %dma_start3A_139 : memref<1x40xi32, #tpu.memory_space<vmem>> -> memref<40xi32, #tpu.memory_space<vmem>>
    %dma_start3A_141 = arith.constant 0 : i32
    %dma_start3A_142 = arith.constant 0 : i32
    %dma_start3A_143 = tpu.memref_slice %arg3[%dma_start3A_141, %dma_start3A_142] : memref<1000000x64xf32, #tpu.memory_space<hbm>> -> memref<1000000x64xf32, #tpu.memory_space<hbm>>
    tpu.enqueue_indirect_dma source(%dma_start3A_143 : memref<1000000x64xf32, #tpu.memory_space<hbm>>) target(%dma_start3A_137 : memref<40x64xf32, #tpu.memory_space<vmem>>) offsets(%dma_start3A_140 : memref<40xi32, #tpu.memory_space<vmem>>) semaphore(%arg13 : memref<!tpu.dma_semaphore, #tpu.memory_space<semaphore_mem>>)
    %dma_start3A_144 = arith.constant 14 : i32
    %dma_start3A_145 = arith.constant 160 : i32
    %dma_start3A_146 = arith.constant 0 : i32
    %dma_start3A_147 = tpu.memref_slice %arg8[%dma_start3A_145, %dma_start3A_146] : memref<200x64xf32, #tpu.memory_space<vmem>> -> memref<40x64xf32, #tpu.memory_space<vmem>>
    %dma_start3A_148 = arith.constant 0 : i32
    %dma_start3A_149 = tpu.memref_slice %arg5[%dma_start3A_144, %dma_start3A_148] : memref<640x40xi32, #tpu.memory_space<vmem>> -> memref<1x40xi32, #tpu.memory_space<vmem>>
    %dma_start3A_150 = tpu.memref_squeeze %dma_start3A_149 : memref<1x40xi32, #tpu.memory_space<vmem>> -> memref<40xi32, #tpu.memory_space<vmem>>
    %dma_start3A_151 = arith.constant 0 : i32
    %dma_start3A_152 = arith.constant 0 : i32
    %dma_start3A_153 = tpu.memref_slice %arg3[%dma_start3A_151, %dma_start3A_152] : memref<1000000x64xf32, #tpu.memory_space<hbm>> -> memref<1000000x64xf32, #tpu.memory_space<hbm>>
    tpu.enqueue_indirect_dma source(%dma_start3A_153 : memref<1000000x64xf32, #tpu.memory_space<hbm>>) target(%dma_start3A_147 : memref<40x64xf32, #tpu.memory_space<vmem>>) offsets(%dma_start3A_150 : memref<40xi32, #tpu.memory_space<vmem>>) semaphore(%arg13 : memref<!tpu.dma_semaphore, #tpu.memory_space<semaphore_mem>>)
    %scan3A = arith.constant 0 : i32
    %scan3A_154 = arith.constant 0 : i32
    %scan3A_155 = arith.constant 32 : i32
    %scan3A_156 = arith.addi %scan3A_154, %scan3A_155 : i32
    %scan3A_157 = arith.constant 1 : i32
    scf.for %scan3A_159 = %scan3A_154 to %scan3A_156 step %scan3A_157  : i32 {
      %mul3A_160 = arith.constant 4 : i32
      %mul3A_161 = arith.muli %mul3A_160, %scan3A_159 : i32
      %add3A_162 = arith.constant 0 : i32
      %add3A_163 = arith.addi %mul3A_161, %add3A_162 : i32
      %add3A_164 = arith.constant 4 : i32
      %add3A_165 = arith.addi %add3A_163, %add3A_164 : i32
      %sub3A = arith.constant 1 : i32
      %sub3A_166 = arith.subi %add3A_165, %sub3A : i32
      %lt3A = arith.constant 128 : i32
      %lt3A_167 = arith.cmpi slt, %sub3A_166, %lt3A : i32
      %convert_element_type3A = arith.extui %lt3A_167 : i1 to i32
      %cond3A = arith.constant 0 : i32
      %cond3A_168 = arith.cmpi ne, %convert_element_type3A, %cond3A : i32
      scf.if %cond3A_168 {
        %mul3A_391 = arith.constant 5 : i32
        %mul3A_392 = arith.muli %mul3A_391, %sub3A_166 : i32
        %add3A_393 = arith.constant 0 : i32
        %add3A_394 = arith.addi %mul3A_392, %add3A_393 : i32
        %dma_start3A_395 = arith.constant 0 : i32
        %dma_start3A_396 = arith.constant 0 : i32
        %dma_start3A_397 = tpu.memref_slice %arg9[%dma_start3A_395, %dma_start3A_396] : memref<200x64xf32, #tpu.memory_space<vmem>> -> memref<40x64xf32, #tpu.memory_space<vmem>>
        %dma_start3A_398 = arith.constant 0 : i32
        %dma_start3A_399 = tpu.memref_slice %arg5[%add3A_394, %dma_start3A_398] : memref<640x40xi32, #tpu.memory_space<vmem>> -> memref<1x40xi32, #tpu.memory_space<vmem>>
        %dma_start3A_400 = tpu.memref_squeeze %dma_start3A_399 : memref<1x40xi32, #tpu.memory_space<vmem>> -> memref<40xi32, #tpu.memory_space<vmem>>
        %dma_start3A_401 = arith.constant 0 : i32
        %dma_start3A_402 = arith.constant 0 : i32
        %dma_start3A_403 = tpu.memref_slice %arg3[%dma_start3A_401, %dma_start3A_402] : memref<1000000x64xf32, #tpu.memory_space<hbm>> -> memref<1000000x64xf32, #tpu.memory_space<hbm>>
        tpu.enqueue_indirect_dma source(%dma_start3A_403 : memref<1000000x64xf32, #tpu.memory_space<hbm>>) target(%dma_start3A_397 : memref<40x64xf32, #tpu.memory_space<vmem>>) offsets(%dma_start3A_400 : memref<40xi32, #tpu.memory_space<vmem>>) semaphore(%arg14 : memref<!tpu.dma_semaphore, #tpu.memory_space<semaphore_mem>>)
        %mul3A_404 = arith.constant 5 : i32
        %mul3A_405 = arith.muli %mul3A_404, %sub3A_166 : i32
        %add3A_406 = arith.constant 1 : i32
        %add3A_407 = arith.addi %mul3A_405, %add3A_406 : i32
        %dma_start3A_408 = arith.constant 40 : i32
        %dma_start3A_409 = arith.constant 0 : i32
        %dma_start3A_410 = tpu.memref_slice %arg9[%dma_start3A_408, %dma_start3A_409] : memref<200x64xf32, #tpu.memory_space<vmem>> -> memref<40x64xf32, #tpu.memory_space<vmem>>
        %dma_start3A_411 = arith.constant 0 : i32
        %dma_start3A_412 = tpu.memref_slice %arg5[%add3A_407, %dma_start3A_411] : memref<640x40xi32, #tpu.memory_space<vmem>> -> memref<1x40xi32, #tpu.memory_space<vmem>>
        %dma_start3A_413 = tpu.memref_squeeze %dma_start3A_412 : memref<1x40xi32, #tpu.memory_space<vmem>> -> memref<40xi32, #tpu.memory_space<vmem>>
        %dma_start3A_414 = arith.constant 0 : i32
        %dma_start3A_415 = arith.constant 0 : i32
        %dma_start3A_416 = tpu.memref_slice %arg3[%dma_start3A_414, %dma_start3A_415] : memref<1000000x64xf32, #tpu.memory_space<hbm>> -> memref<1000000x64xf32, #tpu.memory_space<hbm>>
        tpu.enqueue_indirect_dma source(%dma_start3A_416 : memref<1000000x64xf32, #tpu.memory_space<hbm>>) target(%dma_start3A_410 : memref<40x64xf32, #tpu.memory_space<vmem>>) offsets(%dma_start3A_413 : memref<40xi32, #tpu.memory_space<vmem>>) semaphore(%arg14 : memref<!tpu.dma_semaphore, #tpu.memory_space<semaphore_mem>>)
        %mul3A_417 = arith.constant 5 : i32
        %mul3A_418 = arith.muli %mul3A_417, %sub3A_166 : i32
        %add3A_419 = arith.constant 2 : i32
        %add3A_420 = arith.addi %mul3A_418, %add3A_419 : i32
        %dma_start3A_421 = arith.constant 80 : i32
        %dma_start3A_422 = arith.constant 0 : i32
        %dma_start3A_423 = tpu.memref_slice %arg9[%dma_start3A_421, %dma_start3A_422] : memref<200x64xf32, #tpu.memory_space<vmem>> -> memref<40x64xf32, #tpu.memory_space<vmem>>
        %dma_start3A_424 = arith.constant 0 : i32
        %dma_start3A_425 = tpu.memref_slice %arg5[%add3A_420, %dma_start3A_424] : memref<640x40xi32, #tpu.memory_space<vmem>> -> memref<1x40xi32, #tpu.memory_space<vmem>>
        %dma_start3A_426 = tpu.memref_squeeze %dma_start3A_425 : memref<1x40xi32, #tpu.memory_space<vmem>> -> memref<40xi32, #tpu.memory_space<vmem>>
        %dma_start3A_427 = arith.constant 0 : i32
        %dma_start3A_428 = arith.constant 0 : i32
        %dma_start3A_429 = tpu.memref_slice %arg3[%dma_start3A_427, %dma_start3A_428] : memref<1000000x64xf32, #tpu.memory_space<hbm>> -> memref<1000000x64xf32, #tpu.memory_space<hbm>>
        tpu.enqueue_indirect_dma source(%dma_start3A_429 : memref<1000000x64xf32, #tpu.memory_space<hbm>>) target(%dma_start3A_423 : memref<40x64xf32, #tpu.memory_space<vmem>>) offsets(%dma_start3A_426 : memref<40xi32, #tpu.memory_space<vmem>>) semaphore(%arg14 : memref<!tpu.dma_semaphore, #tpu.memory_space<semaphore_mem>>)
        %mul3A_430 = arith.constant 5 : i32
        %mul3A_431 = arith.muli %mul3A_430, %sub3A_166 : i32
        %add3A_432 = arith.constant 3 : i32
        %add3A_433 = arith.addi %mul3A_431, %add3A_432 : i32
        %dma_start3A_434 = arith.constant 120 : i32
        %dma_start3A_435 = arith.constant 0 : i32
        %dma_start3A_436 = tpu.memref_slice %arg9[%dma_start3A_434, %dma_start3A_435] : memref<200x64xf32, #tpu.memory_space<vmem>> -> memref<40x64xf32, #tpu.memory_space<vmem>>
        %dma_start3A_437 = arith.constant 0 : i32
        %dma_start3A_438 = tpu.memref_slice %arg5[%add3A_433, %dma_start3A_437] : memref<640x40xi32, #tpu.memory_space<vmem>> -> memref<1x40xi32, #tpu.memory_space<vmem>>
        %dma_start3A_439 = tpu.memref_squeeze %dma_start3A_438 : memref<1x40xi32, #tpu.memory_space<vmem>> -> memref<40xi32, #tpu.memory_space<vmem>>
        %dma_start3A_440 = arith.constant 0 : i32
        %dma_start3A_441 = arith.constant 0 : i32
        %dma_start3A_442 = tpu.memref_slice %arg3[%dma_start3A_440, %dma_start3A_441] : memref<1000000x64xf32, #tpu.memory_space<hbm>> -> memref<1000000x64xf32, #tpu.memory_space<hbm>>
        tpu.enqueue_indirect_dma source(%dma_start3A_442 : memref<1000000x64xf32, #tpu.memory_space<hbm>>) target(%dma_start3A_436 : memref<40x64xf32, #tpu.memory_space<vmem>>) offsets(%dma_start3A_439 : memref<40xi32, #tpu.memory_space<vmem>>) semaphore(%arg14 : memref<!tpu.dma_semaphore, #tpu.memory_space<semaphore_mem>>)
        %mul3A_443 = arith.constant 5 : i32
        %mul3A_444 = arith.muli %mul3A_443, %sub3A_166 : i32
        %add3A_445 = arith.constant 4 : i32
        %add3A_446 = arith.addi %mul3A_444, %add3A_445 : i32
        %dma_start3A_447 = arith.constant 160 : i32
        %dma_start3A_448 = arith.constant 0 : i32
        %dma_start3A_449 = tpu.memref_slice %arg9[%dma_start3A_447, %dma_start3A_448] : memref<200x64xf32, #tpu.memory_space<vmem>> -> memref<40x64xf32, #tpu.memory_space<vmem>>
        %dma_start3A_450 = arith.constant 0 : i32
        %dma_start3A_451 = tpu.memref_slice %arg5[%add3A_446, %dma_start3A_450] : memref<640x40xi32, #tpu.memory_space<vmem>> -> memref<1x40xi32, #tpu.memory_space<vmem>>
        %dma_start3A_452 = tpu.memref_squeeze %dma_start3A_451 : memref<1x40xi32, #tpu.memory_space<vmem>> -> memref<40xi32, #tpu.memory_space<vmem>>
        %dma_start3A_453 = arith.constant 0 : i32
        %dma_start3A_454 = arith.constant 0 : i32
        %dma_start3A_455 = tpu.memref_slice %arg3[%dma_start3A_453, %dma_start3A_454] : memref<1000000x64xf32, #tpu.memory_space<hbm>> -> memref<1000000x64xf32, #tpu.memory_space<hbm>>
        tpu.enqueue_indirect_dma source(%dma_start3A_455 : memref<1000000x64xf32, #tpu.memory_space<hbm>>) target(%dma_start3A_449 : memref<40x64xf32, #tpu.memory_space<vmem>>) offsets(%dma_start3A_452 : memref<40xi32, #tpu.memory_space<vmem>>) semaphore(%arg14 : memref<!tpu.dma_semaphore, #tpu.memory_space<semaphore_mem>>)
      } else {
      }
      %dma_wait3A = arith.constant 0 : i32
      %dma_wait3A_169 = arith.constant 0 : i32
      %dma_wait3A_170 = tpu.memref_slice %arg3[%dma_wait3A, %dma_wait3A_169] : memref<1000000x64xf32, #tpu.memory_space<hbm>> -> memref<200x64xf32, #tpu.memory_space<hbm>>
      %dma_wait3A_171 = arith.constant 0 : i32
      %dma_wait3A_172 = arith.constant 0 : i32
      %dma_wait3A_173 = tpu.memref_slice %arg3[%dma_wait3A_171, %dma_wait3A_172] : memref<1000000x64xf32, #tpu.memory_space<hbm>> -> memref<200x64xf32, #tpu.memory_space<hbm>>
      tpu.wait_dma2 semaphore(%arg11 : memref<!tpu.dma_semaphore, #tpu.memory_space<semaphore_mem>>) src(%dma_wait3A_173 : memref<200x64xf32, #tpu.memory_space<hbm>>) dst(%arg6 : memref<200x64xf32, #tpu.memory_space<vmem>>)
      %add3A_174 = arith.constant 0 : i32
      %add3A_175 = arith.addi %mul3A_161, %add3A_174 : i32
      %broadcast_in_dim3A = arith.constant 0.000000e+00 : f32
      %broadcast_in_dim3A_176 = vector.broadcast %broadcast_in_dim3A : f32 to vector<16xf32>
      %scan3A_177 = arith.constant 0 : i32
      %scan3A_178 = arith.constant 10 : i32
      %scan3A_179 = arith.addi %scan3A_177, %scan3A_178 : i32
      %scan3A_180 = arith.constant 1 : i32
      %scan3A_181:4 = scf.for %scan3A_391 = %scan3A_177 to %scan3A_179 step %scan3A_180 iter_args(%scan3A_392 = %broadcast_in_dim3A_176, %scan3A_393 = %broadcast_in_dim3A_176, %scan3A_394 = %broadcast_in_dim3A_176, %scan3A_395 = %broadcast_in_dim3A_176) -> (vector<16xf32>, vector<16xf32>, vector<16xf32>, vector<16xf32>)  : i32 {
        %mul3A_396 = arith.constant 20 : i32
        %mul3A_397 = arith.muli %mul3A_396, %scan3A_391 : i32
        %add3A_398 = arith.constant 0 : i32
        %add3A_399 = arith.addi %mul3A_397, %add3A_398 : i32
        %get3A = arith.index_cast %add3A_399 : i32 to index
        %get3A_400 = arith.constant 0 : index
        %get3A_401 = tpu.vector_load %arg6[%get3A, %get3A_400] {strides = array<i32>} : memref<200x64xf32, #tpu.memory_space<vmem>>, vector<1x16xf32>,
        %get3A_402 = vector.shape_cast %get3A_401 : vector<1x16xf32> to vector<16xf32>
        %add3A_403 = arith.addf %scan3A_392, %get3A_402 : vector<16xf32>
        %add3A_404 = arith.constant 0 : i32
        %add3A_405 = arith.addi %mul3A_397, %add3A_404 : i32
        %get3A_406 = arith.index_cast %add3A_405 : i32 to index
        %get3A_407 = arith.constant 16 : index
        %get3A_408 = tpu.vector_load %arg6[%get3A_406, %get3A_407] {strides = array<i32>} : memref<200x64xf32, #tpu.memory_space<vmem>>, vector<1x16xf32>,
        %get3A_409 = vector.shape_cast %get3A_408 : vector<1x16xf32> to vector<16xf32>
        %add3A_410 = arith.addf %scan3A_393, %get3A_409 : vector<16xf32>
        %add3A_411 = arith.constant 0 : i32
        %add3A_412 = arith.addi %mul3A_397, %add3A_411 : i32
        %get3A_413 = arith.index_cast %add3A_412 : i32 to index
        %get3A_414 = arith.constant 32 : index
        %get3A_415 = tpu.vector_load %arg6[%get3A_413, %get3A_414] {strides = array<i32>} : memref<200x64xf32, #tpu.memory_space<vmem>>, vector<1x16xf32>,
        %get3A_416 = vector.shape_cast %get3A_415 : vector<1x16xf32> to vector<16xf32>
        %add3A_417 = arith.addf %scan3A_394, %get3A_416 : vector<16xf32>
        %add3A_418 = arith.constant 0 : i32
        %add3A_419 = arith.addi %mul3A_397, %add3A_418 : i32
        %get3A_420 = arith.index_cast %add3A_419 : i32 to index
        %get3A_421 = arith.constant 48 : index
        %get3A_422 = tpu.vector_load %arg6[%get3A_420, %get3A_421] {strides = array<i32>} : memref<200x64xf32, #tpu.memory_space<vmem>>, vector<1x16xf32>,
        %get3A_423 = vector.shape_cast %get3A_422 : vector<1x16xf32> to vector<16xf32>
        %add3A_424 = arith.addf %scan3A_395, %get3A_423 : vector<16xf32>
        %add3A_425 = arith.constant 1 : i32
        %add3A_426 = arith.addi %mul3A_397, %add3A_425 : i32
        %get3A_427 = arith.index_cast %add3A_426 : i32 to index
        %get3A_428 = arith.constant 0 : index
        %get3A_429 = tpu.vector_load %arg6[%get3A_427, %get3A_428] {strides = array<i32>} : memref<200x64xf32, #tpu.memory_space<vmem>>, vector<1x16xf32>,
        %get3A_430 = vector.shape_cast %get3A_429 : vector<1x16xf32> to vector<16xf32>
        %add3A_431 = arith.addf %add3A_403, %get3A_430 : vector<16xf32>
        %add3A_432 = arith.constant 1 : i32
        %add3A_433 = arith.addi %mul3A_397, %add3A_432 : i32
        %get3A_434 = arith.index_cast %add3A_433 : i32 to index
        %get3A_435 = arith.constant 16 : index
        %get3A_436 = tpu.vector_load %arg6[%get3A_434, %get3A_435] {strides = array<i32>} : memref<200x64xf32, #tpu.memory_space<vmem>>, vector<1x16xf32>,
        %get3A_437 = vector.shape_cast %get3A_436 : vector<1x16xf32> to vector<16xf32>
        %add3A_438 = arith.addf %add3A_410, %get3A_437 : vector<16xf32>
        %add3A_439 = arith.constant 1 : i32
        %add3A_440 = arith.addi %mul3A_397, %add3A_439 : i32
        %get3A_441 = arith.index_cast %add3A_440 : i32 to index
        %get3A_442 = arith.constant 32 : index
        %get3A_443 = tpu.vector_load %arg6[%get3A_441, %get3A_442] {strides = array<i32>} : memref<200x64xf32, #tpu.memory_space<vmem>>, vector<1x16xf32>,
        %get3A_444 = vector.shape_cast %get3A_443 : vector<1x16xf32> to vector<16xf32>
        %add3A_445 = arith.addf %add3A_417, %get3A_444 : vector<16xf32>
        %add3A_446 = arith.constant 1 : i32
        %add3A_447 = arith.addi %mul3A_397, %add3A_446 : i32
        %get3A_448 = arith.index_cast %add3A_447 : i32 to index
        %get3A_449 = arith.constant 48 : index
        %get3A_450 = tpu.vector_load %arg6[%get3A_448, %get3A_449] {strides = array<i32>} : memref<200x64xf32, #tpu.memory_space<vmem>>, vector<1x16xf32>,
        %get3A_451 = vector.shape_cast %get3A_450 : vector<1x16xf32> to vector<16xf32>
        %add3A_452 = arith.addf %add3A_424, %get3A_451 : vector<16xf32>
        %add3A_453 = arith.constant 2 : i32
        %add3A_454 = arith.addi %mul3A_397, %add3A_453 : i32
        %get3A_455 = arith.index_cast %add3A_454 : i32 to index
        %get3A_456 = arith.constant 0 : index
        %get3A_457 = tpu.vector_load %arg6[%get3A_455, %get3A_456] {strides = array<i32>} : memref<200x64xf32, #tpu.memory_space<vmem>>, vector<1x16xf32>,
        %get3A_458 = vector.shape_cast %get3A_457 : vector<1x16xf32> to vector<16xf32>
        %add3A_459 = arith.addf %add3A_431, %get3A_458 : vector<16xf32>
        %add3A_460 = arith.constant 2 : i32
        %add3A_461 = arith.addi %mul3A_397, %add3A_460 : i32
        %get3A_462 = arith.index_cast %add3A_461 : i32 to index
        %get3A_463 = arith.constant 16 : index
        %get3A_464 = tpu.vector_load %arg6[%get3A_462, %get3A_463] {strides = array<i32>} : memref<200x64xf32, #tpu.memory_space<vmem>>, vector<1x16xf32>,
        %get3A_465 = vector.shape_cast %get3A_464 : vector<1x16xf32> to vector<16xf32>
        %add3A_466 = arith.addf %add3A_438, %get3A_465 : vector<16xf32>
        %add3A_467 = arith.constant 2 : i32
        %add3A_468 = arith.addi %mul3A_397, %add3A_467 : i32
        %get3A_469 = arith.index_cast %add3A_468 : i32 to index
        %get3A_470 = arith.constant 32 : index
        %get3A_471 = tpu.vector_load %arg6[%get3A_469, %get3A_470] {strides = array<i32>} : memref<200x64xf32, #tpu.memory_space<vmem>>, vector<1x16xf32>,
        %get3A_472 = vector.shape_cast %get3A_471 : vector<1x16xf32> to vector<16xf32>
        %add3A_473 = arith.addf %add3A_445, %get3A_472 : vector<16xf32>
        %add3A_474 = arith.constant 2 : i32
        %add3A_475 = arith.addi %mul3A_397, %add3A_474 : i32
        %get3A_476 = arith.index_cast %add3A_475 : i32 to index
        %get3A_477 = arith.constant 48 : index
        %get3A_478 = tpu.vector_load %arg6[%get3A_476, %get3A_477] {strides = array<i32>} : memref<200x64xf32, #tpu.memory_space<vmem>>, vector<1x16xf32>,
        %get3A_479 = vector.shape_cast %get3A_478 : vector<1x16xf32> to vector<16xf32>
        %add3A_480 = arith.addf %add3A_452, %get3A_479 : vector<16xf32>
        %add3A_481 = arith.constant 3 : i32
        %add3A_482 = arith.addi %mul3A_397, %add3A_481 : i32
        %get3A_483 = arith.index_cast %add3A_482 : i32 to index
        %get3A_484 = arith.constant 0 : index
        %get3A_485 = tpu.vector_load %arg6[%get3A_483, %get3A_484] {strides = array<i32>} : memref<200x64xf32, #tpu.memory_space<vmem>>, vector<1x16xf32>,
        %get3A_486 = vector.shape_cast %get3A_485 : vector<1x16xf32> to vector<16xf32>
        %add3A_487 = arith.addf %add3A_459, %get3A_486 : vector<16xf32>
        %add3A_488 = arith.constant 3 : i32
        %add3A_489 = arith.addi %mul3A_397, %add3A_488 : i32
        %get3A_490 = arith.index_cast %add3A_489 : i32 to index
        %get3A_491 = arith.constant 16 : index
        %get3A_492 = tpu.vector_load %arg6[%get3A_490, %get3A_491] {strides = array<i32>} : memref<200x64xf32, #tpu.memory_space<vmem>>, vector<1x16xf32>,
        %get3A_493 = vector.shape_cast %get3A_492 : vector<1x16xf32> to vector<16xf32>
        %add3A_494 = arith.addf %add3A_466, %get3A_493 : vector<16xf32>
        %add3A_495 = arith.constant 3 : i32
        %add3A_496 = arith.addi %mul3A_397, %add3A_495 : i32
        %get3A_497 = arith.index_cast %add3A_496 : i32 to index
        %get3A_498 = arith.constant 32 : index
        %get3A_499 = tpu.vector_load %arg6[%get3A_497, %get3A_498] {strides = array<i32>} : memref<200x64xf32, #tpu.memory_space<vmem>>, vector<1x16xf32>,
        %get3A_500 = vector.shape_cast %get3A_499 : vector<1x16xf32> to vector<16xf32>
        %add3A_501 = arith.addf %add3A_473, %get3A_500 : vector<16xf32>
        %add3A_502 = arith.constant 3 : i32
        %add3A_503 = arith.addi %mul3A_397, %add3A_502 : i32
        %get3A_504 = arith.index_cast %add3A_503 : i32 to index
        %get3A_505 = arith.constant 48 : index
        %get3A_506 = tpu.vector_load %arg6[%get3A_504, %get3A_505] {strides = array<i32>} : memref<200x64xf32, #tpu.memory_space<vmem>>, vector<1x16xf32>,
        %get3A_507 = vector.shape_cast %get3A_506 : vector<1x16xf32> to vector<16xf32>
        %add3A_508 = arith.addf %add3A_480, %get3A_507 : vector<16xf32>
        %add3A_509 = arith.constant 4 : i32
        %add3A_510 = arith.addi %mul3A_397, %add3A_509 : i32
        %get3A_511 = arith.index_cast %add3A_510 : i32 to index
        %get3A_512 = arith.constant 0 : index
        %get3A_513 = tpu.vector_load %arg6[%get3A_511, %get3A_512] {strides = array<i32>} : memref<200x64xf32, #tpu.memory_space<vmem>>, vector<1x16xf32>,
        %get3A_514 = vector.shape_cast %get3A_513 : vector<1x16xf32> to vector<16xf32>
        %add3A_515 = arith.addf %add3A_487, %get3A_514 : vector<16xf32>
        %add3A_516 = arith.constant 4 : i32
        %add3A_517 = arith.addi %mul3A_397, %add3A_516 : i32
        %get3A_518 = arith.index_cast %add3A_517 : i32 to index
        %get3A_519 = arith.constant 16 : index
        %get3A_520 = tpu.vector_load %arg6[%get3A_518, %get3A_519] {strides = array<i32>} : memref<200x64xf32, #tpu.memory_space<vmem>>, vector<1x16xf32>,
        %get3A_521 = vector.shape_cast %get3A_520 : vector<1x16xf32> to vector<16xf32>
        %add3A_522 = arith.addf %add3A_494, %get3A_521 : vector<16xf32>
        %add3A_523 = arith.constant 4 : i32
        %add3A_524 = arith.addi %mul3A_397, %add3A_523 : i32
        %get3A_525 = arith.index_cast %add3A_524 : i32 to index
        %get3A_526 = arith.constant 32 : index
        %get3A_527 = tpu.vector_load %arg6[%get3A_525, %get3A_526] {strides = array<i32>} : memref<200x64xf32, #tpu.memory_space<vmem>>, vector<1x16xf32>,
        %get3A_528 = vector.shape_cast %get3A_527 : vector<1x16xf32> to vector<16xf32>
        %add3A_529 = arith.addf %add3A_501, %get3A_528 : vector<16xf32>
        %add3A_530 = arith.constant 4 : i32
        %add3A_531 = arith.addi %mul3A_397, %add3A_530 : i32
        %get3A_532 = arith.index_cast %add3A_531 : i32 to index
        %get3A_533 = arith.constant 48 : index
        %get3A_534 = tpu.vector_load %arg6[%get3A_532, %get3A_533] {strides = array<i32>} : memref<200x64xf32, #tpu.memory_space<vmem>>, vector<1x16xf32>,
        %get3A_535 = vector.shape_cast %get3A_534 : vector<1x16xf32> to vector<16xf32>
        %add3A_536 = arith.addf %add3A_508, %get3A_535 : vector<16xf32>
        %add3A_537 = arith.constant 5 : i32
        %add3A_538 = arith.addi %mul3A_397, %add3A_537 : i32
        %get3A_539 = arith.index_cast %add3A_538 : i32 to index
        %get3A_540 = arith.constant 0 : index
        %get3A_541 = tpu.vector_load %arg6[%get3A_539, %get3A_540] {strides = array<i32>} : memref<200x64xf32, #tpu.memory_space<vmem>>, vector<1x16xf32>,
        %get3A_542 = vector.shape_cast %get3A_541 : vector<1x16xf32> to vector<16xf32>
        %add3A_543 = arith.addf %add3A_515, %get3A_542 : vector<16xf32>
        %add3A_544 = arith.constant 5 : i32
        %add3A_545 = arith.addi %mul3A_397, %add3A_544 : i32
        %get3A_546 = arith.index_cast %add3A_545 : i32 to index
        %get3A_547 = arith.constant 16 : index
        %get3A_548 = tpu.vector_load %arg6[%get3A_546, %get3A_547] {strides = array<i32>} : memref<200x64xf32, #tpu.memory_space<vmem>>, vector<1x16xf32>,
        %get3A_549 = vector.shape_cast %get3A_548 : vector<1x16xf32> to vector<16xf32>
        %add3A_550 = arith.addf %add3A_522, %get3A_549 : vector<16xf32>
        %add3A_551 = arith.constant 5 : i32
        %add3A_552 = arith.addi %mul3A_397, %add3A_551 : i32
        %get3A_553 = arith.index_cast %add3A_552 : i32 to index
        %get3A_554 = arith.constant 32 : index
        %get3A_555 = tpu.vector_load %arg6[%get3A_553, %get3A_554] {strides = array<i32>} : memref<200x64xf32, #tpu.memory_space<vmem>>, vector<1x16xf32>,
        %get3A_556 = vector.shape_cast %get3A_555 : vector<1x16xf32> to vector<16xf32>
        %add3A_557 = arith.addf %add3A_529, %get3A_556 : vector<16xf32>
        %add3A_558 = arith.constant 5 : i32
        %add3A_559 = arith.addi %mul3A_397, %add3A_558 : i32
        %get3A_560 = arith.index_cast %add3A_559 : i32 to index
        %get3A_561 = arith.constant 48 : index
        %get3A_562 = tpu.vector_load %arg6[%get3A_560, %get3A_561] {strides = array<i32>} : memref<200x64xf32, #tpu.memory_space<vmem>>, vector<1x16xf32>,
        %get3A_563 = vector.shape_cast %get3A_562 : vector<1x16xf32> to vector<16xf32>
        %add3A_564 = arith.addf %add3A_536, %get3A_563 : vector<16xf32>
        %add3A_565 = arith.constant 6 : i32
        %add3A_566 = arith.addi %mul3A_397, %add3A_565 : i32
        %get3A_567 = arith.index_cast %add3A_566 : i32 to index
        %get3A_568 = arith.constant 0 : index
        %get3A_569 = tpu.vector_load %arg6[%get3A_567, %get3A_568] {strides = array<i32>} : memref<200x64xf32, #tpu.memory_space<vmem>>, vector<1x16xf32>,
        %get3A_570 = vector.shape_cast %get3A_569 : vector<1x16xf32> to vector<16xf32>
        %add3A_571 = arith.addf %add3A_543, %get3A_570 : vector<16xf32>
        %add3A_572 = arith.constant 6 : i32
        %add3A_573 = arith.addi %mul3A_397, %add3A_572 : i32
        %get3A_574 = arith.index_cast %add3A_573 : i32 to index
        %get3A_575 = arith.constant 16 : index
        %get3A_576 = tpu.vector_load %arg6[%get3A_574, %get3A_575] {strides = array<i32>} : memref<200x64xf32, #tpu.memory_space<vmem>>, vector<1x16xf32>,
        %get3A_577 = vector.shape_cast %get3A_576 : vector<1x16xf32> to vector<16xf32>
        %add3A_578 = arith.addf %add3A_550, %get3A_577 : vector<16xf32>
        %add3A_579 = arith.constant 6 : i32
        %add3A_580 = arith.addi %mul3A_397, %add3A_579 : i32
        %get3A_581 = arith.index_cast %add3A_580 : i32 to index
        %get3A_582 = arith.constant 32 : index
        %get3A_583 = tpu.vector_load %arg6[%get3A_581, %get3A_582] {strides = array<i32>} : memref<200x64xf32, #tpu.memory_space<vmem>>, vector<1x16xf32>,
        %get3A_584 = vector.shape_cast %get3A_583 : vector<1x16xf32> to vector<16xf32>
        %add3A_585 = arith.addf %add3A_557, %get3A_584 : vector<16xf32>
        %add3A_586 = arith.constant 6 : i32
        %add3A_587 = arith.addi %mul3A_397, %add3A_586 : i32
        %get3A_588 = arith.index_cast %add3A_587 : i32 to index
        %get3A_589 = arith.constant 48 : index
        %get3A_590 = tpu.vector_load %arg6[%get3A_588, %get3A_589] {strides = array<i32>} : memref<200x64xf32, #tpu.memory_space<vmem>>, vector<1x16xf32>,
        %get3A_591 = vector.shape_cast %get3A_590 : vector<1x16xf32> to vector<16xf32>
        %add3A_592 = arith.addf %add3A_564, %get3A_591 : vector<16xf32>
        %add3A_593 = arith.constant 7 : i32
        %add3A_594 = arith.addi %mul3A_397, %add3A_593 : i32
        %get3A_595 = arith.index_cast %add3A_594 : i32 to index
        %get3A_596 = arith.constant 0 : index
        %get3A_597 = tpu.vector_load %arg6[%get3A_595, %get3A_596] {strides = array<i32>} : memref<200x64xf32, #tpu.memory_space<vmem>>, vector<1x16xf32>,
        %get3A_598 = vector.shape_cast %get3A_597 : vector<1x16xf32> to vector<16xf32>
        %add3A_599 = arith.addf %add3A_571, %get3A_598 : vector<16xf32>
        %add3A_600 = arith.constant 7 : i32
        %add3A_601 = arith.addi %mul3A_397, %add3A_600 : i32
        %get3A_602 = arith.index_cast %add3A_601 : i32 to index
        %get3A_603 = arith.constant 16 : index
        %get3A_604 = tpu.vector_load %arg6[%get3A_602, %get3A_603] {strides = array<i32>} : memref<200x64xf32, #tpu.memory_space<vmem>>, vector<1x16xf32>,
        %get3A_605 = vector.shape_cast %get3A_604 : vector<1x16xf32> to vector<16xf32>
        %add3A_606 = arith.addf %add3A_578, %get3A_605 : vector<16xf32>
        %add3A_607 = arith.constant 7 : i32
        %add3A_608 = arith.addi %mul3A_397, %add3A_607 : i32
        %get3A_609 = arith.index_cast %add3A_608 : i32 to index
        %get3A_610 = arith.constant 32 : index
        %get3A_611 = tpu.vector_load %arg6[%get3A_609, %get3A_610] {strides = array<i32>} : memref<200x64xf32, #tpu.memory_space<vmem>>, vector<1x16xf32>,
        %get3A_612 = vector.shape_cast %get3A_611 : vector<1x16xf32> to vector<16xf32>
        %add3A_613 = arith.addf %add3A_585, %get3A_612 : vector<16xf32>
        %add3A_614 = arith.constant 7 : i32
        %add3A_615 = arith.addi %mul3A_397, %add3A_614 : i32
        %get3A_616 = arith.index_cast %add3A_615 : i32 to index
        %get3A_617 = arith.constant 48 : index
        %get3A_618 = tpu.vector_load %arg6[%get3A_616, %get3A_617] {strides = array<i32>} : memref<200x64xf32, #tpu.memory_space<vmem>>, vector<1x16xf32>,
        %get3A_619 = vector.shape_cast %get3A_618 : vector<1x16xf32> to vector<16xf32>
        %add3A_620 = arith.addf %add3A_592, %get3A_619 : vector<16xf32>
        %add3A_621 = arith.constant 8 : i32
        %add3A_622 = arith.addi %mul3A_397, %add3A_621 : i32
        %get3A_623 = arith.index_cast %add3A_622 : i32 to index
        %get3A_624 = arith.constant 0 : index
        %get3A_625 = tpu.vector_load %arg6[%get3A_623, %get3A_624] {strides = array<i32>} : memref<200x64xf32, #tpu.memory_space<vmem>>, vector<1x16xf32>,
        %get3A_626 = vector.shape_cast %get3A_625 : vector<1x16xf32> to vector<16xf32>
        %add3A_627 = arith.addf %add3A_599, %get3A_626 : vector<16xf32>
        %add3A_628 = arith.constant 8 : i32
        %add3A_629 = arith.addi %mul3A_397, %add3A_628 : i32
        %get3A_630 = arith.index_cast %add3A_629 : i32 to index
        %get3A_631 = arith.constant 16 : index
        %get3A_632 = tpu.vector_load %arg6[%get3A_630, %get3A_631] {strides = array<i32>} : memref<200x64xf32, #tpu.memory_space<vmem>>, vector<1x16xf32>,
        %get3A_633 = vector.shape_cast %get3A_632 : vector<1x16xf32> to vector<16xf32>
        %add3A_634 = arith.addf %add3A_606, %get3A_633 : vector<16xf32>
        %add3A_635 = arith.constant 8 : i32
        %add3A_636 = arith.addi %mul3A_397, %add3A_635 : i32
        %get3A_637 = arith.index_cast %add3A_636 : i32 to index
        %get3A_638 = arith.constant 32 : index
        %get3A_639 = tpu.vector_load %arg6[%get3A_637, %get3A_638] {strides = array<i32>} : memref<200x64xf32, #tpu.memory_space<vmem>>, vector<1x16xf32>,
        %get3A_640 = vector.shape_cast %get3A_639 : vector<1x16xf32> to vector<16xf32>
        %add3A_641 = arith.addf %add3A_613, %get3A_640 : vector<16xf32>
        %add3A_642 = arith.constant 8 : i32
        %add3A_643 = arith.addi %mul3A_397, %add3A_642 : i32
        %get3A_644 = arith.index_cast %add3A_643 : i32 to index
        %get3A_645 = arith.constant 48 : index
        %get3A_646 = tpu.vector_load %arg6[%get3A_644, %get3A_645] {strides = array<i32>} : memref<200x64xf32, #tpu.memory_space<vmem>>, vector<1x16xf32>,
        %get3A_647 = vector.shape_cast %get3A_646 : vector<1x16xf32> to vector<16xf32>
        %add3A_648 = arith.addf %add3A_620, %get3A_647 : vector<16xf32>
        %add3A_649 = arith.constant 9 : i32
        %add3A_650 = arith.addi %mul3A_397, %add3A_649 : i32
        %get3A_651 = arith.index_cast %add3A_650 : i32 to index
        %get3A_652 = arith.constant 0 : index
        %get3A_653 = tpu.vector_load %arg6[%get3A_651, %get3A_652] {strides = array<i32>} : memref<200x64xf32, #tpu.memory_space<vmem>>, vector<1x16xf32>,
        %get3A_654 = vector.shape_cast %get3A_653 : vector<1x16xf32> to vector<16xf32>
        %add3A_655 = arith.addf %add3A_627, %get3A_654 : vector<16xf32>
        %add3A_656 = arith.constant 9 : i32
        %add3A_657 = arith.addi %mul3A_397, %add3A_656 : i32
        %get3A_658 = arith.index_cast %add3A_657 : i32 to index
        %get3A_659 = arith.constant 16 : index
        %get3A_660 = tpu.vector_load %arg6[%get3A_658, %get3A_659] {strides = array<i32>} : memref<200x64xf32, #tpu.memory_space<vmem>>, vector<1x16xf32>,
        %get3A_661 = vector.shape_cast %get3A_660 : vector<1x16xf32> to vector<16xf32>
        %add3A_662 = arith.addf %add3A_634, %get3A_661 : vector<16xf32>
        %add3A_663 = arith.constant 9 : i32
        %add3A_664 = arith.addi %mul3A_397, %add3A_663 : i32
        %get3A_665 = arith.index_cast %add3A_664 : i32 to index
        %get3A_666 = arith.constant 32 : index
        %get3A_667 = tpu.vector_load %arg6[%get3A_665, %get3A_666] {strides = array<i32>} : memref<200x64xf32, #tpu.memory_space<vmem>>, vector<1x16xf32>,
        %get3A_668 = vector.shape_cast %get3A_667 : vector<1x16xf32> to vector<16xf32>
        %add3A_669 = arith.addf %add3A_641, %get3A_668 : vector<16xf32>
        %add3A_670 = arith.constant 9 : i32
        %add3A_671 = arith.addi %mul3A_397, %add3A_670 : i32
        %get3A_672 = arith.index_cast %add3A_671 : i32 to index
        %get3A_673 = arith.constant 48 : index
        %get3A_674 = tpu.vector_load %arg6[%get3A_672, %get3A_673] {strides = array<i32>} : memref<200x64xf32, #tpu.memory_space<vmem>>, vector<1x16xf32>,
        %get3A_675 = vector.shape_cast %get3A_674 : vector<1x16xf32> to vector<16xf32>
        %add3A_676 = arith.addf %add3A_648, %get3A_675 : vector<16xf32>
        %add3A_677 = arith.constant 10 : i32
        %add3A_678 = arith.addi %mul3A_397, %add3A_677 : i32
        %get3A_679 = arith.index_cast %add3A_678 : i32 to index
        %get3A_680 = arith.constant 0 : index
        %get3A_681 = tpu.vector_load %arg6[%get3A_679, %get3A_680] {strides = array<i32>} : memref<200x64xf32, #tpu.memory_space<vmem>>, vector<1x16xf32>,
        %get3A_682 = vector.shape_cast %get3A_681 : vector<1x16xf32> to vector<16xf32>
        %add3A_683 = arith.addf %add3A_655, %get3A_682 : vector<16xf32>
        %add3A_684 = arith.constant 10 : i32
        %add3A_685 = arith.addi %mul3A_397, %add3A_684 : i32
        %get3A_686 = arith.index_cast %add3A_685 : i32 to index
        %get3A_687 = arith.constant 16 : index
        %get3A_688 = tpu.vector_load %arg6[%get3A_686, %get3A_687] {strides = array<i32>} : memref<200x64xf32, #tpu.memory_space<vmem>>, vector<1x16xf32>,
        %get3A_689 = vector.shape_cast %get3A_688 : vector<1x16xf32> to vector<16xf32>
        %add3A_690 = arith.addf %add3A_662, %get3A_689 : vector<16xf32>
        %add3A_691 = arith.constant 10 : i32
        %add3A_692 = arith.addi %mul3A_397, %add3A_691 : i32
        %get3A_693 = arith.index_cast %add3A_692 : i32 to index
        %get3A_694 = arith.constant 32 : index
        %get3A_695 = tpu.vector_load %arg6[%get3A_693, %get3A_694] {strides = array<i32>} : memref<200x64xf32, #tpu.memory_space<vmem>>, vector<1x16xf32>,
        %get3A_696 = vector.shape_cast %get3A_695 : vector<1x16xf32> to vector<16xf32>
        %add3A_697 = arith.addf %add3A_669, %get3A_696 : vector<16xf32>
        %add3A_698 = arith.constant 10 : i32
        %add3A_699 = arith.addi %mul3A_397, %add3A_698 : i32
        %get3A_700 = arith.index_cast %add3A_699 : i32 to index
        %get3A_701 = arith.constant 48 : index
        %get3A_702 = tpu.vector_load %arg6[%get3A_700, %get3A_701] {strides = array<i32>} : memref<200x64xf32, #tpu.memory_space<vmem>>, vector<1x16xf32>,
        %get3A_703 = vector.shape_cast %get3A_702 : vector<1x16xf32> to vector<16xf32>
        %add3A_704 = arith.addf %add3A_676, %get3A_703 : vector<16xf32>
        %add3A_705 = arith.constant 11 : i32
        %add3A_706 = arith.addi %mul3A_397, %add3A_705 : i32
        %get3A_707 = arith.index_cast %add3A_706 : i32 to index
        %get3A_708 = arith.constant 0 : index
        %get3A_709 = tpu.vector_load %arg6[%get3A_707, %get3A_708] {strides = array<i32>} : memref<200x64xf32, #tpu.memory_space<vmem>>, vector<1x16xf32>,
        %get3A_710 = vector.shape_cast %get3A_709 : vector<1x16xf32> to vector<16xf32>
        %add3A_711 = arith.addf %add3A_683, %get3A_710 : vector<16xf32>
        %add3A_712 = arith.constant 11 : i32
        %add3A_713 = arith.addi %mul3A_397, %add3A_712 : i32
        %get3A_714 = arith.index_cast %add3A_713 : i32 to index
        %get3A_715 = arith.constant 16 : index
        %get3A_716 = tpu.vector_load %arg6[%get3A_714, %get3A_715] {strides = array<i32>} : memref<200x64xf32, #tpu.memory_space<vmem>>, vector<1x16xf32>,
        %get3A_717 = vector.shape_cast %get3A_716 : vector<1x16xf32> to vector<16xf32>
        %add3A_718 = arith.addf %add3A_690, %get3A_717 : vector<16xf32>
        %add3A_719 = arith.constant 11 : i32
        %add3A_720 = arith.addi %mul3A_397, %add3A_719 : i32
        %get3A_721 = arith.index_cast %add3A_720 : i32 to index
        %get3A_722 = arith.constant 32 : index
        %get3A_723 = tpu.vector_load %arg6[%get3A_721, %get3A_722] {strides = array<i32>} : memref<200x64xf32, #tpu.memory_space<vmem>>, vector<1x16xf32>,
        %get3A_724 = vector.shape_cast %get3A_723 : vector<1x16xf32> to vector<16xf32>
        %add3A_725 = arith.addf %add3A_697, %get3A_724 : vector<16xf32>
        %add3A_726 = arith.constant 11 : i32
        %add3A_727 = arith.addi %mul3A_397, %add3A_726 : i32
        %get3A_728 = arith.index_cast %add3A_727 : i32 to index
        %get3A_729 = arith.constant 48 : index
        %get3A_730 = tpu.vector_load %arg6[%get3A_728, %get3A_729] {strides = array<i32>} : memref<200x64xf32, #tpu.memory_space<vmem>>, vector<1x16xf32>,
        %get3A_731 = vector.shape_cast %get3A_730 : vector<1x16xf32> to vector<16xf32>
        %add3A_732 = arith.addf %add3A_704, %get3A_731 : vector<16xf32>
        %add3A_733 = arith.constant 12 : i32
        %add3A_734 = arith.addi %mul3A_397, %add3A_733 : i32
        %get3A_735 = arith.index_cast %add3A_734 : i32 to index
        %get3A_736 = arith.constant 0 : index
        %get3A_737 = tpu.vector_load %arg6[%get3A_735, %get3A_736] {strides = array<i32>} : memref<200x64xf32, #tpu.memory_space<vmem>>, vector<1x16xf32>,
        %get3A_738 = vector.shape_cast %get3A_737 : vector<1x16xf32> to vector<16xf32>
        %add3A_739 = arith.addf %add3A_711, %get3A_738 : vector<16xf32>
        %add3A_740 = arith.constant 12 : i32
        %add3A_741 = arith.addi %mul3A_397, %add3A_740 : i32
        %get3A_742 = arith.index_cast %add3A_741 : i32 to index
        %get3A_743 = arith.constant 16 : index
        %get3A_744 = tpu.vector_load %arg6[%get3A_742, %get3A_743] {strides = array<i32>} : memref<200x64xf32, #tpu.memory_space<vmem>>, vector<1x16xf32>,
        %get3A_745 = vector.shape_cast %get3A_744 : vector<1x16xf32> to vector<16xf32>
        %add3A_746 = arith.addf %add3A_718, %get3A_745 : vector<16xf32>
        %add3A_747 = arith.constant 12 : i32
        %add3A_748 = arith.addi %mul3A_397, %add3A_747 : i32
        %get3A_749 = arith.index_cast %add3A_748 : i32 to index
        %get3A_750 = arith.constant 32 : index
        %get3A_751 = tpu.vector_load %arg6[%get3A_749, %get3A_750] {strides = array<i32>} : memref<200x64xf32, #tpu.memory_space<vmem>>, vector<1x16xf32>,
        %get3A_752 = vector.shape_cast %get3A_751 : vector<1x16xf32> to vector<16xf32>
        %add3A_753 = arith.addf %add3A_725, %get3A_752 : vector<16xf32>
        %add3A_754 = arith.constant 12 : i32
        %add3A_755 = arith.addi %mul3A_397, %add3A_754 : i32
        %get3A_756 = arith.index_cast %add3A_755 : i32 to index
        %get3A_757 = arith.constant 48 : index
        %get3A_758 = tpu.vector_load %arg6[%get3A_756, %get3A_757] {strides = array<i32>} : memref<200x64xf32, #tpu.memory_space<vmem>>, vector<1x16xf32>,
        %get3A_759 = vector.shape_cast %get3A_758 : vector<1x16xf32> to vector<16xf32>
        %add3A_760 = arith.addf %add3A_732, %get3A_759 : vector<16xf32>
        %add3A_761 = arith.constant 13 : i32
        %add3A_762 = arith.addi %mul3A_397, %add3A_761 : i32
        %get3A_763 = arith.index_cast %add3A_762 : i32 to index
        %get3A_764 = arith.constant 0 : index
        %get3A_765 = tpu.vector_load %arg6[%get3A_763, %get3A_764] {strides = array<i32>} : memref<200x64xf32, #tpu.memory_space<vmem>>, vector<1x16xf32>,
        %get3A_766 = vector.shape_cast %get3A_765 : vector<1x16xf32> to vector<16xf32>
        %add3A_767 = arith.addf %add3A_739, %get3A_766 : vector<16xf32>
        %add3A_768 = arith.constant 13 : i32
        %add3A_769 = arith.addi %mul3A_397, %add3A_768 : i32
        %get3A_770 = arith.index_cast %add3A_769 : i32 to index
        %get3A_771 = arith.constant 16 : index
        %get3A_772 = tpu.vector_load %arg6[%get3A_770, %get3A_771] {strides = array<i32>} : memref<200x64xf32, #tpu.memory_space<vmem>>, vector<1x16xf32>,
        %get3A_773 = vector.shape_cast %get3A_772 : vector<1x16xf32> to vector<16xf32>
        %add3A_774 = arith.addf %add3A_746, %get3A_773 : vector<16xf32>
        %add3A_775 = arith.constant 13 : i32
        %add3A_776 = arith.addi %mul3A_397, %add3A_775 : i32
        %get3A_777 = arith.index_cast %add3A_776 : i32 to index
        %get3A_778 = arith.constant 32 : index
        %get3A_779 = tpu.vector_load %arg6[%get3A_777, %get3A_778] {strides = array<i32>} : memref<200x64xf32, #tpu.memory_space<vmem>>, vector<1x16xf32>,
        %get3A_780 = vector.shape_cast %get3A_779 : vector<1x16xf32> to vector<16xf32>
        %add3A_781 = arith.addf %add3A_753, %get3A_780 : vector<16xf32>
        %add3A_782 = arith.constant 13 : i32
        %add3A_783 = arith.addi %mul3A_397, %add3A_782 : i32
        %get3A_784 = arith.index_cast %add3A_783 : i32 to index
        %get3A_785 = arith.constant 48 : index
        %get3A_786 = tpu.vector_load %arg6[%get3A_784, %get3A_785] {strides = array<i32>} : memref<200x64xf32, #tpu.memory_space<vmem>>, vector<1x16xf32>,
        %get3A_787 = vector.shape_cast %get3A_786 : vector<1x16xf32> to vector<16xf32>
        %add3A_788 = arith.addf %add3A_760, %get3A_787 : vector<16xf32>
        %add3A_789 = arith.constant 14 : i32
        %add3A_790 = arith.addi %mul3A_397, %add3A_789 : i32
        %get3A_791 = arith.index_cast %add3A_790 : i32 to index
        %get3A_792 = arith.constant 0 : index
        %get3A_793 = tpu.vector_load %arg6[%get3A_791, %get3A_792] {strides = array<i32>} : memref<200x64xf32, #tpu.memory_space<vmem>>, vector<1x16xf32>,
        %get3A_794 = vector.shape_cast %get3A_793 : vector<1x16xf32> to vector<16xf32>
        %add3A_795 = arith.addf %add3A_767, %get3A_794 : vector<16xf32>
        %add3A_796 = arith.constant 14 : i32
        %add3A_797 = arith.addi %mul3A_397, %add3A_796 : i32
        %get3A_798 = arith.index_cast %add3A_797 : i32 to index
        %get3A_799 = arith.constant 16 : index
        %get3A_800 = tpu.vector_load %arg6[%get3A_798, %get3A_799] {strides = array<i32>} : memref<200x64xf32, #tpu.memory_space<vmem>>, vector<1x16xf32>,
        %get3A_801 = vector.shape_cast %get3A_800 : vector<1x16xf32> to vector<16xf32>
        %add3A_802 = arith.addf %add3A_774, %get3A_801 : vector<16xf32>
        %add3A_803 = arith.constant 14 : i32
        %add3A_804 = arith.addi %mul3A_397, %add3A_803 : i32
        %get3A_805 = arith.index_cast %add3A_804 : i32 to index
        %get3A_806 = arith.constant 32 : index
        %get3A_807 = tpu.vector_load %arg6[%get3A_805, %get3A_806] {strides = array<i32>} : memref<200x64xf32, #tpu.memory_space<vmem>>, vector<1x16xf32>,
        %get3A_808 = vector.shape_cast %get3A_807 : vector<1x16xf32> to vector<16xf32>
        %add3A_809 = arith.addf %add3A_781, %get3A_808 : vector<16xf32>
        %add3A_810 = arith.constant 14 : i32
        %add3A_811 = arith.addi %mul3A_397, %add3A_810 : i32
        %get3A_812 = arith.index_cast %add3A_811 : i32 to index
        %get3A_813 = arith.constant 48 : index
        %get3A_814 = tpu.vector_load %arg6[%get3A_812, %get3A_813] {strides = array<i32>} : memref<200x64xf32, #tpu.memory_space<vmem>>, vector<1x16xf32>,
        %get3A_815 = vector.shape_cast %get3A_814 : vector<1x16xf32> to vector<16xf32>
        %add3A_816 = arith.addf %add3A_788, %get3A_815 : vector<16xf32>
        %add3A_817 = arith.constant 15 : i32
        %add3A_818 = arith.addi %mul3A_397, %add3A_817 : i32
        %get3A_819 = arith.index_cast %add3A_818 : i32 to index
        %get3A_820 = arith.constant 0 : index
        %get3A_821 = tpu.vector_load %arg6[%get3A_819, %get3A_820] {strides = array<i32>} : memref<200x64xf32, #tpu.memory_space<vmem>>, vector<1x16xf32>,
        %get3A_822 = vector.shape_cast %get3A_821 : vector<1x16xf32> to vector<16xf32>
        %add3A_823 = arith.addf %add3A_795, %get3A_822 : vector<16xf32>
        %add3A_824 = arith.constant 15 : i32
        %add3A_825 = arith.addi %mul3A_397, %add3A_824 : i32
        %get3A_826 = arith.index_cast %add3A_825 : i32 to index
        %get3A_827 = arith.constant 16 : index
        %get3A_828 = tpu.vector_load %arg6[%get3A_826, %get3A_827] {strides = array<i32>} : memref<200x64xf32, #tpu.memory_space<vmem>>, vector<1x16xf32>,
        %get3A_829 = vector.shape_cast %get3A_828 : vector<1x16xf32> to vector<16xf32>
        %add3A_830 = arith.addf %add3A_802, %get3A_829 : vector<16xf32>
        %add3A_831 = arith.constant 15 : i32
        %add3A_832 = arith.addi %mul3A_397, %add3A_831 : i32
        %get3A_833 = arith.index_cast %add3A_832 : i32 to index
        %get3A_834 = arith.constant 32 : index
        %get3A_835 = tpu.vector_load %arg6[%get3A_833, %get3A_834] {strides = array<i32>} : memref<200x64xf32, #tpu.memory_space<vmem>>, vector<1x16xf32>,
        %get3A_836 = vector.shape_cast %get3A_835 : vector<1x16xf32> to vector<16xf32>
        %add3A_837 = arith.addf %add3A_809, %get3A_836 : vector<16xf32>
        %add3A_838 = arith.constant 15 : i32
        %add3A_839 = arith.addi %mul3A_397, %add3A_838 : i32
        %get3A_840 = arith.index_cast %add3A_839 : i32 to index
        %get3A_841 = arith.constant 48 : index
        %get3A_842 = tpu.vector_load %arg6[%get3A_840, %get3A_841] {strides = array<i32>} : memref<200x64xf32, #tpu.memory_space<vmem>>, vector<1x16xf32>,
        %get3A_843 = vector.shape_cast %get3A_842 : vector<1x16xf32> to vector<16xf32>
        %add3A_844 = arith.addf %add3A_816, %get3A_843 : vector<16xf32>
        %add3A_845 = arith.constant 16 : i32
        %add3A_846 = arith.addi %mul3A_397, %add3A_845 : i32
        %get3A_847 = arith.index_cast %add3A_846 : i32 to index
        %get3A_848 = arith.constant 0 : index
        %get3A_849 = tpu.vector_load %arg6[%get3A_847, %get3A_848] {strides = array<i32>} : memref<200x64xf32, #tpu.memory_space<vmem>>, vector<1x16xf32>,
        %get3A_850 = vector.shape_cast %get3A_849 : vector<1x16xf32> to vector<16xf32>
        %add3A_851 = arith.addf %add3A_823, %get3A_850 : vector<16xf32>
        %add3A_852 = arith.constant 16 : i32
        %add3A_853 = arith.addi %mul3A_397, %add3A_852 : i32
        %get3A_854 = arith.index_cast %add3A_853 : i32 to index
        %get3A_855 = arith.constant 16 : index
        %get3A_856 = tpu.vector_load %arg6[%get3A_854, %get3A_855] {strides = array<i32>} : memref<200x64xf32, #tpu.memory_space<vmem>>, vector<1x16xf32>,
        %get3A_857 = vector.shape_cast %get3A_856 : vector<1x16xf32> to vector<16xf32>
        %add3A_858 = arith.addf %add3A_830, %get3A_857 : vector<16xf32>
        %add3A_859 = arith.constant 16 : i32
        %add3A_860 = arith.addi %mul3A_397, %add3A_859 : i32
        %get3A_861 = arith.index_cast %add3A_860 : i32 to index
        %get3A_862 = arith.constant 32 : index
        %get3A_863 = tpu.vector_load %arg6[%get3A_861, %get3A_862] {strides = array<i32>} : memref<200x64xf32, #tpu.memory_space<vmem>>, vector<1x16xf32>,
        %get3A_864 = vector.shape_cast %get3A_863 : vector<1x16xf32> to vector<16xf32>
        %add3A_865 = arith.addf %add3A_837, %get3A_864 : vector<16xf32>
        %add3A_866 = arith.constant 16 : i32
        %add3A_867 = arith.addi %mul3A_397, %add3A_866 : i32
        %get3A_868 = arith.index_cast %add3A_867 : i32 to index
        %get3A_869 = arith.constant 48 : index
        %get3A_870 = tpu.vector_load %arg6[%get3A_868, %get3A_869] {strides = array<i32>} : memref<200x64xf32, #tpu.memory_space<vmem>>, vector<1x16xf32>,
        %get3A_871 = vector.shape_cast %get3A_870 : vector<1x16xf32> to vector<16xf32>
        %add3A_872 = arith.addf %add3A_844, %get3A_871 : vector<16xf32>
        %add3A_873 = arith.constant 17 : i32
        %add3A_874 = arith.addi %mul3A_397, %add3A_873 : i32
        %get3A_875 = arith.index_cast %add3A_874 : i32 to index
        %get3A_876 = arith.constant 0 : index
        %get3A_877 = tpu.vector_load %arg6[%get3A_875, %get3A_876] {strides = array<i32>} : memref<200x64xf32, #tpu.memory_space<vmem>>, vector<1x16xf32>,
        %get3A_878 = vector.shape_cast %get3A_877 : vector<1x16xf32> to vector<16xf32>
        %add3A_879 = arith.addf %add3A_851, %get3A_878 : vector<16xf32>
        %add3A_880 = arith.constant 17 : i32
        %add3A_881 = arith.addi %mul3A_397, %add3A_880 : i32
        %get3A_882 = arith.index_cast %add3A_881 : i32 to index
        %get3A_883 = arith.constant 16 : index
        %get3A_884 = tpu.vector_load %arg6[%get3A_882, %get3A_883] {strides = array<i32>} : memref<200x64xf32, #tpu.memory_space<vmem>>, vector<1x16xf32>,
        %get3A_885 = vector.shape_cast %get3A_884 : vector<1x16xf32> to vector<16xf32>
        %add3A_886 = arith.addf %add3A_858, %get3A_885 : vector<16xf32>
        %add3A_887 = arith.constant 17 : i32
        %add3A_888 = arith.addi %mul3A_397, %add3A_887 : i32
        %get3A_889 = arith.index_cast %add3A_888 : i32 to index
        %get3A_890 = arith.constant 32 : index
        %get3A_891 = tpu.vector_load %arg6[%get3A_889, %get3A_890] {strides = array<i32>} : memref<200x64xf32, #tpu.memory_space<vmem>>, vector<1x16xf32>,
        %get3A_892 = vector.shape_cast %get3A_891 : vector<1x16xf32> to vector<16xf32>
        %add3A_893 = arith.addf %add3A_865, %get3A_892 : vector<16xf32>
        %add3A_894 = arith.constant 17 : i32
        %add3A_895 = arith.addi %mul3A_397, %add3A_894 : i32
        %get3A_896 = arith.index_cast %add3A_895 : i32 to index
        %get3A_897 = arith.constant 48 : index
        %get3A_898 = tpu.vector_load %arg6[%get3A_896, %get3A_897] {strides = array<i32>} : memref<200x64xf32, #tpu.memory_space<vmem>>, vector<1x16xf32>,
        %get3A_899 = vector.shape_cast %get3A_898 : vector<1x16xf32> to vector<16xf32>
        %add3A_900 = arith.addf %add3A_872, %get3A_899 : vector<16xf32>
        %add3A_901 = arith.constant 18 : i32
        %add3A_902 = arith.addi %mul3A_397, %add3A_901 : i32
        %get3A_903 = arith.index_cast %add3A_902 : i32 to index
        %get3A_904 = arith.constant 0 : index
        %get3A_905 = tpu.vector_load %arg6[%get3A_903, %get3A_904] {strides = array<i32>} : memref<200x64xf32, #tpu.memory_space<vmem>>, vector<1x16xf32>,
        %get3A_906 = vector.shape_cast %get3A_905 : vector<1x16xf32> to vector<16xf32>
        %add3A_907 = arith.addf %add3A_879, %get3A_906 : vector<16xf32>
        %add3A_908 = arith.constant 18 : i32
        %add3A_909 = arith.addi %mul3A_397, %add3A_908 : i32
        %get3A_910 = arith.index_cast %add3A_909 : i32 to index
        %get3A_911 = arith.constant 16 : index
        %get3A_912 = tpu.vector_load %arg6[%get3A_910, %get3A_911] {strides = array<i32>} : memref<200x64xf32, #tpu.memory_space<vmem>>, vector<1x16xf32>,
        %get3A_913 = vector.shape_cast %get3A_912 : vector<1x16xf32> to vector<16xf32>
        %add3A_914 = arith.addf %add3A_886, %get3A_913 : vector<16xf32>
        %add3A_915 = arith.constant 18 : i32
        %add3A_916 = arith.addi %mul3A_397, %add3A_915 : i32
        %get3A_917 = arith.index_cast %add3A_916 : i32 to index
        %get3A_918 = arith.constant 32 : index
        %get3A_919 = tpu.vector_load %arg6[%get3A_917, %get3A_918] {strides = array<i32>} : memref<200x64xf32, #tpu.memory_space<vmem>>, vector<1x16xf32>,
        %get3A_920 = vector.shape_cast %get3A_919 : vector<1x16xf32> to vector<16xf32>
        %add3A_921 = arith.addf %add3A_893, %get3A_920 : vector<16xf32>
        %add3A_922 = arith.constant 18 : i32
        %add3A_923 = arith.addi %mul3A_397, %add3A_922 : i32
        %get3A_924 = arith.index_cast %add3A_923 : i32 to index
        %get3A_925 = arith.constant 48 : index
        %get3A_926 = tpu.vector_load %arg6[%get3A_924, %get3A_925] {strides = array<i32>} : memref<200x64xf32, #tpu.memory_space<vmem>>, vector<1x16xf32>,
        %get3A_927 = vector.shape_cast %get3A_926 : vector<1x16xf32> to vector<16xf32>
        %add3A_928 = arith.addf %add3A_900, %get3A_927 : vector<16xf32>
        %add3A_929 = arith.constant 19 : i32
        %add3A_930 = arith.addi %mul3A_397, %add3A_929 : i32
        %get3A_931 = arith.index_cast %add3A_930 : i32 to index
        %get3A_932 = arith.constant 0 : index
        %get3A_933 = tpu.vector_load %arg6[%get3A_931, %get3A_932] {strides = array<i32>} : memref<200x64xf32, #tpu.memory_space<vmem>>, vector<1x16xf32>,
        %get3A_934 = vector.shape_cast %get3A_933 : vector<1x16xf32> to vector<16xf32>
        %add3A_935 = arith.addf %add3A_907, %get3A_934 : vector<16xf32>
        %add3A_936 = arith.constant 19 : i32
        %add3A_937 = arith.addi %mul3A_397, %add3A_936 : i32
        %get3A_938 = arith.index_cast %add3A_937 : i32 to index
        %get3A_939 = arith.constant 16 : index
        %get3A_940 = tpu.vector_load %arg6[%get3A_938, %get3A_939] {strides = array<i32>} : memref<200x64xf32, #tpu.memory_space<vmem>>, vector<1x16xf32>,
        %get3A_941 = vector.shape_cast %get3A_940 : vector<1x16xf32> to vector<16xf32>
        %add3A_942 = arith.addf %add3A_914, %get3A_941 : vector<16xf32>
        %add3A_943 = arith.constant 19 : i32
        %add3A_944 = arith.addi %mul3A_397, %add3A_943 : i32
        %get3A_945 = arith.index_cast %add3A_944 : i32 to index
        %get3A_946 = arith.constant 32 : index
        %get3A_947 = tpu.vector_load %arg6[%get3A_945, %get3A_946] {strides = array<i32>} : memref<200x64xf32, #tpu.memory_space<vmem>>, vector<1x16xf32>,
        %get3A_948 = vector.shape_cast %get3A_947 : vector<1x16xf32> to vector<16xf32>
        %add3A_949 = arith.addf %add3A_921, %get3A_948 : vector<16xf32>
        %add3A_950 = arith.constant 19 : i32
        %add3A_951 = arith.addi %mul3A_397, %add3A_950 : i32
        %get3A_952 = arith.index_cast %add3A_951 : i32 to index
        %get3A_953 = arith.constant 48 : index
        %get3A_954 = tpu.vector_load %arg6[%get3A_952, %get3A_953] {strides = array<i32>} : memref<200x64xf32, #tpu.memory_space<vmem>>, vector<1x16xf32>,
        %get3A_955 = vector.shape_cast %get3A_954 : vector<1x16xf32> to vector<16xf32>
        %add3A_956 = arith.addf %add3A_928, %get3A_955 : vector<16xf32>
        scf.yield %add3A_935, %add3A_942, %add3A_949, %add3A_956 : vector<16xf32>, vector<16xf32>, vector<16xf32>, vector<16xf32>
      }
      %scan3A_182 = arith.constant 10 : i32
      %mul3A_183 = arith.constant 5.000000e-03 : f32
      %mul3A_184 = vector.broadcast %mul3A_183 : f32 to vector<16xf32>
      %mul3A_185 = arith.mulf %scan3A_181#0, %mul3A_184 : vector<16xf32>
      %swap3A = arith.index_cast %add3A_175 : i32 to index
      %swap3A_186 = arith.constant 0 : index
      %swap3A_187 = tpu.vector_load %arg10[%swap3A, %swap3A_186] {strides = array<i32>} : memref<128x64xf32, #tpu.memory_space<vmem>>, vector<1x16xf32>,
      %swap3A_188 = vector.shape_cast %swap3A_187 : vector<1x16xf32> to vector<16xf32>
      %swap3A_189 = vector.shape_cast %mul3A_185 : vector<16xf32> to vector<1x16xf32>
      tpu.vector_store %arg10[%swap3A, %swap3A_186], %swap3A_189 {strides = array<i32>} : memref<128x64xf32, #tpu.memory_space<vmem>>, vector<1x16xf32>,
      %mul3A_190 = arith.constant 5.000000e-03 : f32
      %mul3A_191 = vector.broadcast %mul3A_190 : f32 to vector<16xf32>
      %mul3A_192 = arith.mulf %scan3A_181#1, %mul3A_191 : vector<16xf32>
      %swap3A_193 = arith.index_cast %add3A_175 : i32 to index
      %swap3A_194 = arith.constant 16 : index
      %swap3A_195 = tpu.vector_load %arg10[%swap3A_193, %swap3A_194] {strides = array<i32>} : memref<128x64xf32, #tpu.memory_space<vmem>>, vector<1x16xf32>,
      %swap3A_196 = vector.shape_cast %swap3A_195 : vector<1x16xf32> to vector<16xf32>
      %swap3A_197 = vector.shape_cast %mul3A_192 : vector<16xf32> to vector<1x16xf32>
      tpu.vector_store %arg10[%swap3A_193, %swap3A_194], %swap3A_197 {strides = array<i32>} : memref<128x64xf32, #tpu.memory_space<vmem>>, vector<1x16xf32>,
      %mul3A_198 = arith.constant 5.000000e-03 : f32
      %mul3A_199 = vector.broadcast %mul3A_198 : f32 to vector<16xf32>
      %mul3A_200 = arith.mulf %scan3A_181#2, %mul3A_199 : vector<16xf32>
      %swap3A_201 = arith.index_cast %add3A_175 : i32 to index
      %swap3A_202 = arith.constant 32 : index
      %swap3A_203 = tpu.vector_load %arg10[%swap3A_201, %swap3A_202] {strides = array<i32>} : memref<128x64xf32, #tpu.memory_space<vmem>>, vector<1x16xf32>,
      %swap3A_204 = vector.shape_cast %swap3A_203 : vector<1x16xf32> to vector<16xf32>
      %swap3A_205 = vector.shape_cast %mul3A_200 : vector<16xf32> to vector<1x16xf32>
      tpu.vector_store %arg10[%swap3A_201, %swap3A_202], %swap3A_205 {strides = array<i32>} : memref<128x64xf32, #tpu.memory_space<vmem>>, vector<1x16xf32>,
      %mul3A_206 = arith.constant 5.000000e-03 : f32
      %mul3A_207 = vector.broadcast %mul3A_206 : f32 to vector<16xf32>
      %mul3A_208 = arith.mulf %scan3A_181#3, %mul3A_207 : vector<16xf32>
      %swap3A_209 = arith.index_cast %add3A_175 : i32 to index
      %swap3A_210 = arith.constant 48 : index
      %swap3A_211 = tpu.vector_load %arg10[%swap3A_209, %swap3A_210] {strides = array<i32>} : memref<128x64xf32, #tpu.memory_space<vmem>>, vector<1x16xf32>,
      %swap3A_212 = vector.shape_cast %swap3A_211 : vector<1x16xf32> to vector<16xf32>
      %swap3A_213 = vector.shape_cast %mul3A_208 : vector<16xf32> to vector<1x16xf32>
      tpu.vector_store %arg10[%swap3A_209, %swap3A_210], %swap3A_213 {strides = array<i32>} : memref<128x64xf32, #tpu.memory_space<vmem>>, vector<1x16xf32>,
      %add3A_214 = arith.constant 1 : i32
      %add3A_215 = arith.addi %mul3A_161, %add3A_214 : i32
      %add3A_216 = arith.constant 4 : i32
      %add3A_217 = arith.addi %add3A_215, %add3A_216 : i32
      %sub3A_218 = arith.constant 1 : i32
      %sub3A_219 = arith.subi %add3A_217, %sub3A_218 : i32
      %lt3A_220 = arith.constant 128 : i32
      %lt3A_221 = arith.cmpi slt, %sub3A_219, %lt3A_220 : i32
      %convert_element_type3A_222 = arith.extui %lt3A_221 : i1 to i32
      %cond3A_223 = arith.constant 0 : i32
      %cond3A_224 = arith.cmpi ne, %convert_element_type3A_222, %cond3A_223 : i32
      scf.if %cond3A_224 {
        %mul3A_391 = arith.constant 5 : i32
        %mul3A_392 = arith.muli %mul3A_391, %sub3A_219 : i32
        %add3A_393 = arith.constant 0 : i32
        %add3A_394 = arith.addi %mul3A_392, %add3A_393 : i32
        %dma_start3A_395 = arith.constant 0 : i32
        %dma_start3A_396 = arith.constant 0 : i32
        %dma_start3A_397 = tpu.memref_slice %arg6[%dma_start3A_395, %dma_start3A_396] : memref<200x64xf32, #tpu.memory_space<vmem>> -> memref<40x64xf32, #tpu.memory_space<vmem>>
        %dma_start3A_398 = arith.constant 0 : i32
        %dma_start3A_399 = tpu.memref_slice %arg5[%add3A_394, %dma_start3A_398] : memref<640x40xi32, #tpu.memory_space<vmem>> -> memref<1x40xi32, #tpu.memory_space<vmem>>
        %dma_start3A_400 = tpu.memref_squeeze %dma_start3A_399 : memref<1x40xi32, #tpu.memory_space<vmem>> -> memref<40xi32, #tpu.memory_space<vmem>>
        %dma_start3A_401 = arith.constant 0 : i32
        %dma_start3A_402 = arith.constant 0 : i32
        %dma_start3A_403 = tpu.memref_slice %arg3[%dma_start3A_401, %dma_start3A_402] : memref<1000000x64xf32, #tpu.memory_space<hbm>> -> memref<1000000x64xf32, #tpu.memory_space<hbm>>
        tpu.enqueue_indirect_dma source(%dma_start3A_403 : memref<1000000x64xf32, #tpu.memory_space<hbm>>) target(%dma_start3A_397 : memref<40x64xf32, #tpu.memory_space<vmem>>) offsets(%dma_start3A_400 : memref<40xi32, #tpu.memory_space<vmem>>) semaphore(%arg11 : memref<!tpu.dma_semaphore, #tpu.memory_space<semaphore_mem>>)
        %mul3A_404 = arith.constant 5 : i32
        %mul3A_405 = arith.muli %mul3A_404, %sub3A_219 : i32
        %add3A_406 = arith.constant 1 : i32
        %add3A_407 = arith.addi %mul3A_405, %add3A_406 : i32
        %dma_start3A_408 = arith.constant 40 : i32
        %dma_start3A_409 = arith.constant 0 : i32
        %dma_start3A_410 = tpu.memref_slice %arg6[%dma_start3A_408, %dma_start3A_409] : memref<200x64xf32, #tpu.memory_space<vmem>> -> memref<40x64xf32, #tpu.memory_space<vmem>>
        %dma_start3A_411 = arith.constant 0 : i32
        %dma_start3A_412 = tpu.memref_slice %arg5[%add3A_407, %dma_start3A_411] : memref<640x40xi32, #tpu.memory_space<vmem>> -> memref<1x40xi32, #tpu.memory_space<vmem>>
        %dma_start3A_413 = tpu.memref_squeeze %dma_start3A_412 : memref<1x40xi32, #tpu.memory_space<vmem>> -> memref<40xi32, #tpu.memory_space<vmem>>
        %dma_start3A_414 = arith.constant 0 : i32
        %dma_start3A_415 = arith.constant 0 : i32
        %dma_start3A_416 = tpu.memref_slice %arg3[%dma_start3A_414, %dma_start3A_415] : memref<1000000x64xf32, #tpu.memory_space<hbm>> -> memref<1000000x64xf32, #tpu.memory_space<hbm>>
        tpu.enqueue_indirect_dma source(%dma_start3A_416 : memref<1000000x64xf32, #tpu.memory_space<hbm>>) target(%dma_start3A_410 : memref<40x64xf32, #tpu.memory_space<vmem>>) offsets(%dma_start3A_413 : memref<40xi32, #tpu.memory_space<vmem>>) semaphore(%arg11 : memref<!tpu.dma_semaphore, #tpu.memory_space<semaphore_mem>>)
        %mul3A_417 = arith.constant 5 : i32
        %mul3A_418 = arith.muli %mul3A_417, %sub3A_219 : i32
        %add3A_419 = arith.constant 2 : i32
        %add3A_420 = arith.addi %mul3A_418, %add3A_419 : i32
        %dma_start3A_421 = arith.constant 80 : i32
        %dma_start3A_422 = arith.constant 0 : i32
        %dma_start3A_423 = tpu.memref_slice %arg6[%dma_start3A_421, %dma_start3A_422] : memref<200x64xf32, #tpu.memory_space<vmem>> -> memref<40x64xf32, #tpu.memory_space<vmem>>
        %dma_start3A_424 = arith.constant 0 : i32
        %dma_start3A_425 = tpu.memref_slice %arg5[%add3A_420, %dma_start3A_424] : memref<640x40xi32, #tpu.memory_space<vmem>> -> memref<1x40xi32, #tpu.memory_space<vmem>>
        %dma_start3A_426 = tpu.memref_squeeze %dma_start3A_425 : memref<1x40xi32, #tpu.memory_space<vmem>> -> memref<40xi32, #tpu.memory_space<vmem>>
        %dma_start3A_427 = arith.constant 0 : i32
        %dma_start3A_428 = arith.constant 0 : i32
        %dma_start3A_429 = tpu.memref_slice %arg3[%dma_start3A_427, %dma_start3A_428] : memref<1000000x64xf32, #tpu.memory_space<hbm>> -> memref<1000000x64xf32, #tpu.memory_space<hbm>>
        tpu.enqueue_indirect_dma source(%dma_start3A_429 : memref<1000000x64xf32, #tpu.memory_space<hbm>>) target(%dma_start3A_423 : memref<40x64xf32, #tpu.memory_space<vmem>>) offsets(%dma_start3A_426 : memref<40xi32, #tpu.memory_space<vmem>>) semaphore(%arg11 : memref<!tpu.dma_semaphore, #tpu.memory_space<semaphore_mem>>)
        %mul3A_430 = arith.constant 5 : i32
        %mul3A_431 = arith.muli %mul3A_430, %sub3A_219 : i32
        %add3A_432 = arith.constant 3 : i32
        %add3A_433 = arith.addi %mul3A_431, %add3A_432 : i32
        %dma_start3A_434 = arith.constant 120 : i32
        %dma_start3A_435 = arith.constant 0 : i32
        %dma_start3A_436 = tpu.memref_slice %arg6[%dma_start3A_434, %dma_start3A_435] : memref<200x64xf32, #tpu.memory_space<vmem>> -> memref<40x64xf32, #tpu.memory_space<vmem>>
        %dma_start3A_437 = arith.constant 0 : i32
        %dma_start3A_438 = tpu.memref_slice %arg5[%add3A_433, %dma_start3A_437] : memref<640x40xi32, #tpu.memory_space<vmem>> -> memref<1x40xi32, #tpu.memory_space<vmem>>
        %dma_start3A_439 = tpu.memref_squeeze %dma_start3A_438 : memref<1x40xi32, #tpu.memory_space<vmem>> -> memref<40xi32, #tpu.memory_space<vmem>>
        %dma_start3A_440 = arith.constant 0 : i32
        %dma_start3A_441 = arith.constant 0 : i32
        %dma_start3A_442 = tpu.memref_slice %arg3[%dma_start3A_440, %dma_start3A_441] : memref<1000000x64xf32, #tpu.memory_space<hbm>> -> memref<1000000x64xf32, #tpu.memory_space<hbm>>
        tpu.enqueue_indirect_dma source(%dma_start3A_442 : memref<1000000x64xf32, #tpu.memory_space<hbm>>) target(%dma_start3A_436 : memref<40x64xf32, #tpu.memory_space<vmem>>) offsets(%dma_start3A_439 : memref<40xi32, #tpu.memory_space<vmem>>) semaphore(%arg11 : memref<!tpu.dma_semaphore, #tpu.memory_space<semaphore_mem>>)
        %mul3A_443 = arith.constant 5 : i32
        %mul3A_444 = arith.muli %mul3A_443, %sub3A_219 : i32
        %add3A_445 = arith.constant 4 : i32
        %add3A_446 = arith.addi %mul3A_444, %add3A_445 : i32
        %dma_start3A_447 = arith.constant 160 : i32
        %dma_start3A_448 = arith.constant 0 : i32
        %dma_start3A_449 = tpu.memref_slice %arg6[%dma_start3A_447, %dma_start3A_448] : memref<200x64xf32, #tpu.memory_space<vmem>> -> memref<40x64xf32, #tpu.memory_space<vmem>>
        %dma_start3A_450 = arith.constant 0 : i32
        %dma_start3A_451 = tpu.memref_slice %arg5[%add3A_446, %dma_start3A_450] : memref<640x40xi32, #tpu.memory_space<vmem>> -> memref<1x40xi32, #tpu.memory_space<vmem>>
        %dma_start3A_452 = tpu.memref_squeeze %dma_start3A_451 : memref<1x40xi32, #tpu.memory_space<vmem>> -> memref<40xi32, #tpu.memory_space<vmem>>
        %dma_start3A_453 = arith.constant 0 : i32
        %dma_start3A_454 = arith.constant 0 : i32
        %dma_start3A_455 = tpu.memref_slice %arg3[%dma_start3A_453, %dma_start3A_454] : memref<1000000x64xf32, #tpu.memory_space<hbm>> -> memref<1000000x64xf32, #tpu.memory_space<hbm>>
        tpu.enqueue_indirect_dma source(%dma_start3A_455 : memref<1000000x64xf32, #tpu.memory_space<hbm>>) target(%dma_start3A_449 : memref<40x64xf32, #tpu.memory_space<vmem>>) offsets(%dma_start3A_452 : memref<40xi32, #tpu.memory_space<vmem>>) semaphore(%arg11 : memref<!tpu.dma_semaphore, #tpu.memory_space<semaphore_mem>>)
      } else {
      }
      %dma_wait3A_225 = arith.constant 0 : i32
      %dma_wait3A_226 = arith.constant 0 : i32
      %dma_wait3A_227 = tpu.memref_slice %arg3[%dma_wait3A_225, %dma_wait3A_226] : memref<1000000x64xf32, #tpu.memory_space<hbm>> -> memref<200x64xf32, #tpu.memory_space<hbm>>
      %dma_wait3A_228 = arith.constant 0 : i32
      %dma_wait3A_229 = arith.constant 0 : i32
      %dma_wait3A_230 = tpu.memref_slice %arg3[%dma_wait3A_228, %dma_wait3A_229] : memref<1000000x64xf32, #tpu.memory_space<hbm>> -> memref<200x64xf32, #tpu.memory_space<hbm>>
      tpu.wait_dma2 semaphore(%arg12 : memref<!tpu.dma_semaphore, #tpu.memory_space<semaphore_mem>>) src(%dma_wait3A_230 : memref<200x64xf32, #tpu.memory_space<hbm>>) dst(%arg7 : memref<200x64xf32, #tpu.memory_space<vmem>>)
      %add3A_231 = arith.constant 1 : i32
      %add3A_232 = arith.addi %mul3A_161, %add3A_231 : i32
      %broadcast_in_dim3A_233 = arith.constant 0.000000e+00 : f32
      %broadcast_in_dim3A_234 = vector.broadcast %broadcast_in_dim3A_233 : f32 to vector<16xf32>
      %scan3A_235 = arith.constant 0 : i32
      %scan3A_236 = arith.constant 10 : i32
      %scan3A_237 = arith.addi %scan3A_235, %scan3A_236 : i32
      %scan3A_238 = arith.constant 1 : i32
      %scan3A_239:4 = scf.for %scan3A_391 = %scan3A_235 to %scan3A_237 step %scan3A_238 iter_args(%scan3A_392 = %broadcast_in_dim3A_234, %scan3A_393 = %broadcast_in_dim3A_234, %scan3A_394 = %broadcast_in_dim3A_234, %scan3A_395 = %broadcast_in_dim3A_234) -> (vector<16xf32>, vector<16xf32>, vector<16xf32>, vector<16xf32>)  : i32 {
        %mul3A_396 = arith.constant 20 : i32
        %mul3A_397 = arith.muli %mul3A_396, %scan3A_391 : i32
        %add3A_398 = arith.constant 0 : i32
        %add3A_399 = arith.addi %mul3A_397, %add3A_398 : i32
        %get3A = arith.index_cast %add3A_399 : i32 to index
        %get3A_400 = arith.constant 0 : index
        %get3A_401 = tpu.vector_load %arg7[%get3A, %get3A_400] {strides = array<i32>} : memref<200x64xf32, #tpu.memory_space<vmem>>, vector<1x16xf32>,
        %get3A_402 = vector.shape_cast %get3A_401 : vector<1x16xf32> to vector<16xf32>
        %add3A_403 = arith.addf %scan3A_392, %get3A_402 : vector<16xf32>
        %add3A_404 = arith.constant 0 : i32
        %add3A_405 = arith.addi %mul3A_397, %add3A_404 : i32
        %get3A_406 = arith.index_cast %add3A_405 : i32 to index
        %get3A_407 = arith.constant 16 : index
        %get3A_408 = tpu.vector_load %arg7[%get3A_406, %get3A_407] {strides = array<i32>} : memref<200x64xf32, #tpu.memory_space<vmem>>, vector<1x16xf32>,
        %get3A_409 = vector.shape_cast %get3A_408 : vector<1x16xf32> to vector<16xf32>
        %add3A_410 = arith.addf %scan3A_393, %get3A_409 : vector<16xf32>
        %add3A_411 = arith.constant 0 : i32
        %add3A_412 = arith.addi %mul3A_397, %add3A_411 : i32
        %get3A_413 = arith.index_cast %add3A_412 : i32 to index
        %get3A_414 = arith.constant 32 : index
        %get3A_415 = tpu.vector_load %arg7[%get3A_413, %get3A_414] {strides = array<i32>} : memref<200x64xf32, #tpu.memory_space<vmem>>, vector<1x16xf32>,
        %get3A_416 = vector.shape_cast %get3A_415 : vector<1x16xf32> to vector<16xf32>
        %add3A_417 = arith.addf %scan3A_394, %get3A_416 : vector<16xf32>
        %add3A_418 = arith.constant 0 : i32
        %add3A_419 = arith.addi %mul3A_397, %add3A_418 : i32
        %get3A_420 = arith.index_cast %add3A_419 : i32 to index
        %get3A_421 = arith.constant 48 : index
        %get3A_422 = tpu.vector_load %arg7[%get3A_420, %get3A_421] {strides = array<i32>} : memref<200x64xf32, #tpu.memory_space<vmem>>, vector<1x16xf32>,
        %get3A_423 = vector.shape_cast %get3A_422 : vector<1x16xf32> to vector<16xf32>
        %add3A_424 = arith.addf %scan3A_395, %get3A_423 : vector<16xf32>
        %add3A_425 = arith.constant 1 : i32
        %add3A_426 = arith.addi %mul3A_397, %add3A_425 : i32
        %get3A_427 = arith.index_cast %add3A_426 : i32 to index
        %get3A_428 = arith.constant 0 : index
        %get3A_429 = tpu.vector_load %arg7[%get3A_427, %get3A_428] {strides = array<i32>} : memref<200x64xf32, #tpu.memory_space<vmem>>, vector<1x16xf32>,
        %get3A_430 = vector.shape_cast %get3A_429 : vector<1x16xf32> to vector<16xf32>
        %add3A_431 = arith.addf %add3A_403, %get3A_430 : vector<16xf32>
        %add3A_432 = arith.constant 1 : i32
        %add3A_433 = arith.addi %mul3A_397, %add3A_432 : i32
        %get3A_434 = arith.index_cast %add3A_433 : i32 to index
        %get3A_435 = arith.constant 16 : index
        %get3A_436 = tpu.vector_load %arg7[%get3A_434, %get3A_435] {strides = array<i32>} : memref<200x64xf32, #tpu.memory_space<vmem>>, vector<1x16xf32>,
        %get3A_437 = vector.shape_cast %get3A_436 : vector<1x16xf32> to vector<16xf32>
        %add3A_438 = arith.addf %add3A_410, %get3A_437 : vector<16xf32>
        %add3A_439 = arith.constant 1 : i32
        %add3A_440 = arith.addi %mul3A_397, %add3A_439 : i32
        %get3A_441 = arith.index_cast %add3A_440 : i32 to index
        %get3A_442 = arith.constant 32 : index
        %get3A_443 = tpu.vector_load %arg7[%get3A_441, %get3A_442] {strides = array<i32>} : memref<200x64xf32, #tpu.memory_space<vmem>>, vector<1x16xf32>,
        %get3A_444 = vector.shape_cast %get3A_443 : vector<1x16xf32> to vector<16xf32>
        %add3A_445 = arith.addf %add3A_417, %get3A_444 : vector<16xf32>
        %add3A_446 = arith.constant 1 : i32
        %add3A_447 = arith.addi %mul3A_397, %add3A_446 : i32
        %get3A_448 = arith.index_cast %add3A_447 : i32 to index
        %get3A_449 = arith.constant 48 : index
        %get3A_450 = tpu.vector_load %arg7[%get3A_448, %get3A_449] {strides = array<i32>} : memref<200x64xf32, #tpu.memory_space<vmem>>, vector<1x16xf32>,
        %get3A_451 = vector.shape_cast %get3A_450 : vector<1x16xf32> to vector<16xf32>
        %add3A_452 = arith.addf %add3A_424, %get3A_451 : vector<16xf32>
        %add3A_453 = arith.constant 2 : i32
        %add3A_454 = arith.addi %mul3A_397, %add3A_453 : i32
        %get3A_455 = arith.index_cast %add3A_454 : i32 to index
        %get3A_456 = arith.constant 0 : index
        %get3A_457 = tpu.vector_load %arg7[%get3A_455, %get3A_456] {strides = array<i32>} : memref<200x64xf32, #tpu.memory_space<vmem>>, vector<1x16xf32>,
        %get3A_458 = vector.shape_cast %get3A_457 : vector<1x16xf32> to vector<16xf32>
        %add3A_459 = arith.addf %add3A_431, %get3A_458 : vector<16xf32>
        %add3A_460 = arith.constant 2 : i32
        %add3A_461 = arith.addi %mul3A_397, %add3A_460 : i32
        %get3A_462 = arith.index_cast %add3A_461 : i32 to index
        %get3A_463 = arith.constant 16 : index
        %get3A_464 = tpu.vector_load %arg7[%get3A_462, %get3A_463] {strides = array<i32>} : memref<200x64xf32, #tpu.memory_space<vmem>>, vector<1x16xf32>,
        %get3A_465 = vector.shape_cast %get3A_464 : vector<1x16xf32> to vector<16xf32>
        %add3A_466 = arith.addf %add3A_438, %get3A_465 : vector<16xf32>
        %add3A_467 = arith.constant 2 : i32
        %add3A_468 = arith.addi %mul3A_397, %add3A_467 : i32
        %get3A_469 = arith.index_cast %add3A_468 : i32 to index
        %get3A_470 = arith.constant 32 : index
        %get3A_471 = tpu.vector_load %arg7[%get3A_469, %get3A_470] {strides = array<i32>} : memref<200x64xf32, #tpu.memory_space<vmem>>, vector<1x16xf32>,
        %get3A_472 = vector.shape_cast %get3A_471 : vector<1x16xf32> to vector<16xf32>
        %add3A_473 = arith.addf %add3A_445, %get3A_472 : vector<16xf32>
        %add3A_474 = arith.constant 2 : i32
        %add3A_475 = arith.addi %mul3A_397, %add3A_474 : i32
        %get3A_476 = arith.index_cast %add3A_475 : i32 to index
        %get3A_477 = arith.constant 48 : index
        %get3A_478 = tpu.vector_load %arg7[%get3A_476, %get3A_477] {strides = array<i32>} : memref<200x64xf32, #tpu.memory_space<vmem>>, vector<1x16xf32>,
        %get3A_479 = vector.shape_cast %get3A_478 : vector<1x16xf32> to vector<16xf32>
        %add3A_480 = arith.addf %add3A_452, %get3A_479 : vector<16xf32>
        %add3A_481 = arith.constant 3 : i32
        %add3A_482 = arith.addi %mul3A_397, %add3A_481 : i32
        %get3A_483 = arith.index_cast %add3A_482 : i32 to index
        %get3A_484 = arith.constant 0 : index
        %get3A_485 = tpu.vector_load %arg7[%get3A_483, %get3A_484] {strides = array<i32>} : memref<200x64xf32, #tpu.memory_space<vmem>>, vector<1x16xf32>,
        %get3A_486 = vector.shape_cast %get3A_485 : vector<1x16xf32> to vector<16xf32>
        %add3A_487 = arith.addf %add3A_459, %get3A_486 : vector<16xf32>
        %add3A_488 = arith.constant 3 : i32
        %add3A_489 = arith.addi %mul3A_397, %add3A_488 : i32
        %get3A_490 = arith.index_cast %add3A_489 : i32 to index
        %get3A_491 = arith.constant 16 : index
        %get3A_492 = tpu.vector_load %arg7[%get3A_490, %get3A_491] {strides = array<i32>} : memref<200x64xf32, #tpu.memory_space<vmem>>, vector<1x16xf32>,
        %get3A_493 = vector.shape_cast %get3A_492 : vector<1x16xf32> to vector<16xf32>
        %add3A_494 = arith.addf %add3A_466, %get3A_493 : vector<16xf32>
        %add3A_495 = arith.constant 3 : i32
        %add3A_496 = arith.addi %mul3A_397, %add3A_495 : i32
        %get3A_497 = arith.index_cast %add3A_496 : i32 to index
        %get3A_498 = arith.constant 32 : index
        %get3A_499 = tpu.vector_load %arg7[%get3A_497, %get3A_498] {strides = array<i32>} : memref<200x64xf32, #tpu.memory_space<vmem>>, vector<1x16xf32>,
        %get3A_500 = vector.shape_cast %get3A_499 : vector<1x16xf32> to vector<16xf32>
        %add3A_501 = arith.addf %add3A_473, %get3A_500 : vector<16xf32>
        %add3A_502 = arith.constant 3 : i32
        %add3A_503 = arith.addi %mul3A_397, %add3A_502 : i32
        %get3A_504 = arith.index_cast %add3A_503 : i32 to index
        %get3A_505 = arith.constant 48 : index
        %get3A_506 = tpu.vector_load %arg7[%get3A_504, %get3A_505] {strides = array<i32>} : memref<200x64xf32, #tpu.memory_space<vmem>>, vector<1x16xf32>,
        %get3A_507 = vector.shape_cast %get3A_506 : vector<1x16xf32> to vector<16xf32>
        %add3A_508 = arith.addf %add3A_480, %get3A_507 : vector<16xf32>
        %add3A_509 = arith.constant 4 : i32
        %add3A_510 = arith.addi %mul3A_397, %add3A_509 : i32
        %get3A_511 = arith.index_cast %add3A_510 : i32 to index
        %get3A_512 = arith.constant 0 : index
        %get3A_513 = tpu.vector_load %arg7[%get3A_511, %get3A_512] {strides = array<i32>} : memref<200x64xf32, #tpu.memory_space<vmem>>, vector<1x16xf32>,
        %get3A_514 = vector.shape_cast %get3A_513 : vector<1x16xf32> to vector<16xf32>
        %add3A_515 = arith.addf %add3A_487, %get3A_514 : vector<16xf32>
        %add3A_516 = arith.constant 4 : i32
        %add3A_517 = arith.addi %mul3A_397, %add3A_516 : i32
        %get3A_518 = arith.index_cast %add3A_517 : i32 to index
        %get3A_519 = arith.constant 16 : index
        %get3A_520 = tpu.vector_load %arg7[%get3A_518, %get3A_519] {strides = array<i32>} : memref<200x64xf32, #tpu.memory_space<vmem>>, vector<1x16xf32>,
        %get3A_521 = vector.shape_cast %get3A_520 : vector<1x16xf32> to vector<16xf32>
        %add3A_522 = arith.addf %add3A_494, %get3A_521 : vector<16xf32>
        %add3A_523 = arith.constant 4 : i32
        %add3A_524 = arith.addi %mul3A_397, %add3A_523 : i32
        %get3A_525 = arith.index_cast %add3A_524 : i32 to index
        %get3A_526 = arith.constant 32 : index
        %get3A_527 = tpu.vector_load %arg7[%get3A_525, %get3A_526] {strides = array<i32>} : memref<200x64xf32, #tpu.memory_space<vmem>>, vector<1x16xf32>,
        %get3A_528 = vector.shape_cast %get3A_527 : vector<1x16xf32> to vector<16xf32>
        %add3A_529 = arith.addf %add3A_501, %get3A_528 : vector<16xf32>
        %add3A_530 = arith.constant 4 : i32
        %add3A_531 = arith.addi %mul3A_397, %add3A_530 : i32
        %get3A_532 = arith.index_cast %add3A_531 : i32 to index
        %get3A_533 = arith.constant 48 : index
        %get3A_534 = tpu.vector_load %arg7[%get3A_532, %get3A_533] {strides = array<i32>} : memref<200x64xf32, #tpu.memory_space<vmem>>, vector<1x16xf32>,
        %get3A_535 = vector.shape_cast %get3A_534 : vector<1x16xf32> to vector<16xf32>
        %add3A_536 = arith.addf %add3A_508, %get3A_535 : vector<16xf32>
        %add3A_537 = arith.constant 5 : i32
        %add3A_538 = arith.addi %mul3A_397, %add3A_537 : i32
        %get3A_539 = arith.index_cast %add3A_538 : i32 to index
        %get3A_540 = arith.constant 0 : index
        %get3A_541 = tpu.vector_load %arg7[%get3A_539, %get3A_540] {strides = array<i32>} : memref<200x64xf32, #tpu.memory_space<vmem>>, vector<1x16xf32>,
        %get3A_542 = vector.shape_cast %get3A_541 : vector<1x16xf32> to vector<16xf32>
        %add3A_543 = arith.addf %add3A_515, %get3A_542 : vector<16xf32>
        %add3A_544 = arith.constant 5 : i32
        %add3A_545 = arith.addi %mul3A_397, %add3A_544 : i32
        %get3A_546 = arith.index_cast %add3A_545 : i32 to index
        %get3A_547 = arith.constant 16 : index
        %get3A_548 = tpu.vector_load %arg7[%get3A_546, %get3A_547] {strides = array<i32>} : memref<200x64xf32, #tpu.memory_space<vmem>>, vector<1x16xf32>,
        %get3A_549 = vector.shape_cast %get3A_548 : vector<1x16xf32> to vector<16xf32>
        %add3A_550 = arith.addf %add3A_522, %get3A_549 : vector<16xf32>
        %add3A_551 = arith.constant 5 : i32
        %add3A_552 = arith.addi %mul3A_397, %add3A_551 : i32
        %get3A_553 = arith.index_cast %add3A_552 : i32 to index
        %get3A_554 = arith.constant 32 : index
        %get3A_555 = tpu.vector_load %arg7[%get3A_553, %get3A_554] {strides = array<i32>} : memref<200x64xf32, #tpu.memory_space<vmem>>, vector<1x16xf32>,
        %get3A_556 = vector.shape_cast %get3A_555 : vector<1x16xf32> to vector<16xf32>
        %add3A_557 = arith.addf %add3A_529, %get3A_556 : vector<16xf32>
        %add3A_558 = arith.constant 5 : i32
        %add3A_559 = arith.addi %mul3A_397, %add3A_558 : i32
        %get3A_560 = arith.index_cast %add3A_559 : i32 to index
        %get3A_561 = arith.constant 48 : index
        %get3A_562 = tpu.vector_load %arg7[%get3A_560, %get3A_561] {strides = array<i32>} : memref<200x64xf32, #tpu.memory_space<vmem>>, vector<1x16xf32>,
        %get3A_563 = vector.shape_cast %get3A_562 : vector<1x16xf32> to vector<16xf32>
        %add3A_564 = arith.addf %add3A_536, %get3A_563 : vector<16xf32>
        %add3A_565 = arith.constant 6 : i32
        %add3A_566 = arith.addi %mul3A_397, %add3A_565 : i32
        %get3A_567 = arith.index_cast %add3A_566 : i32 to index
        %get3A_568 = arith.constant 0 : index
        %get3A_569 = tpu.vector_load %arg7[%get3A_567, %get3A_568] {strides = array<i32>} : memref<200x64xf32, #tpu.memory_space<vmem>>, vector<1x16xf32>,
        %get3A_570 = vector.shape_cast %get3A_569 : vector<1x16xf32> to vector<16xf32>
        %add3A_571 = arith.addf %add3A_543, %get3A_570 : vector<16xf32>
        %add3A_572 = arith.constant 6 : i32
        %add3A_573 = arith.addi %mul3A_397, %add3A_572 : i32
        %get3A_574 = arith.index_cast %add3A_573 : i32 to index
        %get3A_575 = arith.constant 16 : index
        %get3A_576 = tpu.vector_load %arg7[%get3A_574, %get3A_575] {strides = array<i32>} : memref<200x64xf32, #tpu.memory_space<vmem>>, vector<1x16xf32>,
        %get3A_577 = vector.shape_cast %get3A_576 : vector<1x16xf32> to vector<16xf32>
        %add3A_578 = arith.addf %add3A_550, %get3A_577 : vector<16xf32>
        %add3A_579 = arith.constant 6 : i32
        %add3A_580 = arith.addi %mul3A_397, %add3A_579 : i32
        %get3A_581 = arith.index_cast %add3A_580 : i32 to index
        %get3A_582 = arith.constant 32 : index
        %get3A_583 = tpu.vector_load %arg7[%get3A_581, %get3A_582] {strides = array<i32>} : memref<200x64xf32, #tpu.memory_space<vmem>>, vector<1x16xf32>,
        %get3A_584 = vector.shape_cast %get3A_583 : vector<1x16xf32> to vector<16xf32>
        %add3A_585 = arith.addf %add3A_557, %get3A_584 : vector<16xf32>
        %add3A_586 = arith.constant 6 : i32
        %add3A_587 = arith.addi %mul3A_397, %add3A_586 : i32
        %get3A_588 = arith.index_cast %add3A_587 : i32 to index
        %get3A_589 = arith.constant 48 : index
        %get3A_590 = tpu.vector_load %arg7[%get3A_588, %get3A_589] {strides = array<i32>} : memref<200x64xf32, #tpu.memory_space<vmem>>, vector<1x16xf32>,
        %get3A_591 = vector.shape_cast %get3A_590 : vector<1x16xf32> to vector<16xf32>
        %add3A_592 = arith.addf %add3A_564, %get3A_591 : vector<16xf32>
        %add3A_593 = arith.constant 7 : i32
        %add3A_594 = arith.addi %mul3A_397, %add3A_593 : i32
        %get3A_595 = arith.index_cast %add3A_594 : i32 to index
        %get3A_596 = arith.constant 0 : index
        %get3A_597 = tpu.vector_load %arg7[%get3A_595, %get3A_596] {strides = array<i32>} : memref<200x64xf32, #tpu.memory_space<vmem>>, vector<1x16xf32>,
        %get3A_598 = vector.shape_cast %get3A_597 : vector<1x16xf32> to vector<16xf32>
        %add3A_599 = arith.addf %add3A_571, %get3A_598 : vector<16xf32>
        %add3A_600 = arith.constant 7 : i32
        %add3A_601 = arith.addi %mul3A_397, %add3A_600 : i32
        %get3A_602 = arith.index_cast %add3A_601 : i32 to index
        %get3A_603 = arith.constant 16 : index
        %get3A_604 = tpu.vector_load %arg7[%get3A_602, %get3A_603] {strides = array<i32>} : memref<200x64xf32, #tpu.memory_space<vmem>>, vector<1x16xf32>,
        %get3A_605 = vector.shape_cast %get3A_604 : vector<1x16xf32> to vector<16xf32>
        %add3A_606 = arith.addf %add3A_578, %get3A_605 : vector<16xf32>
        %add3A_607 = arith.constant 7 : i32
        %add3A_608 = arith.addi %mul3A_397, %add3A_607 : i32
        %get3A_609 = arith.index_cast %add3A_608 : i32 to index
        %get3A_610 = arith.constant 32 : index
        %get3A_611 = tpu.vector_load %arg7[%get3A_609, %get3A_610] {strides = array<i32>} : memref<200x64xf32, #tpu.memory_space<vmem>>, vector<1x16xf32>,
        %get3A_612 = vector.shape_cast %get3A_611 : vector<1x16xf32> to vector<16xf32>
        %add3A_613 = arith.addf %add3A_585, %get3A_612 : vector<16xf32>
        %add3A_614 = arith.constant 7 : i32
        %add3A_615 = arith.addi %mul3A_397, %add3A_614 : i32
        %get3A_616 = arith.index_cast %add3A_615 : i32 to index
        %get3A_617 = arith.constant 48 : index
        %get3A_618 = tpu.vector_load %arg7[%get3A_616, %get3A_617] {strides = array<i32>} : memref<200x64xf32, #tpu.memory_space<vmem>>, vector<1x16xf32>,
        %get3A_619 = vector.shape_cast %get3A_618 : vector<1x16xf32> to vector<16xf32>
        %add3A_620 = arith.addf %add3A_592, %get3A_619 : vector<16xf32>
        %add3A_621 = arith.constant 8 : i32
        %add3A_622 = arith.addi %mul3A_397, %add3A_621 : i32
        %get3A_623 = arith.index_cast %add3A_622 : i32 to index
        %get3A_624 = arith.constant 0 : index
        %get3A_625 = tpu.vector_load %arg7[%get3A_623, %get3A_624] {strides = array<i32>} : memref<200x64xf32, #tpu.memory_space<vmem>>, vector<1x16xf32>,
        %get3A_626 = vector.shape_cast %get3A_625 : vector<1x16xf32> to vector<16xf32>
        %add3A_627 = arith.addf %add3A_599, %get3A_626 : vector<16xf32>
        %add3A_628 = arith.constant 8 : i32
        %add3A_629 = arith.addi %mul3A_397, %add3A_628 : i32
        %get3A_630 = arith.index_cast %add3A_629 : i32 to index
        %get3A_631 = arith.constant 16 : index
        %get3A_632 = tpu.vector_load %arg7[%get3A_630, %get3A_631] {strides = array<i32>} : memref<200x64xf32, #tpu.memory_space<vmem>>, vector<1x16xf32>,
        %get3A_633 = vector.shape_cast %get3A_632 : vector<1x16xf32> to vector<16xf32>
        %add3A_634 = arith.addf %add3A_606, %get3A_633 : vector<16xf32>
        %add3A_635 = arith.constant 8 : i32
        %add3A_636 = arith.addi %mul3A_397, %add3A_635 : i32
        %get3A_637 = arith.index_cast %add3A_636 : i32 to index
        %get3A_638 = arith.constant 32 : index
        %get3A_639 = tpu.vector_load %arg7[%get3A_637, %get3A_638] {strides = array<i32>} : memref<200x64xf32, #tpu.memory_space<vmem>>, vector<1x16xf32>,
        %get3A_640 = vector.shape_cast %get3A_639 : vector<1x16xf32> to vector<16xf32>
        %add3A_641 = arith.addf %add3A_613, %get3A_640 : vector<16xf32>
        %add3A_642 = arith.constant 8 : i32
        %add3A_643 = arith.addi %mul3A_397, %add3A_642 : i32
        %get3A_644 = arith.index_cast %add3A_643 : i32 to index
        %get3A_645 = arith.constant 48 : index
        %get3A_646 = tpu.vector_load %arg7[%get3A_644, %get3A_645] {strides = array<i32>} : memref<200x64xf32, #tpu.memory_space<vmem>>, vector<1x16xf32>,
        %get3A_647 = vector.shape_cast %get3A_646 : vector<1x16xf32> to vector<16xf32>
        %add3A_648 = arith.addf %add3A_620, %get3A_647 : vector<16xf32>
        %add3A_649 = arith.constant 9 : i32
        %add3A_650 = arith.addi %mul3A_397, %add3A_649 : i32
        %get3A_651 = arith.index_cast %add3A_650 : i32 to index
        %get3A_652 = arith.constant 0 : index
        %get3A_653 = tpu.vector_load %arg7[%get3A_651, %get3A_652] {strides = array<i32>} : memref<200x64xf32, #tpu.memory_space<vmem>>, vector<1x16xf32>,
        %get3A_654 = vector.shape_cast %get3A_653 : vector<1x16xf32> to vector<16xf32>
        %add3A_655 = arith.addf %add3A_627, %get3A_654 : vector<16xf32>
        %add3A_656 = arith.constant 9 : i32
        %add3A_657 = arith.addi %mul3A_397, %add3A_656 : i32
        %get3A_658 = arith.index_cast %add3A_657 : i32 to index
        %get3A_659 = arith.constant 16 : index
        %get3A_660 = tpu.vector_load %arg7[%get3A_658, %get3A_659] {strides = array<i32>} : memref<200x64xf32, #tpu.memory_space<vmem>>, vector<1x16xf32>,
        %get3A_661 = vector.shape_cast %get3A_660 : vector<1x16xf32> to vector<16xf32>
        %add3A_662 = arith.addf %add3A_634, %get3A_661 : vector<16xf32>
        %add3A_663 = arith.constant 9 : i32
        %add3A_664 = arith.addi %mul3A_397, %add3A_663 : i32
        %get3A_665 = arith.index_cast %add3A_664 : i32 to index
        %get3A_666 = arith.constant 32 : index
        %get3A_667 = tpu.vector_load %arg7[%get3A_665, %get3A_666] {strides = array<i32>} : memref<200x64xf32, #tpu.memory_space<vmem>>, vector<1x16xf32>,
        %get3A_668 = vector.shape_cast %get3A_667 : vector<1x16xf32> to vector<16xf32>
        %add3A_669 = arith.addf %add3A_641, %get3A_668 : vector<16xf32>
        %add3A_670 = arith.constant 9 : i32
        %add3A_671 = arith.addi %mul3A_397, %add3A_670 : i32
        %get3A_672 = arith.index_cast %add3A_671 : i32 to index
        %get3A_673 = arith.constant 48 : index
        %get3A_674 = tpu.vector_load %arg7[%get3A_672, %get3A_673] {strides = array<i32>} : memref<200x64xf32, #tpu.memory_space<vmem>>, vector<1x16xf32>,
        %get3A_675 = vector.shape_cast %get3A_674 : vector<1x16xf32> to vector<16xf32>
        %add3A_676 = arith.addf %add3A_648, %get3A_675 : vector<16xf32>
        %add3A_677 = arith.constant 10 : i32
        %add3A_678 = arith.addi %mul3A_397, %add3A_677 : i32
        %get3A_679 = arith.index_cast %add3A_678 : i32 to index
        %get3A_680 = arith.constant 0 : index
        %get3A_681 = tpu.vector_load %arg7[%get3A_679, %get3A_680] {strides = array<i32>} : memref<200x64xf32, #tpu.memory_space<vmem>>, vector<1x16xf32>,
        %get3A_682 = vector.shape_cast %get3A_681 : vector<1x16xf32> to vector<16xf32>
        %add3A_683 = arith.addf %add3A_655, %get3A_682 : vector<16xf32>
        %add3A_684 = arith.constant 10 : i32
        %add3A_685 = arith.addi %mul3A_397, %add3A_684 : i32
        %get3A_686 = arith.index_cast %add3A_685 : i32 to index
        %get3A_687 = arith.constant 16 : index
        %get3A_688 = tpu.vector_load %arg7[%get3A_686, %get3A_687] {strides = array<i32>} : memref<200x64xf32, #tpu.memory_space<vmem>>, vector<1x16xf32>,
        %get3A_689 = vector.shape_cast %get3A_688 : vector<1x16xf32> to vector<16xf32>
        %add3A_690 = arith.addf %add3A_662, %get3A_689 : vector<16xf32>
        %add3A_691 = arith.constant 10 : i32
        %add3A_692 = arith.addi %mul3A_397, %add3A_691 : i32
        %get3A_693 = arith.index_cast %add3A_692 : i32 to index
        %get3A_694 = arith.constant 32 : index
        %get3A_695 = tpu.vector_load %arg7[%get3A_693, %get3A_694] {strides = array<i32>} : memref<200x64xf32, #tpu.memory_space<vmem>>, vector<1x16xf32>,
        %get3A_696 = vector.shape_cast %get3A_695 : vector<1x16xf32> to vector<16xf32>
        %add3A_697 = arith.addf %add3A_669, %get3A_696 : vector<16xf32>
        %add3A_698 = arith.constant 10 : i32
        %add3A_699 = arith.addi %mul3A_397, %add3A_698 : i32
        %get3A_700 = arith.index_cast %add3A_699 : i32 to index
        %get3A_701 = arith.constant 48 : index
        %get3A_702 = tpu.vector_load %arg7[%get3A_700, %get3A_701] {strides = array<i32>} : memref<200x64xf32, #tpu.memory_space<vmem>>, vector<1x16xf32>,
        %get3A_703 = vector.shape_cast %get3A_702 : vector<1x16xf32> to vector<16xf32>
        %add3A_704 = arith.addf %add3A_676, %get3A_703 : vector<16xf32>
        %add3A_705 = arith.constant 11 : i32
        %add3A_706 = arith.addi %mul3A_397, %add3A_705 : i32
        %get3A_707 = arith.index_cast %add3A_706 : i32 to index
        %get3A_708 = arith.constant 0 : index
        %get3A_709 = tpu.vector_load %arg7[%get3A_707, %get3A_708] {strides = array<i32>} : memref<200x64xf32, #tpu.memory_space<vmem>>, vector<1x16xf32>,
        %get3A_710 = vector.shape_cast %get3A_709 : vector<1x16xf32> to vector<16xf32>
        %add3A_711 = arith.addf %add3A_683, %get3A_710 : vector<16xf32>
        %add3A_712 = arith.constant 11 : i32
        %add3A_713 = arith.addi %mul3A_397, %add3A_712 : i32
        %get3A_714 = arith.index_cast %add3A_713 : i32 to index
        %get3A_715 = arith.constant 16 : index
        %get3A_716 = tpu.vector_load %arg7[%get3A_714, %get3A_715] {strides = array<i32>} : memref<200x64xf32, #tpu.memory_space<vmem>>, vector<1x16xf32>,
        %get3A_717 = vector.shape_cast %get3A_716 : vector<1x16xf32> to vector<16xf32>
        %add3A_718 = arith.addf %add3A_690, %get3A_717 : vector<16xf32>
        %add3A_719 = arith.constant 11 : i32
        %add3A_720 = arith.addi %mul3A_397, %add3A_719 : i32
        %get3A_721 = arith.index_cast %add3A_720 : i32 to index
        %get3A_722 = arith.constant 32 : index
        %get3A_723 = tpu.vector_load %arg7[%get3A_721, %get3A_722] {strides = array<i32>} : memref<200x64xf32, #tpu.memory_space<vmem>>, vector<1x16xf32>,
        %get3A_724 = vector.shape_cast %get3A_723 : vector<1x16xf32> to vector<16xf32>
        %add3A_725 = arith.addf %add3A_697, %get3A_724 : vector<16xf32>
        %add3A_726 = arith.constant 11 : i32
        %add3A_727 = arith.addi %mul3A_397, %add3A_726 : i32
        %get3A_728 = arith.index_cast %add3A_727 : i32 to index
        %get3A_729 = arith.constant 48 : index
        %get3A_730 = tpu.vector_load %arg7[%get3A_728, %get3A_729] {strides = array<i32>} : memref<200x64xf32, #tpu.memory_space<vmem>>, vector<1x16xf32>,
        %get3A_731 = vector.shape_cast %get3A_730 : vector<1x16xf32> to vector<16xf32>
        %add3A_732 = arith.addf %add3A_704, %get3A_731 : vector<16xf32>
        %add3A_733 = arith.constant 12 : i32
        %add3A_734 = arith.addi %mul3A_397, %add3A_733 : i32
        %get3A_735 = arith.index_cast %add3A_734 : i32 to index
        %get3A_736 = arith.constant 0 : index
        %get3A_737 = tpu.vector_load %arg7[%get3A_735, %get3A_736] {strides = array<i32>} : memref<200x64xf32, #tpu.memory_space<vmem>>, vector<1x16xf32>,
        %get3A_738 = vector.shape_cast %get3A_737 : vector<1x16xf32> to vector<16xf32>
        %add3A_739 = arith.addf %add3A_711, %get3A_738 : vector<16xf32>
        %add3A_740 = arith.constant 12 : i32
        %add3A_741 = arith.addi %mul3A_397, %add3A_740 : i32
        %get3A_742 = arith.index_cast %add3A_741 : i32 to index
        %get3A_743 = arith.constant 16 : index
        %get3A_744 = tpu.vector_load %arg7[%get3A_742, %get3A_743] {strides = array<i32>} : memref<200x64xf32, #tpu.memory_space<vmem>>, vector<1x16xf32>,
        %get3A_745 = vector.shape_cast %get3A_744 : vector<1x16xf32> to vector<16xf32>
        %add3A_746 = arith.addf %add3A_718, %get3A_745 : vector<16xf32>
        %add3A_747 = arith.constant 12 : i32
        %add3A_748 = arith.addi %mul3A_397, %add3A_747 : i32
        %get3A_749 = arith.index_cast %add3A_748 : i32 to index
        %get3A_750 = arith.constant 32 : index
        %get3A_751 = tpu.vector_load %arg7[%get3A_749, %get3A_750] {strides = array<i32>} : memref<200x64xf32, #tpu.memory_space<vmem>>, vector<1x16xf32>,
        %get3A_752 = vector.shape_cast %get3A_751 : vector<1x16xf32> to vector<16xf32>
        %add3A_753 = arith.addf %add3A_725, %get3A_752 : vector<16xf32>
        %add3A_754 = arith.constant 12 : i32
        %add3A_755 = arith.addi %mul3A_397, %add3A_754 : i32
        %get3A_756 = arith.index_cast %add3A_755 : i32 to index
        %get3A_757 = arith.constant 48 : index
        %get3A_758 = tpu.vector_load %arg7[%get3A_756, %get3A_757] {strides = array<i32>} : memref<200x64xf32, #tpu.memory_space<vmem>>, vector<1x16xf32>,
        %get3A_759 = vector.shape_cast %get3A_758 : vector<1x16xf32> to vector<16xf32>
        %add3A_760 = arith.addf %add3A_732, %get3A_759 : vector<16xf32>
        %add3A_761 = arith.constant 13 : i32
        %add3A_762 = arith.addi %mul3A_397, %add3A_761 : i32
        %get3A_763 = arith.index_cast %add3A_762 : i32 to index
        %get3A_764 = arith.constant 0 : index
        %get3A_765 = tpu.vector_load %arg7[%get3A_763, %get3A_764] {strides = array<i32>} : memref<200x64xf32, #tpu.memory_space<vmem>>, vector<1x16xf32>,
        %get3A_766 = vector.shape_cast %get3A_765 : vector<1x16xf32> to vector<16xf32>
        %add3A_767 = arith.addf %add3A_739, %get3A_766 : vector<16xf32>
        %add3A_768 = arith.constant 13 : i32
        %add3A_769 = arith.addi %mul3A_397, %add3A_768 : i32
        %get3A_770 = arith.index_cast %add3A_769 : i32 to index
        %get3A_771 = arith.constant 16 : index
        %get3A_772 = tpu.vector_load %arg7[%get3A_770, %get3A_771] {strides = array<i32>} : memref<200x64xf32, #tpu.memory_space<vmem>>, vector<1x16xf32>,
        %get3A_773 = vector.shape_cast %get3A_772 : vector<1x16xf32> to vector<16xf32>
        %add3A_774 = arith.addf %add3A_746, %get3A_773 : vector<16xf32>
        %add3A_775 = arith.constant 13 : i32
        %add3A_776 = arith.addi %mul3A_397, %add3A_775 : i32
        %get3A_777 = arith.index_cast %add3A_776 : i32 to index
        %get3A_778 = arith.constant 32 : index
        %get3A_779 = tpu.vector_load %arg7[%get3A_777, %get3A_778] {strides = array<i32>} : memref<200x64xf32, #tpu.memory_space<vmem>>, vector<1x16xf32>,
        %get3A_780 = vector.shape_cast %get3A_779 : vector<1x16xf32> to vector<16xf32>
        %add3A_781 = arith.addf %add3A_753, %get3A_780 : vector<16xf32>
        %add3A_782 = arith.constant 13 : i32
        %add3A_783 = arith.addi %mul3A_397, %add3A_782 : i32
        %get3A_784 = arith.index_cast %add3A_783 : i32 to index
        %get3A_785 = arith.constant 48 : index
        %get3A_786 = tpu.vector_load %arg7[%get3A_784, %get3A_785] {strides = array<i32>} : memref<200x64xf32, #tpu.memory_space<vmem>>, vector<1x16xf32>,
        %get3A_787 = vector.shape_cast %get3A_786 : vector<1x16xf32> to vector<16xf32>
        %add3A_788 = arith.addf %add3A_760, %get3A_787 : vector<16xf32>
        %add3A_789 = arith.constant 14 : i32
        %add3A_790 = arith.addi %mul3A_397, %add3A_789 : i32
        %get3A_791 = arith.index_cast %add3A_790 : i32 to index
        %get3A_792 = arith.constant 0 : index
        %get3A_793 = tpu.vector_load %arg7[%get3A_791, %get3A_792] {strides = array<i32>} : memref<200x64xf32, #tpu.memory_space<vmem>>, vector<1x16xf32>,
        %get3A_794 = vector.shape_cast %get3A_793 : vector<1x16xf32> to vector<16xf32>
        %add3A_795 = arith.addf %add3A_767, %get3A_794 : vector<16xf32>
        %add3A_796 = arith.constant 14 : i32
        %add3A_797 = arith.addi %mul3A_397, %add3A_796 : i32
        %get3A_798 = arith.index_cast %add3A_797 : i32 to index
        %get3A_799 = arith.constant 16 : index
        %get3A_800 = tpu.vector_load %arg7[%get3A_798, %get3A_799] {strides = array<i32>} : memref<200x64xf32, #tpu.memory_space<vmem>>, vector<1x16xf32>,
        %get3A_801 = vector.shape_cast %get3A_800 : vector<1x16xf32> to vector<16xf32>
        %add3A_802 = arith.addf %add3A_774, %get3A_801 : vector<16xf32>
        %add3A_803 = arith.constant 14 : i32
        %add3A_804 = arith.addi %mul3A_397, %add3A_803 : i32
        %get3A_805 = arith.index_cast %add3A_804 : i32 to index
        %get3A_806 = arith.constant 32 : index
        %get3A_807 = tpu.vector_load %arg7[%get3A_805, %get3A_806] {strides = array<i32>} : memref<200x64xf32, #tpu.memory_space<vmem>>, vector<1x16xf32>,
        %get3A_808 = vector.shape_cast %get3A_807 : vector<1x16xf32> to vector<16xf32>
        %add3A_809 = arith.addf %add3A_781, %get3A_808 : vector<16xf32>
        %add3A_810 = arith.constant 14 : i32
        %add3A_811 = arith.addi %mul3A_397, %add3A_810 : i32
        %get3A_812 = arith.index_cast %add3A_811 : i32 to index
        %get3A_813 = arith.constant 48 : index
        %get3A_814 = tpu.vector_load %arg7[%get3A_812, %get3A_813] {strides = array<i32>} : memref<200x64xf32, #tpu.memory_space<vmem>>, vector<1x16xf32>,
        %get3A_815 = vector.shape_cast %get3A_814 : vector<1x16xf32> to vector<16xf32>
        %add3A_816 = arith.addf %add3A_788, %get3A_815 : vector<16xf32>
        %add3A_817 = arith.constant 15 : i32
        %add3A_818 = arith.addi %mul3A_397, %add3A_817 : i32
        %get3A_819 = arith.index_cast %add3A_818 : i32 to index
        %get3A_820 = arith.constant 0 : index
        %get3A_821 = tpu.vector_load %arg7[%get3A_819, %get3A_820] {strides = array<i32>} : memref<200x64xf32, #tpu.memory_space<vmem>>, vector<1x16xf32>,
        %get3A_822 = vector.shape_cast %get3A_821 : vector<1x16xf32> to vector<16xf32>
        %add3A_823 = arith.addf %add3A_795, %get3A_822 : vector<16xf32>
        %add3A_824 = arith.constant 15 : i32
        %add3A_825 = arith.addi %mul3A_397, %add3A_824 : i32
        %get3A_826 = arith.index_cast %add3A_825 : i32 to index
        %get3A_827 = arith.constant 16 : index
        %get3A_828 = tpu.vector_load %arg7[%get3A_826, %get3A_827] {strides = array<i32>} : memref<200x64xf32, #tpu.memory_space<vmem>>, vector<1x16xf32>,
        %get3A_829 = vector.shape_cast %get3A_828 : vector<1x16xf32> to vector<16xf32>
        %add3A_830 = arith.addf %add3A_802, %get3A_829 : vector<16xf32>
        %add3A_831 = arith.constant 15 : i32
        %add3A_832 = arith.addi %mul3A_397, %add3A_831 : i32
        %get3A_833 = arith.index_cast %add3A_832 : i32 to index
        %get3A_834 = arith.constant 32 : index
        %get3A_835 = tpu.vector_load %arg7[%get3A_833, %get3A_834] {strides = array<i32>} : memref<200x64xf32, #tpu.memory_space<vmem>>, vector<1x16xf32>,
        %get3A_836 = vector.shape_cast %get3A_835 : vector<1x16xf32> to vector<16xf32>
        %add3A_837 = arith.addf %add3A_809, %get3A_836 : vector<16xf32>
        %add3A_838 = arith.constant 15 : i32
        %add3A_839 = arith.addi %mul3A_397, %add3A_838 : i32
        %get3A_840 = arith.index_cast %add3A_839 : i32 to index
        %get3A_841 = arith.constant 48 : index
        %get3A_842 = tpu.vector_load %arg7[%get3A_840, %get3A_841] {strides = array<i32>} : memref<200x64xf32, #tpu.memory_space<vmem>>, vector<1x16xf32>,
        %get3A_843 = vector.shape_cast %get3A_842 : vector<1x16xf32> to vector<16xf32>
        %add3A_844 = arith.addf %add3A_816, %get3A_843 : vector<16xf32>
        %add3A_845 = arith.constant 16 : i32
        %add3A_846 = arith.addi %mul3A_397, %add3A_845 : i32
        %get3A_847 = arith.index_cast %add3A_846 : i32 to index
        %get3A_848 = arith.constant 0 : index
        %get3A_849 = tpu.vector_load %arg7[%get3A_847, %get3A_848] {strides = array<i32>} : memref<200x64xf32, #tpu.memory_space<vmem>>, vector<1x16xf32>,
        %get3A_850 = vector.shape_cast %get3A_849 : vector<1x16xf32> to vector<16xf32>
        %add3A_851 = arith.addf %add3A_823, %get3A_850 : vector<16xf32>
        %add3A_852 = arith.constant 16 : i32
        %add3A_853 = arith.addi %mul3A_397, %add3A_852 : i32
        %get3A_854 = arith.index_cast %add3A_853 : i32 to index
        %get3A_855 = arith.constant 16 : index
        %get3A_856 = tpu.vector_load %arg7[%get3A_854, %get3A_855] {strides = array<i32>} : memref<200x64xf32, #tpu.memory_space<vmem>>, vector<1x16xf32>,
        %get3A_857 = vector.shape_cast %get3A_856 : vector<1x16xf32> to vector<16xf32>
        %add3A_858 = arith.addf %add3A_830, %get3A_857 : vector<16xf32>
        %add3A_859 = arith.constant 16 : i32
        %add3A_860 = arith.addi %mul3A_397, %add3A_859 : i32
        %get3A_861 = arith.index_cast %add3A_860 : i32 to index
        %get3A_862 = arith.constant 32 : index
        %get3A_863 = tpu.vector_load %arg7[%get3A_861, %get3A_862] {strides = array<i32>} : memref<200x64xf32, #tpu.memory_space<vmem>>, vector<1x16xf32>,
        %get3A_864 = vector.shape_cast %get3A_863 : vector<1x16xf32> to vector<16xf32>
        %add3A_865 = arith.addf %add3A_837, %get3A_864 : vector<16xf32>
        %add3A_866 = arith.constant 16 : i32
        %add3A_867 = arith.addi %mul3A_397, %add3A_866 : i32
        %get3A_868 = arith.index_cast %add3A_867 : i32 to index
        %get3A_869 = arith.constant 48 : index
        %get3A_870 = tpu.vector_load %arg7[%get3A_868, %get3A_869] {strides = array<i32>} : memref<200x64xf32, #tpu.memory_space<vmem>>, vector<1x16xf32>,
        %get3A_871 = vector.shape_cast %get3A_870 : vector<1x16xf32> to vector<16xf32>
        %add3A_872 = arith.addf %add3A_844, %get3A_871 : vector<16xf32>
        %add3A_873 = arith.constant 17 : i32
        %add3A_874 = arith.addi %mul3A_397, %add3A_873 : i32
        %get3A_875 = arith.index_cast %add3A_874 : i32 to index
        %get3A_876 = arith.constant 0 : index
        %get3A_877 = tpu.vector_load %arg7[%get3A_875, %get3A_876] {strides = array<i32>} : memref<200x64xf32, #tpu.memory_space<vmem>>, vector<1x16xf32>,
        %get3A_878 = vector.shape_cast %get3A_877 : vector<1x16xf32> to vector<16xf32>
        %add3A_879 = arith.addf %add3A_851, %get3A_878 : vector<16xf32>
        %add3A_880 = arith.constant 17 : i32
        %add3A_881 = arith.addi %mul3A_397, %add3A_880 : i32
        %get3A_882 = arith.index_cast %add3A_881 : i32 to index
        %get3A_883 = arith.constant 16 : index
        %get3A_884 = tpu.vector_load %arg7[%get3A_882, %get3A_883] {strides = array<i32>} : memref<200x64xf32, #tpu.memory_space<vmem>>, vector<1x16xf32>,
        %get3A_885 = vector.shape_cast %get3A_884 : vector<1x16xf32> to vector<16xf32>
        %add3A_886 = arith.addf %add3A_858, %get3A_885 : vector<16xf32>
        %add3A_887 = arith.constant 17 : i32
        %add3A_888 = arith.addi %mul3A_397, %add3A_887 : i32
        %get3A_889 = arith.index_cast %add3A_888 : i32 to index
        %get3A_890 = arith.constant 32 : index
        %get3A_891 = tpu.vector_load %arg7[%get3A_889, %get3A_890] {strides = array<i32>} : memref<200x64xf32, #tpu.memory_space<vmem>>, vector<1x16xf32>,
        %get3A_892 = vector.shape_cast %get3A_891 : vector<1x16xf32> to vector<16xf32>
        %add3A_893 = arith.addf %add3A_865, %get3A_892 : vector<16xf32>
        %add3A_894 = arith.constant 17 : i32
        %add3A_895 = arith.addi %mul3A_397, %add3A_894 : i32
        %get3A_896 = arith.index_cast %add3A_895 : i32 to index
        %get3A_897 = arith.constant 48 : index
        %get3A_898 = tpu.vector_load %arg7[%get3A_896, %get3A_897] {strides = array<i32>} : memref<200x64xf32, #tpu.memory_space<vmem>>, vector<1x16xf32>,
        %get3A_899 = vector.shape_cast %get3A_898 : vector<1x16xf32> to vector<16xf32>
        %add3A_900 = arith.addf %add3A_872, %get3A_899 : vector<16xf32>
        %add3A_901 = arith.constant 18 : i32
        %add3A_902 = arith.addi %mul3A_397, %add3A_901 : i32
        %get3A_903 = arith.index_cast %add3A_902 : i32 to index
        %get3A_904 = arith.constant 0 : index
        %get3A_905 = tpu.vector_load %arg7[%get3A_903, %get3A_904] {strides = array<i32>} : memref<200x64xf32, #tpu.memory_space<vmem>>, vector<1x16xf32>,
        %get3A_906 = vector.shape_cast %get3A_905 : vector<1x16xf32> to vector<16xf32>
        %add3A_907 = arith.addf %add3A_879, %get3A_906 : vector<16xf32>
        %add3A_908 = arith.constant 18 : i32
        %add3A_909 = arith.addi %mul3A_397, %add3A_908 : i32
        %get3A_910 = arith.index_cast %add3A_909 : i32 to index
        %get3A_911 = arith.constant 16 : index
        %get3A_912 = tpu.vector_load %arg7[%get3A_910, %get3A_911] {strides = array<i32>} : memref<200x64xf32, #tpu.memory_space<vmem>>, vector<1x16xf32>,
        %get3A_913 = vector.shape_cast %get3A_912 : vector<1x16xf32> to vector<16xf32>
        %add3A_914 = arith.addf %add3A_886, %get3A_913 : vector<16xf32>
        %add3A_915 = arith.constant 18 : i32
        %add3A_916 = arith.addi %mul3A_397, %add3A_915 : i32
        %get3A_917 = arith.index_cast %add3A_916 : i32 to index
        %get3A_918 = arith.constant 32 : index
        %get3A_919 = tpu.vector_load %arg7[%get3A_917, %get3A_918] {strides = array<i32>} : memref<200x64xf32, #tpu.memory_space<vmem>>, vector<1x16xf32>,
        %get3A_920 = vector.shape_cast %get3A_919 : vector<1x16xf32> to vector<16xf32>
        %add3A_921 = arith.addf %add3A_893, %get3A_920 : vector<16xf32>
        %add3A_922 = arith.constant 18 : i32
        %add3A_923 = arith.addi %mul3A_397, %add3A_922 : i32
        %get3A_924 = arith.index_cast %add3A_923 : i32 to index
        %get3A_925 = arith.constant 48 : index
        %get3A_926 = tpu.vector_load %arg7[%get3A_924, %get3A_925] {strides = array<i32>} : memref<200x64xf32, #tpu.memory_space<vmem>>, vector<1x16xf32>,
        %get3A_927 = vector.shape_cast %get3A_926 : vector<1x16xf32> to vector<16xf32>
        %add3A_928 = arith.addf %add3A_900, %get3A_927 : vector<16xf32>
        %add3A_929 = arith.constant 19 : i32
        %add3A_930 = arith.addi %mul3A_397, %add3A_929 : i32
        %get3A_931 = arith.index_cast %add3A_930 : i32 to index
        %get3A_932 = arith.constant 0 : index
        %get3A_933 = tpu.vector_load %arg7[%get3A_931, %get3A_932] {strides = array<i32>} : memref<200x64xf32, #tpu.memory_space<vmem>>, vector<1x16xf32>,
        %get3A_934 = vector.shape_cast %get3A_933 : vector<1x16xf32> to vector<16xf32>
        %add3A_935 = arith.addf %add3A_907, %get3A_934 : vector<16xf32>
        %add3A_936 = arith.constant 19 : i32
        %add3A_937 = arith.addi %mul3A_397, %add3A_936 : i32
        %get3A_938 = arith.index_cast %add3A_937 : i32 to index
        %get3A_939 = arith.constant 16 : index
        %get3A_940 = tpu.vector_load %arg7[%get3A_938, %get3A_939] {strides = array<i32>} : memref<200x64xf32, #tpu.memory_space<vmem>>, vector<1x16xf32>,
        %get3A_941 = vector.shape_cast %get3A_940 : vector<1x16xf32> to vector<16xf32>
        %add3A_942 = arith.addf %add3A_914, %get3A_941 : vector<16xf32>
        %add3A_943 = arith.constant 19 : i32
        %add3A_944 = arith.addi %mul3A_397, %add3A_943 : i32
        %get3A_945 = arith.index_cast %add3A_944 : i32 to index
        %get3A_946 = arith.constant 32 : index
        %get3A_947 = tpu.vector_load %arg7[%get3A_945, %get3A_946] {strides = array<i32>} : memref<200x64xf32, #tpu.memory_space<vmem>>, vector<1x16xf32>,
        %get3A_948 = vector.shape_cast %get3A_947 : vector<1x16xf32> to vector<16xf32>
        %add3A_949 = arith.addf %add3A_921, %get3A_948 : vector<16xf32>
        %add3A_950 = arith.constant 19 : i32
        %add3A_951 = arith.addi %mul3A_397, %add3A_950 : i32
        %get3A_952 = arith.index_cast %add3A_951 : i32 to index
        %get3A_953 = arith.constant 48 : index
        %get3A_954 = tpu.vector_load %arg7[%get3A_952, %get3A_953] {strides = array<i32>} : memref<200x64xf32, #tpu.memory_space<vmem>>, vector<1x16xf32>,
        %get3A_955 = vector.shape_cast %get3A_954 : vector<1x16xf32> to vector<16xf32>
        %add3A_956 = arith.addf %add3A_928, %get3A_955 : vector<16xf32>
        scf.yield %add3A_935, %add3A_942, %add3A_949, %add3A_956 : vector<16xf32>, vector<16xf32>, vector<16xf32>, vector<16xf32>
      }
      %scan3A_240 = arith.constant 10 : i32
      %mul3A_241 = arith.constant 5.000000e-03 : f32
      %mul3A_242 = vector.broadcast %mul3A_241 : f32 to vector<16xf32>
      %mul3A_243 = arith.mulf %scan3A_239#0, %mul3A_242 : vector<16xf32>
      %swap3A_244 = arith.index_cast %add3A_232 : i32 to index
      %swap3A_245 = arith.constant 0 : index
      %swap3A_246 = tpu.vector_load %arg10[%swap3A_244, %swap3A_245] {strides = array<i32>} : memref<128x64xf32, #tpu.memory_space<vmem>>, vector<1x16xf32>,
      %swap3A_247 = vector.shape_cast %swap3A_246 : vector<1x16xf32> to vector<16xf32>
      %swap3A_248 = vector.shape_cast %mul3A_243 : vector<16xf32> to vector<1x16xf32>
      tpu.vector_store %arg10[%swap3A_244, %swap3A_245], %swap3A_248 {strides = array<i32>} : memref<128x64xf32, #tpu.memory_space<vmem>>, vector<1x16xf32>,
      %mul3A_249 = arith.constant 5.000000e-03 : f32
      %mul3A_250 = vector.broadcast %mul3A_249 : f32 to vector<16xf32>
      %mul3A_251 = arith.mulf %scan3A_239#1, %mul3A_250 : vector<16xf32>
      %swap3A_252 = arith.index_cast %add3A_232 : i32 to index
      %swap3A_253 = arith.constant 16 : index
      %swap3A_254 = tpu.vector_load %arg10[%swap3A_252, %swap3A_253] {strides = array<i32>} : memref<128x64xf32, #tpu.memory_space<vmem>>, vector<1x16xf32>,
      %swap3A_255 = vector.shape_cast %swap3A_254 : vector<1x16xf32> to vector<16xf32>
      %swap3A_256 = vector.shape_cast %mul3A_251 : vector<16xf32> to vector<1x16xf32>
      tpu.vector_store %arg10[%swap3A_252, %swap3A_253], %swap3A_256 {strides = array<i32>} : memref<128x64xf32, #tpu.memory_space<vmem>>, vector<1x16xf32>,
      %mul3A_257 = arith.constant 5.000000e-03 : f32
      %mul3A_258 = vector.broadcast %mul3A_257 : f32 to vector<16xf32>
      %mul3A_259 = arith.mulf %scan3A_239#2, %mul3A_258 : vector<16xf32>
      %swap3A_260 = arith.index_cast %add3A_232 : i32 to index
      %swap3A_261 = arith.constant 32 : index
      %swap3A_262 = tpu.vector_load %arg10[%swap3A_260, %swap3A_261] {strides = array<i32>} : memref<128x64xf32, #tpu.memory_space<vmem>>, vector<1x16xf32>,
      %swap3A_263 = vector.shape_cast %swap3A_262 : vector<1x16xf32> to vector<16xf32>
      %swap3A_264 = vector.shape_cast %mul3A_259 : vector<16xf32> to vector<1x16xf32>
      tpu.vector_store %arg10[%swap3A_260, %swap3A_261], %swap3A_264 {strides = array<i32>} : memref<128x64xf32, #tpu.memory_space<vmem>>, vector<1x16xf32>,
      %mul3A_265 = arith.constant 5.000000e-03 : f32
      %mul3A_266 = vector.broadcast %mul3A_265 : f32 to vector<16xf32>
      %mul3A_267 = arith.mulf %scan3A_239#3, %mul3A_266 : vector<16xf32>
      %swap3A_268 = arith.index_cast %add3A_232 : i32 to index
      %swap3A_269 = arith.constant 48 : index
      %swap3A_270 = tpu.vector_load %arg10[%swap3A_268, %swap3A_269] {strides = array<i32>} : memref<128x64xf32, #tpu.memory_space<vmem>>, vector<1x16xf32>,
      %swap3A_271 = vector.shape_cast %swap3A_270 : vector<1x16xf32> to vector<16xf32>
      %swap3A_272 = vector.shape_cast %mul3A_267 : vector<16xf32> to vector<1x16xf32>
      tpu.vector_store %arg10[%swap3A_268, %swap3A_269], %swap3A_272 {strides = array<i32>} : memref<128x64xf32, #tpu.memory_space<vmem>>, vector<1x16xf32>,
      %add3A_273 = arith.constant 2 : i32
      %add3A_274 = arith.addi %mul3A_161, %add3A_273 : i32
      %add3A_275 = arith.constant 4 : i32
      %add3A_276 = arith.addi %add3A_274, %add3A_275 : i32
      %sub3A_277 = arith.constant 1 : i32
      %sub3A_278 = arith.subi %add3A_276, %sub3A_277 : i32
      %lt3A_279 = arith.constant 128 : i32
      %lt3A_280 = arith.cmpi slt, %sub3A_278, %lt3A_279 : i32
      %convert_element_type3A_281 = arith.extui %lt3A_280 : i1 to i32
      %cond3A_282 = arith.constant 0 : i32
      %cond3A_283 = arith.cmpi ne, %convert_element_type3A_281, %cond3A_282 : i32
      scf.if %cond3A_283 {
        %mul3A_391 = arith.constant 5 : i32
        %mul3A_392 = arith.muli %mul3A_391, %sub3A_278 : i32
        %add3A_393 = arith.constant 0 : i32
        %add3A_394 = arith.addi %mul3A_392, %add3A_393 : i32
        %dma_start3A_395 = arith.constant 0 : i32
        %dma_start3A_396 = arith.constant 0 : i32
        %dma_start3A_397 = tpu.memref_slice %arg7[%dma_start3A_395, %dma_start3A_396] : memref<200x64xf32, #tpu.memory_space<vmem>> -> memref<40x64xf32, #tpu.memory_space<vmem>>
        %dma_start3A_398 = arith.constant 0 : i32
        %dma_start3A_399 = tpu.memref_slice %arg5[%add3A_394, %dma_start3A_398] : memref<640x40xi32, #tpu.memory_space<vmem>> -> memref<1x40xi32, #tpu.memory_space<vmem>>
        %dma_start3A_400 = tpu.memref_squeeze %dma_start3A_399 : memref<1x40xi32, #tpu.memory_space<vmem>> -> memref<40xi32, #tpu.memory_space<vmem>>
        %dma_start3A_401 = arith.constant 0 : i32
        %dma_start3A_402 = arith.constant 0 : i32
        %dma_start3A_403 = tpu.memref_slice %arg3[%dma_start3A_401, %dma_start3A_402] : memref<1000000x64xf32, #tpu.memory_space<hbm>> -> memref<1000000x64xf32, #tpu.memory_space<hbm>>
        tpu.enqueue_indirect_dma source(%dma_start3A_403 : memref<1000000x64xf32, #tpu.memory_space<hbm>>) target(%dma_start3A_397 : memref<40x64xf32, #tpu.memory_space<vmem>>) offsets(%dma_start3A_400 : memref<40xi32, #tpu.memory_space<vmem>>) semaphore(%arg12 : memref<!tpu.dma_semaphore, #tpu.memory_space<semaphore_mem>>)
        %mul3A_404 = arith.constant 5 : i32
        %mul3A_405 = arith.muli %mul3A_404, %sub3A_278 : i32
        %add3A_406 = arith.constant 1 : i32
        %add3A_407 = arith.addi %mul3A_405, %add3A_406 : i32
        %dma_start3A_408 = arith.constant 40 : i32
        %dma_start3A_409 = arith.constant 0 : i32
        %dma_start3A_410 = tpu.memref_slice %arg7[%dma_start3A_408, %dma_start3A_409] : memref<200x64xf32, #tpu.memory_space<vmem>> -> memref<40x64xf32, #tpu.memory_space<vmem>>
        %dma_start3A_411 = arith.constant 0 : i32
        %dma_start3A_412 = tpu.memref_slice %arg5[%add3A_407, %dma_start3A_411] : memref<640x40xi32, #tpu.memory_space<vmem>> -> memref<1x40xi32, #tpu.memory_space<vmem>>
        %dma_start3A_413 = tpu.memref_squeeze %dma_start3A_412 : memref<1x40xi32, #tpu.memory_space<vmem>> -> memref<40xi32, #tpu.memory_space<vmem>>
        %dma_start3A_414 = arith.constant 0 : i32
        %dma_start3A_415 = arith.constant 0 : i32
        %dma_start3A_416 = tpu.memref_slice %arg3[%dma_start3A_414, %dma_start3A_415] : memref<1000000x64xf32, #tpu.memory_space<hbm>> -> memref<1000000x64xf32, #tpu.memory_space<hbm>>
        tpu.enqueue_indirect_dma source(%dma_start3A_416 : memref<1000000x64xf32, #tpu.memory_space<hbm>>) target(%dma_start3A_410 : memref<40x64xf32, #tpu.memory_space<vmem>>) offsets(%dma_start3A_413 : memref<40xi32, #tpu.memory_space<vmem>>) semaphore(%arg12 : memref<!tpu.dma_semaphore, #tpu.memory_space<semaphore_mem>>)
        %mul3A_417 = arith.constant 5 : i32
        %mul3A_418 = arith.muli %mul3A_417, %sub3A_278 : i32
        %add3A_419 = arith.constant 2 : i32
        %add3A_420 = arith.addi %mul3A_418, %add3A_419 : i32
        %dma_start3A_421 = arith.constant 80 : i32
        %dma_start3A_422 = arith.constant 0 : i32
        %dma_start3A_423 = tpu.memref_slice %arg7[%dma_start3A_421, %dma_start3A_422] : memref<200x64xf32, #tpu.memory_space<vmem>> -> memref<40x64xf32, #tpu.memory_space<vmem>>
        %dma_start3A_424 = arith.constant 0 : i32
        %dma_start3A_425 = tpu.memref_slice %arg5[%add3A_420, %dma_start3A_424] : memref<640x40xi32, #tpu.memory_space<vmem>> -> memref<1x40xi32, #tpu.memory_space<vmem>>
        %dma_start3A_426 = tpu.memref_squeeze %dma_start3A_425 : memref<1x40xi32, #tpu.memory_space<vmem>> -> memref<40xi32, #tpu.memory_space<vmem>>
        %dma_start3A_427 = arith.constant 0 : i32
        %dma_start3A_428 = arith.constant 0 : i32
        %dma_start3A_429 = tpu.memref_slice %arg3[%dma_start3A_427, %dma_start3A_428] : memref<1000000x64xf32, #tpu.memory_space<hbm>> -> memref<1000000x64xf32, #tpu.memory_space<hbm>>
        tpu.enqueue_indirect_dma source(%dma_start3A_429 : memref<1000000x64xf32, #tpu.memory_space<hbm>>) target(%dma_start3A_423 : memref<40x64xf32, #tpu.memory_space<vmem>>) offsets(%dma_start3A_426 : memref<40xi32, #tpu.memory_space<vmem>>) semaphore(%arg12 : memref<!tpu.dma_semaphore, #tpu.memory_space<semaphore_mem>>)
        %mul3A_430 = arith.constant 5 : i32
        %mul3A_431 = arith.muli %mul3A_430, %sub3A_278 : i32
        %add3A_432 = arith.constant 3 : i32
        %add3A_433 = arith.addi %mul3A_431, %add3A_432 : i32
        %dma_start3A_434 = arith.constant 120 : i32
        %dma_start3A_435 = arith.constant 0 : i32
        %dma_start3A_436 = tpu.memref_slice %arg7[%dma_start3A_434, %dma_start3A_435] : memref<200x64xf32, #tpu.memory_space<vmem>> -> memref<40x64xf32, #tpu.memory_space<vmem>>
        %dma_start3A_437 = arith.constant 0 : i32
        %dma_start3A_438 = tpu.memref_slice %arg5[%add3A_433, %dma_start3A_437] : memref<640x40xi32, #tpu.memory_space<vmem>> -> memref<1x40xi32, #tpu.memory_space<vmem>>
        %dma_start3A_439 = tpu.memref_squeeze %dma_start3A_438 : memref<1x40xi32, #tpu.memory_space<vmem>> -> memref<40xi32, #tpu.memory_space<vmem>>
        %dma_start3A_440 = arith.constant 0 : i32
        %dma_start3A_441 = arith.constant 0 : i32
        %dma_start3A_442 = tpu.memref_slice %arg3[%dma_start3A_440, %dma_start3A_441] : memref<1000000x64xf32, #tpu.memory_space<hbm>> -> memref<1000000x64xf32, #tpu.memory_space<hbm>>
        tpu.enqueue_indirect_dma source(%dma_start3A_442 : memref<1000000x64xf32, #tpu.memory_space<hbm>>) target(%dma_start3A_436 : memref<40x64xf32, #tpu.memory_space<vmem>>) offsets(%dma_start3A_439 : memref<40xi32, #tpu.memory_space<vmem>>) semaphore(%arg12 : memref<!tpu.dma_semaphore, #tpu.memory_space<semaphore_mem>>)
        %mul3A_443 = arith.constant 5 : i32
        %mul3A_444 = arith.muli %mul3A_443, %sub3A_278 : i32
        %add3A_445 = arith.constant 4 : i32
        %add3A_446 = arith.addi %mul3A_444, %add3A_445 : i32
        %dma_start3A_447 = arith.constant 160 : i32
        %dma_start3A_448 = arith.constant 0 : i32
        %dma_start3A_449 = tpu.memref_slice %arg7[%dma_start3A_447, %dma_start3A_448] : memref<200x64xf32, #tpu.memory_space<vmem>> -> memref<40x64xf32, #tpu.memory_space<vmem>>
        %dma_start3A_450 = arith.constant 0 : i32
        %dma_start3A_451 = tpu.memref_slice %arg5[%add3A_446, %dma_start3A_450] : memref<640x40xi32, #tpu.memory_space<vmem>> -> memref<1x40xi32, #tpu.memory_space<vmem>>
        %dma_start3A_452 = tpu.memref_squeeze %dma_start3A_451 : memref<1x40xi32, #tpu.memory_space<vmem>> -> memref<40xi32, #tpu.memory_space<vmem>>
        %dma_start3A_453 = arith.constant 0 : i32
        %dma_start3A_454 = arith.constant 0 : i32
        %dma_start3A_455 = tpu.memref_slice %arg3[%dma_start3A_453, %dma_start3A_454] : memref<1000000x64xf32, #tpu.memory_space<hbm>> -> memref<1000000x64xf32, #tpu.memory_space<hbm>>
        tpu.enqueue_indirect_dma source(%dma_start3A_455 : memref<1000000x64xf32, #tpu.memory_space<hbm>>) target(%dma_start3A_449 : memref<40x64xf32, #tpu.memory_space<vmem>>) offsets(%dma_start3A_452 : memref<40xi32, #tpu.memory_space<vmem>>) semaphore(%arg12 : memref<!tpu.dma_semaphore, #tpu.memory_space<semaphore_mem>>)
      } else {
      }
      %dma_wait3A_284 = arith.constant 0 : i32
      %dma_wait3A_285 = arith.constant 0 : i32
      %dma_wait3A_286 = tpu.memref_slice %arg3[%dma_wait3A_284, %dma_wait3A_285] : memref<1000000x64xf32, #tpu.memory_space<hbm>> -> memref<200x64xf32, #tpu.memory_space<hbm>>
      %dma_wait3A_287 = arith.constant 0 : i32
      %dma_wait3A_288 = arith.constant 0 : i32
      %dma_wait3A_289 = tpu.memref_slice %arg3[%dma_wait3A_287, %dma_wait3A_288] : memref<1000000x64xf32, #tpu.memory_space<hbm>> -> memref<200x64xf32, #tpu.memory_space<hbm>>
      tpu.wait_dma2 semaphore(%arg13 : memref<!tpu.dma_semaphore, #tpu.memory_space<semaphore_mem>>) src(%dma_wait3A_289 : memref<200x64xf32, #tpu.memory_space<hbm>>) dst(%arg8 : memref<200x64xf32, #tpu.memory_space<vmem>>)
      %add3A_290 = arith.constant 2 : i32
      %add3A_291 = arith.addi %mul3A_161, %add3A_290 : i32
      %broadcast_in_dim3A_292 = arith.constant 0.000000e+00 : f32
      %broadcast_in_dim3A_293 = vector.broadcast %broadcast_in_dim3A_292 : f32 to vector<16xf32>
      %scan3A_294 = arith.constant 0 : i32
      %scan3A_295 = arith.constant 10 : i32
      %scan3A_296 = arith.addi %scan3A_294, %scan3A_295 : i32
      %scan3A_297 = arith.constant 1 : i32
      %scan3A_298:4 = scf.for %scan3A_391 = %scan3A_294 to %scan3A_296 step %scan3A_297 iter_args(%scan3A_392 = %broadcast_in_dim3A_293, %scan3A_393 = %broadcast_in_dim3A_293, %scan3A_394 = %broadcast_in_dim3A_293, %scan3A_395 = %broadcast_in_dim3A_293) -> (vector<16xf32>, vector<16xf32>, vector<16xf32>, vector<16xf32>)  : i32 {
        %mul3A_396 = arith.constant 20 : i32
        %mul3A_397 = arith.muli %mul3A_396, %scan3A_391 : i32
        %add3A_398 = arith.constant 0 : i32
        %add3A_399 = arith.addi %mul3A_397, %add3A_398 : i32
        %get3A = arith.index_cast %add3A_399 : i32 to index
        %get3A_400 = arith.constant 0 : index
        %get3A_401 = tpu.vector_load %arg8[%get3A, %get3A_400] {strides = array<i32>} : memref<200x64xf32, #tpu.memory_space<vmem>>, vector<1x16xf32>,
        %get3A_402 = vector.shape_cast %get3A_401 : vector<1x16xf32> to vector<16xf32>
        %add3A_403 = arith.addf %scan3A_392, %get3A_402 : vector<16xf32>
        %add3A_404 = arith.constant 0 : i32
        %add3A_405 = arith.addi %mul3A_397, %add3A_404 : i32
        %get3A_406 = arith.index_cast %add3A_405 : i32 to index
        %get3A_407 = arith.constant 16 : index
        %get3A_408 = tpu.vector_load %arg8[%get3A_406, %get3A_407] {strides = array<i32>} : memref<200x64xf32, #tpu.memory_space<vmem>>, vector<1x16xf32>,
        %get3A_409 = vector.shape_cast %get3A_408 : vector<1x16xf32> to vector<16xf32>
        %add3A_410 = arith.addf %scan3A_393, %get3A_409 : vector<16xf32>
        %add3A_411 = arith.constant 0 : i32
        %add3A_412 = arith.addi %mul3A_397, %add3A_411 : i32
        %get3A_413 = arith.index_cast %add3A_412 : i32 to index
        %get3A_414 = arith.constant 32 : index
        %get3A_415 = tpu.vector_load %arg8[%get3A_413, %get3A_414] {strides = array<i32>} : memref<200x64xf32, #tpu.memory_space<vmem>>, vector<1x16xf32>,
        %get3A_416 = vector.shape_cast %get3A_415 : vector<1x16xf32> to vector<16xf32>
        %add3A_417 = arith.addf %scan3A_394, %get3A_416 : vector<16xf32>
        %add3A_418 = arith.constant 0 : i32
        %add3A_419 = arith.addi %mul3A_397, %add3A_418 : i32
        %get3A_420 = arith.index_cast %add3A_419 : i32 to index
        %get3A_421 = arith.constant 48 : index
        %get3A_422 = tpu.vector_load %arg8[%get3A_420, %get3A_421] {strides = array<i32>} : memref<200x64xf32, #tpu.memory_space<vmem>>, vector<1x16xf32>,
        %get3A_423 = vector.shape_cast %get3A_422 : vector<1x16xf32> to vector<16xf32>
        %add3A_424 = arith.addf %scan3A_395, %get3A_423 : vector<16xf32>
        %add3A_425 = arith.constant 1 : i32
        %add3A_426 = arith.addi %mul3A_397, %add3A_425 : i32
        %get3A_427 = arith.index_cast %add3A_426 : i32 to index
        %get3A_428 = arith.constant 0 : index
        %get3A_429 = tpu.vector_load %arg8[%get3A_427, %get3A_428] {strides = array<i32>} : memref<200x64xf32, #tpu.memory_space<vmem>>, vector<1x16xf32>,
        %get3A_430 = vector.shape_cast %get3A_429 : vector<1x16xf32> to vector<16xf32>
        %add3A_431 = arith.addf %add3A_403, %get3A_430 : vector<16xf32>
        %add3A_432 = arith.constant 1 : i32
        %add3A_433 = arith.addi %mul3A_397, %add3A_432 : i32
        %get3A_434 = arith.index_cast %add3A_433 : i32 to index
        %get3A_435 = arith.constant 16 : index
        %get3A_436 = tpu.vector_load %arg8[%get3A_434, %get3A_435] {strides = array<i32>} : memref<200x64xf32, #tpu.memory_space<vmem>>, vector<1x16xf32>,
        %get3A_437 = vector.shape_cast %get3A_436 : vector<1x16xf32> to vector<16xf32>
        %add3A_438 = arith.addf %add3A_410, %get3A_437 : vector<16xf32>
        %add3A_439 = arith.constant 1 : i32
        %add3A_440 = arith.addi %mul3A_397, %add3A_439 : i32
        %get3A_441 = arith.index_cast %add3A_440 : i32 to index
        %get3A_442 = arith.constant 32 : index
        %get3A_443 = tpu.vector_load %arg8[%get3A_441, %get3A_442] {strides = array<i32>} : memref<200x64xf32, #tpu.memory_space<vmem>>, vector<1x16xf32>,
        %get3A_444 = vector.shape_cast %get3A_443 : vector<1x16xf32> to vector<16xf32>
        %add3A_445 = arith.addf %add3A_417, %get3A_444 : vector<16xf32>
        %add3A_446 = arith.constant 1 : i32
        %add3A_447 = arith.addi %mul3A_397, %add3A_446 : i32
        %get3A_448 = arith.index_cast %add3A_447 : i32 to index
        %get3A_449 = arith.constant 48 : index
        %get3A_450 = tpu.vector_load %arg8[%get3A_448, %get3A_449] {strides = array<i32>} : memref<200x64xf32, #tpu.memory_space<vmem>>, vector<1x16xf32>,
        %get3A_451 = vector.shape_cast %get3A_450 : vector<1x16xf32> to vector<16xf32>
        %add3A_452 = arith.addf %add3A_424, %get3A_451 : vector<16xf32>
        %add3A_453 = arith.constant 2 : i32
        %add3A_454 = arith.addi %mul3A_397, %add3A_453 : i32
        %get3A_455 = arith.index_cast %add3A_454 : i32 to index
        %get3A_456 = arith.constant 0 : index
        %get3A_457 = tpu.vector_load %arg8[%get3A_455, %get3A_456] {strides = array<i32>} : memref<200x64xf32, #tpu.memory_space<vmem>>, vector<1x16xf32>,
        %get3A_458 = vector.shape_cast %get3A_457 : vector<1x16xf32> to vector<16xf32>
        %add3A_459 = arith.addf %add3A_431, %get3A_458 : vector<16xf32>
        %add3A_460 = arith.constant 2 : i32
        %add3A_461 = arith.addi %mul3A_397, %add3A_460 : i32
        %get3A_462 = arith.index_cast %add3A_461 : i32 to index
        %get3A_463 = arith.constant 16 : index
        %get3A_464 = tpu.vector_load %arg8[%get3A_462, %get3A_463] {strides = array<i32>} : memref<200x64xf32, #tpu.memory_space<vmem>>, vector<1x16xf32>,
        %get3A_465 = vector.shape_cast %get3A_464 : vector<1x16xf32> to vector<16xf32>
        %add3A_466 = arith.addf %add3A_438, %get3A_465 : vector<16xf32>
        %add3A_467 = arith.constant 2 : i32
        %add3A_468 = arith.addi %mul3A_397, %add3A_467 : i32
        %get3A_469 = arith.index_cast %add3A_468 : i32 to index
        %get3A_470 = arith.constant 32 : index
        %get3A_471 = tpu.vector_load %arg8[%get3A_469, %get3A_470] {strides = array<i32>} : memref<200x64xf32, #tpu.memory_space<vmem>>, vector<1x16xf32>,
        %get3A_472 = vector.shape_cast %get3A_471 : vector<1x16xf32> to vector<16xf32>
        %add3A_473 = arith.addf %add3A_445, %get3A_472 : vector<16xf32>
        %add3A_474 = arith.constant 2 : i32
        %add3A_475 = arith.addi %mul3A_397, %add3A_474 : i32
        %get3A_476 = arith.index_cast %add3A_475 : i32 to index
        %get3A_477 = arith.constant 48 : index
        %get3A_478 = tpu.vector_load %arg8[%get3A_476, %get3A_477] {strides = array<i32>} : memref<200x64xf32, #tpu.memory_space<vmem>>, vector<1x16xf32>,
        %get3A_479 = vector.shape_cast %get3A_478 : vector<1x16xf32> to vector<16xf32>
        %add3A_480 = arith.addf %add3A_452, %get3A_479 : vector<16xf32>
        %add3A_481 = arith.constant 3 : i32
        %add3A_482 = arith.addi %mul3A_397, %add3A_481 : i32
        %get3A_483 = arith.index_cast %add3A_482 : i32 to index
        %get3A_484 = arith.constant 0 : index
        %get3A_485 = tpu.vector_load %arg8[%get3A_483, %get3A_484] {strides = array<i32>} : memref<200x64xf32, #tpu.memory_space<vmem>>, vector<1x16xf32>,
        %get3A_486 = vector.shape_cast %get3A_485 : vector<1x16xf32> to vector<16xf32>
        %add3A_487 = arith.addf %add3A_459, %get3A_486 : vector<16xf32>
        %add3A_488 = arith.constant 3 : i32
        %add3A_489 = arith.addi %mul3A_397, %add3A_488 : i32
        %get3A_490 = arith.index_cast %add3A_489 : i32 to index
        %get3A_491 = arith.constant 16 : index
        %get3A_492 = tpu.vector_load %arg8[%get3A_490, %get3A_491] {strides = array<i32>} : memref<200x64xf32, #tpu.memory_space<vmem>>, vector<1x16xf32>,
        %get3A_493 = vector.shape_cast %get3A_492 : vector<1x16xf32> to vector<16xf32>
        %add3A_494 = arith.addf %add3A_466, %get3A_493 : vector<16xf32>
        %add3A_495 = arith.constant 3 : i32
        %add3A_496 = arith.addi %mul3A_397, %add3A_495 : i32
        %get3A_497 = arith.index_cast %add3A_496 : i32 to index
        %get3A_498 = arith.constant 32 : index
        %get3A_499 = tpu.vector_load %arg8[%get3A_497, %get3A_498] {strides = array<i32>} : memref<200x64xf32, #tpu.memory_space<vmem>>, vector<1x16xf32>,
        %get3A_500 = vector.shape_cast %get3A_499 : vector<1x16xf32> to vector<16xf32>
        %add3A_501 = arith.addf %add3A_473, %get3A_500 : vector<16xf32>
        %add3A_502 = arith.constant 3 : i32
        %add3A_503 = arith.addi %mul3A_397, %add3A_502 : i32
        %get3A_504 = arith.index_cast %add3A_503 : i32 to index
        %get3A_505 = arith.constant 48 : index
        %get3A_506 = tpu.vector_load %arg8[%get3A_504, %get3A_505] {strides = array<i32>} : memref<200x64xf32, #tpu.memory_space<vmem>>, vector<1x16xf32>,
        %get3A_507 = vector.shape_cast %get3A_506 : vector<1x16xf32> to vector<16xf32>
        %add3A_508 = arith.addf %add3A_480, %get3A_507 : vector<16xf32>
        %add3A_509 = arith.constant 4 : i32
        %add3A_510 = arith.addi %mul3A_397, %add3A_509 : i32
        %get3A_511 = arith.index_cast %add3A_510 : i32 to index
        %get3A_512 = arith.constant 0 : index
        %get3A_513 = tpu.vector_load %arg8[%get3A_511, %get3A_512] {strides = array<i32>} : memref<200x64xf32, #tpu.memory_space<vmem>>, vector<1x16xf32>,
        %get3A_514 = vector.shape_cast %get3A_513 : vector<1x16xf32> to vector<16xf32>
        %add3A_515 = arith.addf %add3A_487, %get3A_514 : vector<16xf32>
        %add3A_516 = arith.constant 4 : i32
        %add3A_517 = arith.addi %mul3A_397, %add3A_516 : i32
        %get3A_518 = arith.index_cast %add3A_517 : i32 to index
        %get3A_519 = arith.constant 16 : index
        %get3A_520 = tpu.vector_load %arg8[%get3A_518, %get3A_519] {strides = array<i32>} : memref<200x64xf32, #tpu.memory_space<vmem>>, vector<1x16xf32>,
        %get3A_521 = vector.shape_cast %get3A_520 : vector<1x16xf32> to vector<16xf32>
        %add3A_522 = arith.addf %add3A_494, %get3A_521 : vector<16xf32>
        %add3A_523 = arith.constant 4 : i32
        %add3A_524 = arith.addi %mul3A_397, %add3A_523 : i32
        %get3A_525 = arith.index_cast %add3A_524 : i32 to index
        %get3A_526 = arith.constant 32 : index
        %get3A_527 = tpu.vector_load %arg8[%get3A_525, %get3A_526] {strides = array<i32>} : memref<200x64xf32, #tpu.memory_space<vmem>>, vector<1x16xf32>,
        %get3A_528 = vector.shape_cast %get3A_527 : vector<1x16xf32> to vector<16xf32>
        %add3A_529 = arith.addf %add3A_501, %get3A_528 : vector<16xf32>
        %add3A_530 = arith.constant 4 : i32
        %add3A_531 = arith.addi %mul3A_397, %add3A_530 : i32
        %get3A_532 = arith.index_cast %add3A_531 : i32 to index
        %get3A_533 = arith.constant 48 : index
        %get3A_534 = tpu.vector_load %arg8[%get3A_532, %get3A_533] {strides = array<i32>} : memref<200x64xf32, #tpu.memory_space<vmem>>, vector<1x16xf32>,
        %get3A_535 = vector.shape_cast %get3A_534 : vector<1x16xf32> to vector<16xf32>
        %add3A_536 = arith.addf %add3A_508, %get3A_535 : vector<16xf32>
        %add3A_537 = arith.constant 5 : i32
        %add3A_538 = arith.addi %mul3A_397, %add3A_537 : i32
        %get3A_539 = arith.index_cast %add3A_538 : i32 to index
        %get3A_540 = arith.constant 0 : index
        %get3A_541 = tpu.vector_load %arg8[%get3A_539, %get3A_540] {strides = array<i32>} : memref<200x64xf32, #tpu.memory_space<vmem>>, vector<1x16xf32>,
        %get3A_542 = vector.shape_cast %get3A_541 : vector<1x16xf32> to vector<16xf32>
        %add3A_543 = arith.addf %add3A_515, %get3A_542 : vector<16xf32>
        %add3A_544 = arith.constant 5 : i32
        %add3A_545 = arith.addi %mul3A_397, %add3A_544 : i32
        %get3A_546 = arith.index_cast %add3A_545 : i32 to index
        %get3A_547 = arith.constant 16 : index
        %get3A_548 = tpu.vector_load %arg8[%get3A_546, %get3A_547] {strides = array<i32>} : memref<200x64xf32, #tpu.memory_space<vmem>>, vector<1x16xf32>,
        %get3A_549 = vector.shape_cast %get3A_548 : vector<1x16xf32> to vector<16xf32>
        %add3A_550 = arith.addf %add3A_522, %get3A_549 : vector<16xf32>
        %add3A_551 = arith.constant 5 : i32
        %add3A_552 = arith.addi %mul3A_397, %add3A_551 : i32
        %get3A_553 = arith.index_cast %add3A_552 : i32 to index
        %get3A_554 = arith.constant 32 : index
        %get3A_555 = tpu.vector_load %arg8[%get3A_553, %get3A_554] {strides = array<i32>} : memref<200x64xf32, #tpu.memory_space<vmem>>, vector<1x16xf32>,
        %get3A_556 = vector.shape_cast %get3A_555 : vector<1x16xf32> to vector<16xf32>
        %add3A_557 = arith.addf %add3A_529, %get3A_556 : vector<16xf32>
        %add3A_558 = arith.constant 5 : i32
        %add3A_559 = arith.addi %mul3A_397, %add3A_558 : i32
        %get3A_560 = arith.index_cast %add3A_559 : i32 to index
        %get3A_561 = arith.constant 48 : index
        %get3A_562 = tpu.vector_load %arg8[%get3A_560, %get3A_561] {strides = array<i32>} : memref<200x64xf32, #tpu.memory_space<vmem>>, vector<1x16xf32>,
        %get3A_563 = vector.shape_cast %get3A_562 : vector<1x16xf32> to vector<16xf32>
        %add3A_564 = arith.addf %add3A_536, %get3A_563 : vector<16xf32>
        %add3A_565 = arith.constant 6 : i32
        %add3A_566 = arith.addi %mul3A_397, %add3A_565 : i32
        %get3A_567 = arith.index_cast %add3A_566 : i32 to index
        %get3A_568 = arith.constant 0 : index
        %get3A_569 = tpu.vector_load %arg8[%get3A_567, %get3A_568] {strides = array<i32>} : memref<200x64xf32, #tpu.memory_space<vmem>>, vector<1x16xf32>,
        %get3A_570 = vector.shape_cast %get3A_569 : vector<1x16xf32> to vector<16xf32>
        %add3A_571 = arith.addf %add3A_543, %get3A_570 : vector<16xf32>
        %add3A_572 = arith.constant 6 : i32
        %add3A_573 = arith.addi %mul3A_397, %add3A_572 : i32
        %get3A_574 = arith.index_cast %add3A_573 : i32 to index
        %get3A_575 = arith.constant 16 : index
        %get3A_576 = tpu.vector_load %arg8[%get3A_574, %get3A_575] {strides = array<i32>} : memref<200x64xf32, #tpu.memory_space<vmem>>, vector<1x16xf32>,
        %get3A_577 = vector.shape_cast %get3A_576 : vector<1x16xf32> to vector<16xf32>
        %add3A_578 = arith.addf %add3A_550, %get3A_577 : vector<16xf32>
        %add3A_579 = arith.constant 6 : i32
        %add3A_580 = arith.addi %mul3A_397, %add3A_579 : i32
        %get3A_581 = arith.index_cast %add3A_580 : i32 to index
        %get3A_582 = arith.constant 32 : index
        %get3A_583 = tpu.vector_load %arg8[%get3A_581, %get3A_582] {strides = array<i32>} : memref<200x64xf32, #tpu.memory_space<vmem>>, vector<1x16xf32>,
        %get3A_584 = vector.shape_cast %get3A_583 : vector<1x16xf32> to vector<16xf32>
        %add3A_585 = arith.addf %add3A_557, %get3A_584 : vector<16xf32>
        %add3A_586 = arith.constant 6 : i32
        %add3A_587 = arith.addi %mul3A_397, %add3A_586 : i32
        %get3A_588 = arith.index_cast %add3A_587 : i32 to index
        %get3A_589 = arith.constant 48 : index
        %get3A_590 = tpu.vector_load %arg8[%get3A_588, %get3A_589] {strides = array<i32>} : memref<200x64xf32, #tpu.memory_space<vmem>>, vector<1x16xf32>,
        %get3A_591 = vector.shape_cast %get3A_590 : vector<1x16xf32> to vector<16xf32>
        %add3A_592 = arith.addf %add3A_564, %get3A_591 : vector<16xf32>
        %add3A_593 = arith.constant 7 : i32
        %add3A_594 = arith.addi %mul3A_397, %add3A_593 : i32
        %get3A_595 = arith.index_cast %add3A_594 : i32 to index
        %get3A_596 = arith.constant 0 : index
        %get3A_597 = tpu.vector_load %arg8[%get3A_595, %get3A_596] {strides = array<i32>} : memref<200x64xf32, #tpu.memory_space<vmem>>, vector<1x16xf32>,
        %get3A_598 = vector.shape_cast %get3A_597 : vector<1x16xf32> to vector<16xf32>
        %add3A_599 = arith.addf %add3A_571, %get3A_598 : vector<16xf32>
        %add3A_600 = arith.constant 7 : i32
        %add3A_601 = arith.addi %mul3A_397, %add3A_600 : i32
        %get3A_602 = arith.index_cast %add3A_601 : i32 to index
        %get3A_603 = arith.constant 16 : index
        %get3A_604 = tpu.vector_load %arg8[%get3A_602, %get3A_603] {strides = array<i32>} : memref<200x64xf32, #tpu.memory_space<vmem>>, vector<1x16xf32>,
        %get3A_605 = vector.shape_cast %get3A_604 : vector<1x16xf32> to vector<16xf32>
        %add3A_606 = arith.addf %add3A_578, %get3A_605 : vector<16xf32>
        %add3A_607 = arith.constant 7 : i32
        %add3A_608 = arith.addi %mul3A_397, %add3A_607 : i32
        %get3A_609 = arith.index_cast %add3A_608 : i32 to index
        %get3A_610 = arith.constant 32 : index
        %get3A_611 = tpu.vector_load %arg8[%get3A_609, %get3A_610] {strides = array<i32>} : memref<200x64xf32, #tpu.memory_space<vmem>>, vector<1x16xf32>,
        %get3A_612 = vector.shape_cast %get3A_611 : vector<1x16xf32> to vector<16xf32>
        %add3A_613 = arith.addf %add3A_585, %get3A_612 : vector<16xf32>
        %add3A_614 = arith.constant 7 : i32
        %add3A_615 = arith.addi %mul3A_397, %add3A_614 : i32
        %get3A_616 = arith.index_cast %add3A_615 : i32 to index
        %get3A_617 = arith.constant 48 : index
        %get3A_618 = tpu.vector_load %arg8[%get3A_616, %get3A_617] {strides = array<i32>} : memref<200x64xf32, #tpu.memory_space<vmem>>, vector<1x16xf32>,
        %get3A_619 = vector.shape_cast %get3A_618 : vector<1x16xf32> to vector<16xf32>
        %add3A_620 = arith.addf %add3A_592, %get3A_619 : vector<16xf32>
        %add3A_621 = arith.constant 8 : i32
        %add3A_622 = arith.addi %mul3A_397, %add3A_621 : i32
        %get3A_623 = arith.index_cast %add3A_622 : i32 to index
        %get3A_624 = arith.constant 0 : index
        %get3A_625 = tpu.vector_load %arg8[%get3A_623, %get3A_624] {strides = array<i32>} : memref<200x64xf32, #tpu.memory_space<vmem>>, vector<1x16xf32>,
        %get3A_626 = vector.shape_cast %get3A_625 : vector<1x16xf32> to vector<16xf32>
        %add3A_627 = arith.addf %add3A_599, %get3A_626 : vector<16xf32>
        %add3A_628 = arith.constant 8 : i32
        %add3A_629 = arith.addi %mul3A_397, %add3A_628 : i32
        %get3A_630 = arith.index_cast %add3A_629 : i32 to index
        %get3A_631 = arith.constant 16 : index
        %get3A_632 = tpu.vector_load %arg8[%get3A_630, %get3A_631] {strides = array<i32>} : memref<200x64xf32, #tpu.memory_space<vmem>>, vector<1x16xf32>,
        %get3A_633 = vector.shape_cast %get3A_632 : vector<1x16xf32> to vector<16xf32>
        %add3A_634 = arith.addf %add3A_606, %get3A_633 : vector<16xf32>
        %add3A_635 = arith.constant 8 : i32
        %add3A_636 = arith.addi %mul3A_397, %add3A_635 : i32
        %get3A_637 = arith.index_cast %add3A_636 : i32 to index
        %get3A_638 = arith.constant 32 : index
        %get3A_639 = tpu.vector_load %arg8[%get3A_637, %get3A_638] {strides = array<i32>} : memref<200x64xf32, #tpu.memory_space<vmem>>, vector<1x16xf32>,
        %get3A_640 = vector.shape_cast %get3A_639 : vector<1x16xf32> to vector<16xf32>
        %add3A_641 = arith.addf %add3A_613, %get3A_640 : vector<16xf32>
        %add3A_642 = arith.constant 8 : i32
        %add3A_643 = arith.addi %mul3A_397, %add3A_642 : i32
        %get3A_644 = arith.index_cast %add3A_643 : i32 to index
        %get3A_645 = arith.constant 48 : index
        %get3A_646 = tpu.vector_load %arg8[%get3A_644, %get3A_645] {strides = array<i32>} : memref<200x64xf32, #tpu.memory_space<vmem>>, vector<1x16xf32>,
        %get3A_647 = vector.shape_cast %get3A_646 : vector<1x16xf32> to vector<16xf32>
        %add3A_648 = arith.addf %add3A_620, %get3A_647 : vector<16xf32>
        %add3A_649 = arith.constant 9 : i32
        %add3A_650 = arith.addi %mul3A_397, %add3A_649 : i32
        %get3A_651 = arith.index_cast %add3A_650 : i32 to index
        %get3A_652 = arith.constant 0 : index
        %get3A_653 = tpu.vector_load %arg8[%get3A_651, %get3A_652] {strides = array<i32>} : memref<200x64xf32, #tpu.memory_space<vmem>>, vector<1x16xf32>,
        %get3A_654 = vector.shape_cast %get3A_653 : vector<1x16xf32> to vector<16xf32>
        %add3A_655 = arith.addf %add3A_627, %get3A_654 : vector<16xf32>
        %add3A_656 = arith.constant 9 : i32
        %add3A_657 = arith.addi %mul3A_397, %add3A_656 : i32
        %get3A_658 = arith.index_cast %add3A_657 : i32 to index
        %get3A_659 = arith.constant 16 : index
        %get3A_660 = tpu.vector_load %arg8[%get3A_658, %get3A_659] {strides = array<i32>} : memref<200x64xf32, #tpu.memory_space<vmem>>, vector<1x16xf32>,
        %get3A_661 = vector.shape_cast %get3A_660 : vector<1x16xf32> to vector<16xf32>
        %add3A_662 = arith.addf %add3A_634, %get3A_661 : vector<16xf32>
        %add3A_663 = arith.constant 9 : i32
        %add3A_664 = arith.addi %mul3A_397, %add3A_663 : i32
        %get3A_665 = arith.index_cast %add3A_664 : i32 to index
        %get3A_666 = arith.constant 32 : index
        %get3A_667 = tpu.vector_load %arg8[%get3A_665, %get3A_666] {strides = array<i32>} : memref<200x64xf32, #tpu.memory_space<vmem>>, vector<1x16xf32>,
        %get3A_668 = vector.shape_cast %get3A_667 : vector<1x16xf32> to vector<16xf32>
        %add3A_669 = arith.addf %add3A_641, %get3A_668 : vector<16xf32>
        %add3A_670 = arith.constant 9 : i32
        %add3A_671 = arith.addi %mul3A_397, %add3A_670 : i32
        %get3A_672 = arith.index_cast %add3A_671 : i32 to index
        %get3A_673 = arith.constant 48 : index
        %get3A_674 = tpu.vector_load %arg8[%get3A_672, %get3A_673] {strides = array<i32>} : memref<200x64xf32, #tpu.memory_space<vmem>>, vector<1x16xf32>,
        %get3A_675 = vector.shape_cast %get3A_674 : vector<1x16xf32> to vector<16xf32>
        %add3A_676 = arith.addf %add3A_648, %get3A_675 : vector<16xf32>
        %add3A_677 = arith.constant 10 : i32
        %add3A_678 = arith.addi %mul3A_397, %add3A_677 : i32
        %get3A_679 = arith.index_cast %add3A_678 : i32 to index
        %get3A_680 = arith.constant 0 : index
        %get3A_681 = tpu.vector_load %arg8[%get3A_679, %get3A_680] {strides = array<i32>} : memref<200x64xf32, #tpu.memory_space<vmem>>, vector<1x16xf32>,
        %get3A_682 = vector.shape_cast %get3A_681 : vector<1x16xf32> to vector<16xf32>
        %add3A_683 = arith.addf %add3A_655, %get3A_682 : vector<16xf32>
        %add3A_684 = arith.constant 10 : i32
        %add3A_685 = arith.addi %mul3A_397, %add3A_684 : i32
        %get3A_686 = arith.index_cast %add3A_685 : i32 to index
        %get3A_687 = arith.constant 16 : index
        %get3A_688 = tpu.vector_load %arg8[%get3A_686, %get3A_687] {strides = array<i32>} : memref<200x64xf32, #tpu.memory_space<vmem>>, vector<1x16xf32>,
        %get3A_689 = vector.shape_cast %get3A_688 : vector<1x16xf32> to vector<16xf32>
        %add3A_690 = arith.addf %add3A_662, %get3A_689 : vector<16xf32>
        %add3A_691 = arith.constant 10 : i32
        %add3A_692 = arith.addi %mul3A_397, %add3A_691 : i32
        %get3A_693 = arith.index_cast %add3A_692 : i32 to index
        %get3A_694 = arith.constant 32 : index
        %get3A_695 = tpu.vector_load %arg8[%get3A_693, %get3A_694] {strides = array<i32>} : memref<200x64xf32, #tpu.memory_space<vmem>>, vector<1x16xf32>,
        %get3A_696 = vector.shape_cast %get3A_695 : vector<1x16xf32> to vector<16xf32>
        %add3A_697 = arith.addf %add3A_669, %get3A_696 : vector<16xf32>
        %add3A_698 = arith.constant 10 : i32
        %add3A_699 = arith.addi %mul3A_397, %add3A_698 : i32
        %get3A_700 = arith.index_cast %add3A_699 : i32 to index
        %get3A_701 = arith.constant 48 : index
        %get3A_702 = tpu.vector_load %arg8[%get3A_700, %get3A_701] {strides = array<i32>} : memref<200x64xf32, #tpu.memory_space<vmem>>, vector<1x16xf32>,
        %get3A_703 = vector.shape_cast %get3A_702 : vector<1x16xf32> to vector<16xf32>
        %add3A_704 = arith.addf %add3A_676, %get3A_703 : vector<16xf32>
        %add3A_705 = arith.constant 11 : i32
        %add3A_706 = arith.addi %mul3A_397, %add3A_705 : i32
        %get3A_707 = arith.index_cast %add3A_706 : i32 to index
        %get3A_708 = arith.constant 0 : index
        %get3A_709 = tpu.vector_load %arg8[%get3A_707, %get3A_708] {strides = array<i32>} : memref<200x64xf32, #tpu.memory_space<vmem>>, vector<1x16xf32>,
        %get3A_710 = vector.shape_cast %get3A_709 : vector<1x16xf32> to vector<16xf32>
        %add3A_711 = arith.addf %add3A_683, %get3A_710 : vector<16xf32>
        %add3A_712 = arith.constant 11 : i32
        %add3A_713 = arith.addi %mul3A_397, %add3A_712 : i32
        %get3A_714 = arith.index_cast %add3A_713 : i32 to index
        %get3A_715 = arith.constant 16 : index
        %get3A_716 = tpu.vector_load %arg8[%get3A_714, %get3A_715] {strides = array<i32>} : memref<200x64xf32, #tpu.memory_space<vmem>>, vector<1x16xf32>,
        %get3A_717 = vector.shape_cast %get3A_716 : vector<1x16xf32> to vector<16xf32>
        %add3A_718 = arith.addf %add3A_690, %get3A_717 : vector<16xf32>
        %add3A_719 = arith.constant 11 : i32
        %add3A_720 = arith.addi %mul3A_397, %add3A_719 : i32
        %get3A_721 = arith.index_cast %add3A_720 : i32 to index
        %get3A_722 = arith.constant 32 : index
        %get3A_723 = tpu.vector_load %arg8[%get3A_721, %get3A_722] {strides = array<i32>} : memref<200x64xf32, #tpu.memory_space<vmem>>, vector<1x16xf32>,
        %get3A_724 = vector.shape_cast %get3A_723 : vector<1x16xf32> to vector<16xf32>
        %add3A_725 = arith.addf %add3A_697, %get3A_724 : vector<16xf32>
        %add3A_726 = arith.constant 11 : i32
        %add3A_727 = arith.addi %mul3A_397, %add3A_726 : i32
        %get3A_728 = arith.index_cast %add3A_727 : i32 to index
        %get3A_729 = arith.constant 48 : index
        %get3A_730 = tpu.vector_load %arg8[%get3A_728, %get3A_729] {strides = array<i32>} : memref<200x64xf32, #tpu.memory_space<vmem>>, vector<1x16xf32>,
        %get3A_731 = vector.shape_cast %get3A_730 : vector<1x16xf32> to vector<16xf32>
        %add3A_732 = arith.addf %add3A_704, %get3A_731 : vector<16xf32>
        %add3A_733 = arith.constant 12 : i32
        %add3A_734 = arith.addi %mul3A_397, %add3A_733 : i32
        %get3A_735 = arith.index_cast %add3A_734 : i32 to index
        %get3A_736 = arith.constant 0 : index
        %get3A_737 = tpu.vector_load %arg8[%get3A_735, %get3A_736] {strides = array<i32>} : memref<200x64xf32, #tpu.memory_space<vmem>>, vector<1x16xf32>,
        %get3A_738 = vector.shape_cast %get3A_737 : vector<1x16xf32> to vector<16xf32>
        %add3A_739 = arith.addf %add3A_711, %get3A_738 : vector<16xf32>
        %add3A_740 = arith.constant 12 : i32
        %add3A_741 = arith.addi %mul3A_397, %add3A_740 : i32
        %get3A_742 = arith.index_cast %add3A_741 : i32 to index
        %get3A_743 = arith.constant 16 : index
        %get3A_744 = tpu.vector_load %arg8[%get3A_742, %get3A_743] {strides = array<i32>} : memref<200x64xf32, #tpu.memory_space<vmem>>, vector<1x16xf32>,
        %get3A_745 = vector.shape_cast %get3A_744 : vector<1x16xf32> to vector<16xf32>
        %add3A_746 = arith.addf %add3A_718, %get3A_745 : vector<16xf32>
        %add3A_747 = arith.constant 12 : i32
        %add3A_748 = arith.addi %mul3A_397, %add3A_747 : i32
        %get3A_749 = arith.index_cast %add3A_748 : i32 to index
        %get3A_750 = arith.constant 32 : index
        %get3A_751 = tpu.vector_load %arg8[%get3A_749, %get3A_750] {strides = array<i32>} : memref<200x64xf32, #tpu.memory_space<vmem>>, vector<1x16xf32>,
        %get3A_752 = vector.shape_cast %get3A_751 : vector<1x16xf32> to vector<16xf32>
        %add3A_753 = arith.addf %add3A_725, %get3A_752 : vector<16xf32>
        %add3A_754 = arith.constant 12 : i32
        %add3A_755 = arith.addi %mul3A_397, %add3A_754 : i32
        %get3A_756 = arith.index_cast %add3A_755 : i32 to index
        %get3A_757 = arith.constant 48 : index
        %get3A_758 = tpu.vector_load %arg8[%get3A_756, %get3A_757] {strides = array<i32>} : memref<200x64xf32, #tpu.memory_space<vmem>>, vector<1x16xf32>,
        %get3A_759 = vector.shape_cast %get3A_758 : vector<1x16xf32> to vector<16xf32>
        %add3A_760 = arith.addf %add3A_732, %get3A_759 : vector<16xf32>
        %add3A_761 = arith.constant 13 : i32
        %add3A_762 = arith.addi %mul3A_397, %add3A_761 : i32
        %get3A_763 = arith.index_cast %add3A_762 : i32 to index
        %get3A_764 = arith.constant 0 : index
        %get3A_765 = tpu.vector_load %arg8[%get3A_763, %get3A_764] {strides = array<i32>} : memref<200x64xf32, #tpu.memory_space<vmem>>, vector<1x16xf32>,
        %get3A_766 = vector.shape_cast %get3A_765 : vector<1x16xf32> to vector<16xf32>
        %add3A_767 = arith.addf %add3A_739, %get3A_766 : vector<16xf32>
        %add3A_768 = arith.constant 13 : i32
        %add3A_769 = arith.addi %mul3A_397, %add3A_768 : i32
        %get3A_770 = arith.index_cast %add3A_769 : i32 to index
        %get3A_771 = arith.constant 16 : index
        %get3A_772 = tpu.vector_load %arg8[%get3A_770, %get3A_771] {strides = array<i32>} : memref<200x64xf32, #tpu.memory_space<vmem>>, vector<1x16xf32>,
        %get3A_773 = vector.shape_cast %get3A_772 : vector<1x16xf32> to vector<16xf32>
        %add3A_774 = arith.addf %add3A_746, %get3A_773 : vector<16xf32>
        %add3A_775 = arith.constant 13 : i32
        %add3A_776 = arith.addi %mul3A_397, %add3A_775 : i32
        %get3A_777 = arith.index_cast %add3A_776 : i32 to index
        %get3A_778 = arith.constant 32 : index
        %get3A_779 = tpu.vector_load %arg8[%get3A_777, %get3A_778] {strides = array<i32>} : memref<200x64xf32, #tpu.memory_space<vmem>>, vector<1x16xf32>,
        %get3A_780 = vector.shape_cast %get3A_779 : vector<1x16xf32> to vector<16xf32>
        %add3A_781 = arith.addf %add3A_753, %get3A_780 : vector<16xf32>
        %add3A_782 = arith.constant 13 : i32
        %add3A_783 = arith.addi %mul3A_397, %add3A_782 : i32
        %get3A_784 = arith.index_cast %add3A_783 : i32 to index
        %get3A_785 = arith.constant 48 : index
        %get3A_786 = tpu.vector_load %arg8[%get3A_784, %get3A_785] {strides = array<i32>} : memref<200x64xf32, #tpu.memory_space<vmem>>, vector<1x16xf32>,
        %get3A_787 = vector.shape_cast %get3A_786 : vector<1x16xf32> to vector<16xf32>
        %add3A_788 = arith.addf %add3A_760, %get3A_787 : vector<16xf32>
        %add3A_789 = arith.constant 14 : i32
        %add3A_790 = arith.addi %mul3A_397, %add3A_789 : i32
        %get3A_791 = arith.index_cast %add3A_790 : i32 to index
        %get3A_792 = arith.constant 0 : index
        %get3A_793 = tpu.vector_load %arg8[%get3A_791, %get3A_792] {strides = array<i32>} : memref<200x64xf32, #tpu.memory_space<vmem>>, vector<1x16xf32>,
        %get3A_794 = vector.shape_cast %get3A_793 : vector<1x16xf32> to vector<16xf32>
        %add3A_795 = arith.addf %add3A_767, %get3A_794 : vector<16xf32>
        %add3A_796 = arith.constant 14 : i32
        %add3A_797 = arith.addi %mul3A_397, %add3A_796 : i32
        %get3A_798 = arith.index_cast %add3A_797 : i32 to index
        %get3A_799 = arith.constant 16 : index
        %get3A_800 = tpu.vector_load %arg8[%get3A_798, %get3A_799] {strides = array<i32>} : memref<200x64xf32, #tpu.memory_space<vmem>>, vector<1x16xf32>,
        %get3A_801 = vector.shape_cast %get3A_800 : vector<1x16xf32> to vector<16xf32>
        %add3A_802 = arith.addf %add3A_774, %get3A_801 : vector<16xf32>
        %add3A_803 = arith.constant 14 : i32
        %add3A_804 = arith.addi %mul3A_397, %add3A_803 : i32
        %get3A_805 = arith.index_cast %add3A_804 : i32 to index
        %get3A_806 = arith.constant 32 : index
        %get3A_807 = tpu.vector_load %arg8[%get3A_805, %get3A_806] {strides = array<i32>} : memref<200x64xf32, #tpu.memory_space<vmem>>, vector<1x16xf32>,
        %get3A_808 = vector.shape_cast %get3A_807 : vector<1x16xf32> to vector<16xf32>
        %add3A_809 = arith.addf %add3A_781, %get3A_808 : vector<16xf32>
        %add3A_810 = arith.constant 14 : i32
        %add3A_811 = arith.addi %mul3A_397, %add3A_810 : i32
        %get3A_812 = arith.index_cast %add3A_811 : i32 to index
        %get3A_813 = arith.constant 48 : index
        %get3A_814 = tpu.vector_load %arg8[%get3A_812, %get3A_813] {strides = array<i32>} : memref<200x64xf32, #tpu.memory_space<vmem>>, vector<1x16xf32>,
        %get3A_815 = vector.shape_cast %get3A_814 : vector<1x16xf32> to vector<16xf32>
        %add3A_816 = arith.addf %add3A_788, %get3A_815 : vector<16xf32>
        %add3A_817 = arith.constant 15 : i32
        %add3A_818 = arith.addi %mul3A_397, %add3A_817 : i32
        %get3A_819 = arith.index_cast %add3A_818 : i32 to index
        %get3A_820 = arith.constant 0 : index
        %get3A_821 = tpu.vector_load %arg8[%get3A_819, %get3A_820] {strides = array<i32>} : memref<200x64xf32, #tpu.memory_space<vmem>>, vector<1x16xf32>,
        %get3A_822 = vector.shape_cast %get3A_821 : vector<1x16xf32> to vector<16xf32>
        %add3A_823 = arith.addf %add3A_795, %get3A_822 : vector<16xf32>
        %add3A_824 = arith.constant 15 : i32
        %add3A_825 = arith.addi %mul3A_397, %add3A_824 : i32
        %get3A_826 = arith.index_cast %add3A_825 : i32 to index
        %get3A_827 = arith.constant 16 : index
        %get3A_828 = tpu.vector_load %arg8[%get3A_826, %get3A_827] {strides = array<i32>} : memref<200x64xf32, #tpu.memory_space<vmem>>, vector<1x16xf32>,
        %get3A_829 = vector.shape_cast %get3A_828 : vector<1x16xf32> to vector<16xf32>
        %add3A_830 = arith.addf %add3A_802, %get3A_829 : vector<16xf32>
        %add3A_831 = arith.constant 15 : i32
        %add3A_832 = arith.addi %mul3A_397, %add3A_831 : i32
        %get3A_833 = arith.index_cast %add3A_832 : i32 to index
        %get3A_834 = arith.constant 32 : index
        %get3A_835 = tpu.vector_load %arg8[%get3A_833, %get3A_834] {strides = array<i32>} : memref<200x64xf32, #tpu.memory_space<vmem>>, vector<1x16xf32>,
        %get3A_836 = vector.shape_cast %get3A_835 : vector<1x16xf32> to vector<16xf32>
        %add3A_837 = arith.addf %add3A_809, %get3A_836 : vector<16xf32>
        %add3A_838 = arith.constant 15 : i32
        %add3A_839 = arith.addi %mul3A_397, %add3A_838 : i32
        %get3A_840 = arith.index_cast %add3A_839 : i32 to index
        %get3A_841 = arith.constant 48 : index
        %get3A_842 = tpu.vector_load %arg8[%get3A_840, %get3A_841] {strides = array<i32>} : memref<200x64xf32, #tpu.memory_space<vmem>>, vector<1x16xf32>,
        %get3A_843 = vector.shape_cast %get3A_842 : vector<1x16xf32> to vector<16xf32>
        %add3A_844 = arith.addf %add3A_816, %get3A_843 : vector<16xf32>
        %add3A_845 = arith.constant 16 : i32
        %add3A_846 = arith.addi %mul3A_397, %add3A_845 : i32
        %get3A_847 = arith.index_cast %add3A_846 : i32 to index
        %get3A_848 = arith.constant 0 : index
        %get3A_849 = tpu.vector_load %arg8[%get3A_847, %get3A_848] {strides = array<i32>} : memref<200x64xf32, #tpu.memory_space<vmem>>, vector<1x16xf32>,
        %get3A_850 = vector.shape_cast %get3A_849 : vector<1x16xf32> to vector<16xf32>
        %add3A_851 = arith.addf %add3A_823, %get3A_850 : vector<16xf32>
        %add3A_852 = arith.constant 16 : i32
        %add3A_853 = arith.addi %mul3A_397, %add3A_852 : i32
        %get3A_854 = arith.index_cast %add3A_853 : i32 to index
        %get3A_855 = arith.constant 16 : index
        %get3A_856 = tpu.vector_load %arg8[%get3A_854, %get3A_855] {strides = array<i32>} : memref<200x64xf32, #tpu.memory_space<vmem>>, vector<1x16xf32>,
        %get3A_857 = vector.shape_cast %get3A_856 : vector<1x16xf32> to vector<16xf32>
        %add3A_858 = arith.addf %add3A_830, %get3A_857 : vector<16xf32>
        %add3A_859 = arith.constant 16 : i32
        %add3A_860 = arith.addi %mul3A_397, %add3A_859 : i32
        %get3A_861 = arith.index_cast %add3A_860 : i32 to index
        %get3A_862 = arith.constant 32 : index
        %get3A_863 = tpu.vector_load %arg8[%get3A_861, %get3A_862] {strides = array<i32>} : memref<200x64xf32, #tpu.memory_space<vmem>>, vector<1x16xf32>,
        %get3A_864 = vector.shape_cast %get3A_863 : vector<1x16xf32> to vector<16xf32>
        %add3A_865 = arith.addf %add3A_837, %get3A_864 : vector<16xf32>
        %add3A_866 = arith.constant 16 : i32
        %add3A_867 = arith.addi %mul3A_397, %add3A_866 : i32
        %get3A_868 = arith.index_cast %add3A_867 : i32 to index
        %get3A_869 = arith.constant 48 : index
        %get3A_870 = tpu.vector_load %arg8[%get3A_868, %get3A_869] {strides = array<i32>} : memref<200x64xf32, #tpu.memory_space<vmem>>, vector<1x16xf32>,
        %get3A_871 = vector.shape_cast %get3A_870 : vector<1x16xf32> to vector<16xf32>
        %add3A_872 = arith.addf %add3A_844, %get3A_871 : vector<16xf32>
        %add3A_873 = arith.constant 17 : i32
        %add3A_874 = arith.addi %mul3A_397, %add3A_873 : i32
        %get3A_875 = arith.index_cast %add3A_874 : i32 to index
        %get3A_876 = arith.constant 0 : index
        %get3A_877 = tpu.vector_load %arg8[%get3A_875, %get3A_876] {strides = array<i32>} : memref<200x64xf32, #tpu.memory_space<vmem>>, vector<1x16xf32>,
        %get3A_878 = vector.shape_cast %get3A_877 : vector<1x16xf32> to vector<16xf32>
        %add3A_879 = arith.addf %add3A_851, %get3A_878 : vector<16xf32>
        %add3A_880 = arith.constant 17 : i32
        %add3A_881 = arith.addi %mul3A_397, %add3A_880 : i32
        %get3A_882 = arith.index_cast %add3A_881 : i32 to index
        %get3A_883 = arith.constant 16 : index
        %get3A_884 = tpu.vector_load %arg8[%get3A_882, %get3A_883] {strides = array<i32>} : memref<200x64xf32, #tpu.memory_space<vmem>>, vector<1x16xf32>,
        %get3A_885 = vector.shape_cast %get3A_884 : vector<1x16xf32> to vector<16xf32>
        %add3A_886 = arith.addf %add3A_858, %get3A_885 : vector<16xf32>
        %add3A_887 = arith.constant 17 : i32
        %add3A_888 = arith.addi %mul3A_397, %add3A_887 : i32
        %get3A_889 = arith.index_cast %add3A_888 : i32 to index
        %get3A_890 = arith.constant 32 : index
        %get3A_891 = tpu.vector_load %arg8[%get3A_889, %get3A_890] {strides = array<i32>} : memref<200x64xf32, #tpu.memory_space<vmem>>, vector<1x16xf32>,
        %get3A_892 = vector.shape_cast %get3A_891 : vector<1x16xf32> to vector<16xf32>
        %add3A_893 = arith.addf %add3A_865, %get3A_892 : vector<16xf32>
        %add3A_894 = arith.constant 17 : i32
        %add3A_895 = arith.addi %mul3A_397, %add3A_894 : i32
        %get3A_896 = arith.index_cast %add3A_895 : i32 to index
        %get3A_897 = arith.constant 48 : index
        %get3A_898 = tpu.vector_load %arg8[%get3A_896, %get3A_897] {strides = array<i32>} : memref<200x64xf32, #tpu.memory_space<vmem>>, vector<1x16xf32>,
        %get3A_899 = vector.shape_cast %get3A_898 : vector<1x16xf32> to vector<16xf32>
        %add3A_900 = arith.addf %add3A_872, %get3A_899 : vector<16xf32>
        %add3A_901 = arith.constant 18 : i32
        %add3A_902 = arith.addi %mul3A_397, %add3A_901 : i32
        %get3A_903 = arith.index_cast %add3A_902 : i32 to index
        %get3A_904 = arith.constant 0 : index
        %get3A_905 = tpu.vector_load %arg8[%get3A_903, %get3A_904] {strides = array<i32>} : memref<200x64xf32, #tpu.memory_space<vmem>>, vector<1x16xf32>,
        %get3A_906 = vector.shape_cast %get3A_905 : vector<1x16xf32> to vector<16xf32>
        %add3A_907 = arith.addf %add3A_879, %get3A_906 : vector<16xf32>
        %add3A_908 = arith.constant 18 : i32
        %add3A_909 = arith.addi %mul3A_397, %add3A_908 : i32
        %get3A_910 = arith.index_cast %add3A_909 : i32 to index
        %get3A_911 = arith.constant 16 : index
        %get3A_912 = tpu.vector_load %arg8[%get3A_910, %get3A_911] {strides = array<i32>} : memref<200x64xf32, #tpu.memory_space<vmem>>, vector<1x16xf32>,
        %get3A_913 = vector.shape_cast %get3A_912 : vector<1x16xf32> to vector<16xf32>
        %add3A_914 = arith.addf %add3A_886, %get3A_913 : vector<16xf32>
        %add3A_915 = arith.constant 18 : i32
        %add3A_916 = arith.addi %mul3A_397, %add3A_915 : i32
        %get3A_917 = arith.index_cast %add3A_916 : i32 to index
        %get3A_918 = arith.constant 32 : index
        %get3A_919 = tpu.vector_load %arg8[%get3A_917, %get3A_918] {strides = array<i32>} : memref<200x64xf32, #tpu.memory_space<vmem>>, vector<1x16xf32>,
        %get3A_920 = vector.shape_cast %get3A_919 : vector<1x16xf32> to vector<16xf32>
        %add3A_921 = arith.addf %add3A_893, %get3A_920 : vector<16xf32>
        %add3A_922 = arith.constant 18 : i32
        %add3A_923 = arith.addi %mul3A_397, %add3A_922 : i32
        %get3A_924 = arith.index_cast %add3A_923 : i32 to index
        %get3A_925 = arith.constant 48 : index
        %get3A_926 = tpu.vector_load %arg8[%get3A_924, %get3A_925] {strides = array<i32>} : memref<200x64xf32, #tpu.memory_space<vmem>>, vector<1x16xf32>,
        %get3A_927 = vector.shape_cast %get3A_926 : vector<1x16xf32> to vector<16xf32>
        %add3A_928 = arith.addf %add3A_900, %get3A_927 : vector<16xf32>
        %add3A_929 = arith.constant 19 : i32
        %add3A_930 = arith.addi %mul3A_397, %add3A_929 : i32
        %get3A_931 = arith.index_cast %add3A_930 : i32 to index
        %get3A_932 = arith.constant 0 : index
        %get3A_933 = tpu.vector_load %arg8[%get3A_931, %get3A_932] {strides = array<i32>} : memref<200x64xf32, #tpu.memory_space<vmem>>, vector<1x16xf32>,
        %get3A_934 = vector.shape_cast %get3A_933 : vector<1x16xf32> to vector<16xf32>
        %add3A_935 = arith.addf %add3A_907, %get3A_934 : vector<16xf32>
        %add3A_936 = arith.constant 19 : i32
        %add3A_937 = arith.addi %mul3A_397, %add3A_936 : i32
        %get3A_938 = arith.index_cast %add3A_937 : i32 to index
        %get3A_939 = arith.constant 16 : index
        %get3A_940 = tpu.vector_load %arg8[%get3A_938, %get3A_939] {strides = array<i32>} : memref<200x64xf32, #tpu.memory_space<vmem>>, vector<1x16xf32>,
        %get3A_941 = vector.shape_cast %get3A_940 : vector<1x16xf32> to vector<16xf32>
        %add3A_942 = arith.addf %add3A_914, %get3A_941 : vector<16xf32>
        %add3A_943 = arith.constant 19 : i32
        %add3A_944 = arith.addi %mul3A_397, %add3A_943 : i32
        %get3A_945 = arith.index_cast %add3A_944 : i32 to index
        %get3A_946 = arith.constant 32 : index
        %get3A_947 = tpu.vector_load %arg8[%get3A_945, %get3A_946] {strides = array<i32>} : memref<200x64xf32, #tpu.memory_space<vmem>>, vector<1x16xf32>,
        %get3A_948 = vector.shape_cast %get3A_947 : vector<1x16xf32> to vector<16xf32>
        %add3A_949 = arith.addf %add3A_921, %get3A_948 : vector<16xf32>
        %add3A_950 = arith.constant 19 : i32
        %add3A_951 = arith.addi %mul3A_397, %add3A_950 : i32
        %get3A_952 = arith.index_cast %add3A_951 : i32 to index
        %get3A_953 = arith.constant 48 : index
        %get3A_954 = tpu.vector_load %arg8[%get3A_952, %get3A_953] {strides = array<i32>} : memref<200x64xf32, #tpu.memory_space<vmem>>, vector<1x16xf32>,
        %get3A_955 = vector.shape_cast %get3A_954 : vector<1x16xf32> to vector<16xf32>
        %add3A_956 = arith.addf %add3A_928, %get3A_955 : vector<16xf32>
        scf.yield %add3A_935, %add3A_942, %add3A_949, %add3A_956 : vector<16xf32>, vector<16xf32>, vector<16xf32>, vector<16xf32>
      }
      %scan3A_299 = arith.constant 10 : i32
      %mul3A_300 = arith.constant 5.000000e-03 : f32
      %mul3A_301 = vector.broadcast %mul3A_300 : f32 to vector<16xf32>
      %mul3A_302 = arith.mulf %scan3A_298#0, %mul3A_301 : vector<16xf32>
      %swap3A_303 = arith.index_cast %add3A_291 : i32 to index
      %swap3A_304 = arith.constant 0 : index
      %swap3A_305 = tpu.vector_load %arg10[%swap3A_303, %swap3A_304] {strides = array<i32>} : memref<128x64xf32, #tpu.memory_space<vmem>>, vector<1x16xf32>,
      %swap3A_306 = vector.shape_cast %swap3A_305 : vector<1x16xf32> to vector<16xf32>
      %swap3A_307 = vector.shape_cast %mul3A_302 : vector<16xf32> to vector<1x16xf32>
      tpu.vector_store %arg10[%swap3A_303, %swap3A_304], %swap3A_307 {strides = array<i32>} : memref<128x64xf32, #tpu.memory_space<vmem>>, vector<1x16xf32>,
      %mul3A_308 = arith.constant 5.000000e-03 : f32
      %mul3A_309 = vector.broadcast %mul3A_308 : f32 to vector<16xf32>
      %mul3A_310 = arith.mulf %scan3A_298#1, %mul3A_309 : vector<16xf32>
      %swap3A_311 = arith.index_cast %add3A_291 : i32 to index
      %swap3A_312 = arith.constant 16 : index
      %swap3A_313 = tpu.vector_load %arg10[%swap3A_311, %swap3A_312] {strides = array<i32>} : memref<128x64xf32, #tpu.memory_space<vmem>>, vector<1x16xf32>,
      %swap3A_314 = vector.shape_cast %swap3A_313 : vector<1x16xf32> to vector<16xf32>
      %swap3A_315 = vector.shape_cast %mul3A_310 : vector<16xf32> to vector<1x16xf32>
      tpu.vector_store %arg10[%swap3A_311, %swap3A_312], %swap3A_315 {strides = array<i32>} : memref<128x64xf32, #tpu.memory_space<vmem>>, vector<1x16xf32>,
      %mul3A_316 = arith.constant 5.000000e-03 : f32
      %mul3A_317 = vector.broadcast %mul3A_316 : f32 to vector<16xf32>
      %mul3A_318 = arith.mulf %scan3A_298#2, %mul3A_317 : vector<16xf32>
      %swap3A_319 = arith.index_cast %add3A_291 : i32 to index
      %swap3A_320 = arith.constant 32 : index
      %swap3A_321 = tpu.vector_load %arg10[%swap3A_319, %swap3A_320] {strides = array<i32>} : memref<128x64xf32, #tpu.memory_space<vmem>>, vector<1x16xf32>,
      %swap3A_322 = vector.shape_cast %swap3A_321 : vector<1x16xf32> to vector<16xf32>
      %swap3A_323 = vector.shape_cast %mul3A_318 : vector<16xf32> to vector<1x16xf32>
      tpu.vector_store %arg10[%swap3A_319, %swap3A_320], %swap3A_323 {strides = array<i32>} : memref<128x64xf32, #tpu.memory_space<vmem>>, vector<1x16xf32>,
      %mul3A_324 = arith.constant 5.000000e-03 : f32
      %mul3A_325 = vector.broadcast %mul3A_324 : f32 to vector<16xf32>
      %mul3A_326 = arith.mulf %scan3A_298#3, %mul3A_325 : vector<16xf32>
      %swap3A_327 = arith.index_cast %add3A_291 : i32 to index
      %swap3A_328 = arith.constant 48 : index
      %swap3A_329 = tpu.vector_load %arg10[%swap3A_327, %swap3A_328] {strides = array<i32>} : memref<128x64xf32, #tpu.memory_space<vmem>>, vector<1x16xf32>,
      %swap3A_330 = vector.shape_cast %swap3A_329 : vector<1x16xf32> to vector<16xf32>
      %swap3A_331 = vector.shape_cast %mul3A_326 : vector<16xf32> to vector<1x16xf32>
      tpu.vector_store %arg10[%swap3A_327, %swap3A_328], %swap3A_331 {strides = array<i32>} : memref<128x64xf32, #tpu.memory_space<vmem>>, vector<1x16xf32>,
      %add3A_332 = arith.constant 3 : i32
      %add3A_333 = arith.addi %mul3A_161, %add3A_332 : i32
      %add3A_334 = arith.constant 4 : i32
      %add3A_335 = arith.addi %add3A_333, %add3A_334 : i32
      %sub3A_336 = arith.constant 1 : i32
      %sub3A_337 = arith.subi %add3A_335, %sub3A_336 : i32
      %lt3A_338 = arith.constant 128 : i32
      %lt3A_339 = arith.cmpi slt, %sub3A_337, %lt3A_338 : i32
      %convert_element_type3A_340 = arith.extui %lt3A_339 : i1 to i32
      %cond3A_341 = arith.constant 0 : i32
      %cond3A_342 = arith.cmpi ne, %convert_element_type3A_340, %cond3A_341 : i32
      scf.if %cond3A_342 {
        %mul3A_391 = arith.constant 5 : i32
        %mul3A_392 = arith.muli %mul3A_391, %sub3A_337 : i32
        %add3A_393 = arith.constant 0 : i32
        %add3A_394 = arith.addi %mul3A_392, %add3A_393 : i32
        %dma_start3A_395 = arith.constant 0 : i32
        %dma_start3A_396 = arith.constant 0 : i32
        %dma_start3A_397 = tpu.memref_slice %arg8[%dma_start3A_395, %dma_start3A_396] : memref<200x64xf32, #tpu.memory_space<vmem>> -> memref<40x64xf32, #tpu.memory_space<vmem>>
        %dma_start3A_398 = arith.constant 0 : i32
        %dma_start3A_399 = tpu.memref_slice %arg5[%add3A_394, %dma_start3A_398] : memref<640x40xi32, #tpu.memory_space<vmem>> -> memref<1x40xi32, #tpu.memory_space<vmem>>
        %dma_start3A_400 = tpu.memref_squeeze %dma_start3A_399 : memref<1x40xi32, #tpu.memory_space<vmem>> -> memref<40xi32, #tpu.memory_space<vmem>>
        %dma_start3A_401 = arith.constant 0 : i32
        %dma_start3A_402 = arith.constant 0 : i32
        %dma_start3A_403 = tpu.memref_slice %arg3[%dma_start3A_401, %dma_start3A_402] : memref<1000000x64xf32, #tpu.memory_space<hbm>> -> memref<1000000x64xf32, #tpu.memory_space<hbm>>
        tpu.enqueue_indirect_dma source(%dma_start3A_403 : memref<1000000x64xf32, #tpu.memory_space<hbm>>) target(%dma_start3A_397 : memref<40x64xf32, #tpu.memory_space<vmem>>) offsets(%dma_start3A_400 : memref<40xi32, #tpu.memory_space<vmem>>) semaphore(%arg13 : memref<!tpu.dma_semaphore, #tpu.memory_space<semaphore_mem>>)
        %mul3A_404 = arith.constant 5 : i32
        %mul3A_405 = arith.muli %mul3A_404, %sub3A_337 : i32
        %add3A_406 = arith.constant 1 : i32
        %add3A_407 = arith.addi %mul3A_405, %add3A_406 : i32
        %dma_start3A_408 = arith.constant 40 : i32
        %dma_start3A_409 = arith.constant 0 : i32
        %dma_start3A_410 = tpu.memref_slice %arg8[%dma_start3A_408, %dma_start3A_409] : memref<200x64xf32, #tpu.memory_space<vmem>> -> memref<40x64xf32, #tpu.memory_space<vmem>>
        %dma_start3A_411 = arith.constant 0 : i32
        %dma_start3A_412 = tpu.memref_slice %arg5[%add3A_407, %dma_start3A_411] : memref<640x40xi32, #tpu.memory_space<vmem>> -> memref<1x40xi32, #tpu.memory_space<vmem>>
        %dma_start3A_413 = tpu.memref_squeeze %dma_start3A_412 : memref<1x40xi32, #tpu.memory_space<vmem>> -> memref<40xi32, #tpu.memory_space<vmem>>
        %dma_start3A_414 = arith.constant 0 : i32
        %dma_start3A_415 = arith.constant 0 : i32
        %dma_start3A_416 = tpu.memref_slice %arg3[%dma_start3A_414, %dma_start3A_415] : memref<1000000x64xf32, #tpu.memory_space<hbm>> -> memref<1000000x64xf32, #tpu.memory_space<hbm>>
        tpu.enqueue_indirect_dma source(%dma_start3A_416 : memref<1000000x64xf32, #tpu.memory_space<hbm>>) target(%dma_start3A_410 : memref<40x64xf32, #tpu.memory_space<vmem>>) offsets(%dma_start3A_413 : memref<40xi32, #tpu.memory_space<vmem>>) semaphore(%arg13 : memref<!tpu.dma_semaphore, #tpu.memory_space<semaphore_mem>>)
        %mul3A_417 = arith.constant 5 : i32
        %mul3A_418 = arith.muli %mul3A_417, %sub3A_337 : i32
        %add3A_419 = arith.constant 2 : i32
        %add3A_420 = arith.addi %mul3A_418, %add3A_419 : i32
        %dma_start3A_421 = arith.constant 80 : i32
        %dma_start3A_422 = arith.constant 0 : i32
        %dma_start3A_423 = tpu.memref_slice %arg8[%dma_start3A_421, %dma_start3A_422] : memref<200x64xf32, #tpu.memory_space<vmem>> -> memref<40x64xf32, #tpu.memory_space<vmem>>
        %dma_start3A_424 = arith.constant 0 : i32
        %dma_start3A_425 = tpu.memref_slice %arg5[%add3A_420, %dma_start3A_424] : memref<640x40xi32, #tpu.memory_space<vmem>> -> memref<1x40xi32, #tpu.memory_space<vmem>>
        %dma_start3A_426 = tpu.memref_squeeze %dma_start3A_425 : memref<1x40xi32, #tpu.memory_space<vmem>> -> memref<40xi32, #tpu.memory_space<vmem>>
        %dma_start3A_427 = arith.constant 0 : i32
        %dma_start3A_428 = arith.constant 0 : i32
        %dma_start3A_429 = tpu.memref_slice %arg3[%dma_start3A_427, %dma_start3A_428] : memref<1000000x64xf32, #tpu.memory_space<hbm>> -> memref<1000000x64xf32, #tpu.memory_space<hbm>>
        tpu.enqueue_indirect_dma source(%dma_start3A_429 : memref<1000000x64xf32, #tpu.memory_space<hbm>>) target(%dma_start3A_423 : memref<40x64xf32, #tpu.memory_space<vmem>>) offsets(%dma_start3A_426 : memref<40xi32, #tpu.memory_space<vmem>>) semaphore(%arg13 : memref<!tpu.dma_semaphore, #tpu.memory_space<semaphore_mem>>)
        %mul3A_430 = arith.constant 5 : i32
        %mul3A_431 = arith.muli %mul3A_430, %sub3A_337 : i32
        %add3A_432 = arith.constant 3 : i32
        %add3A_433 = arith.addi %mul3A_431, %add3A_432 : i32
        %dma_start3A_434 = arith.constant 120 : i32
        %dma_start3A_435 = arith.constant 0 : i32
        %dma_start3A_436 = tpu.memref_slice %arg8[%dma_start3A_434, %dma_start3A_435] : memref<200x64xf32, #tpu.memory_space<vmem>> -> memref<40x64xf32, #tpu.memory_space<vmem>>
        %dma_start3A_437 = arith.constant 0 : i32
        %dma_start3A_438 = tpu.memref_slice %arg5[%add3A_433, %dma_start3A_437] : memref<640x40xi32, #tpu.memory_space<vmem>> -> memref<1x40xi32, #tpu.memory_space<vmem>>
        %dma_start3A_439 = tpu.memref_squeeze %dma_start3A_438 : memref<1x40xi32, #tpu.memory_space<vmem>> -> memref<40xi32, #tpu.memory_space<vmem>>
        %dma_start3A_440 = arith.constant 0 : i32
        %dma_start3A_441 = arith.constant 0 : i32
        %dma_start3A_442 = tpu.memref_slice %arg3[%dma_start3A_440, %dma_start3A_441] : memref<1000000x64xf32, #tpu.memory_space<hbm>> -> memref<1000000x64xf32, #tpu.memory_space<hbm>>
        tpu.enqueue_indirect_dma source(%dma_start3A_442 : memref<1000000x64xf32, #tpu.memory_space<hbm>>) target(%dma_start3A_436 : memref<40x64xf32, #tpu.memory_space<vmem>>) offsets(%dma_start3A_439 : memref<40xi32, #tpu.memory_space<vmem>>) semaphore(%arg13 : memref<!tpu.dma_semaphore, #tpu.memory_space<semaphore_mem>>)
        %mul3A_443 = arith.constant 5 : i32
        %mul3A_444 = arith.muli %mul3A_443, %sub3A_337 : i32
        %add3A_445 = arith.constant 4 : i32
        %add3A_446 = arith.addi %mul3A_444, %add3A_445 : i32
        %dma_start3A_447 = arith.constant 160 : i32
        %dma_start3A_448 = arith.constant 0 : i32
        %dma_start3A_449 = tpu.memref_slice %arg8[%dma_start3A_447, %dma_start3A_448] : memref<200x64xf32, #tpu.memory_space<vmem>> -> memref<40x64xf32, #tpu.memory_space<vmem>>
        %dma_start3A_450 = arith.constant 0 : i32
        %dma_start3A_451 = tpu.memref_slice %arg5[%add3A_446, %dma_start3A_450] : memref<640x40xi32, #tpu.memory_space<vmem>> -> memref<1x40xi32, #tpu.memory_space<vmem>>
        %dma_start3A_452 = tpu.memref_squeeze %dma_start3A_451 : memref<1x40xi32, #tpu.memory_space<vmem>> -> memref<40xi32, #tpu.memory_space<vmem>>
        %dma_start3A_453 = arith.constant 0 : i32
        %dma_start3A_454 = arith.constant 0 : i32
        %dma_start3A_455 = tpu.memref_slice %arg3[%dma_start3A_453, %dma_start3A_454] : memref<1000000x64xf32, #tpu.memory_space<hbm>> -> memref<1000000x64xf32, #tpu.memory_space<hbm>>
        tpu.enqueue_indirect_dma source(%dma_start3A_455 : memref<1000000x64xf32, #tpu.memory_space<hbm>>) target(%dma_start3A_449 : memref<40x64xf32, #tpu.memory_space<vmem>>) offsets(%dma_start3A_452 : memref<40xi32, #tpu.memory_space<vmem>>) semaphore(%arg13 : memref<!tpu.dma_semaphore, #tpu.memory_space<semaphore_mem>>)
      } else {
      }
      %dma_wait3A_343 = arith.constant 0 : i32
      %dma_wait3A_344 = arith.constant 0 : i32
      %dma_wait3A_345 = tpu.memref_slice %arg3[%dma_wait3A_343, %dma_wait3A_344] : memref<1000000x64xf32, #tpu.memory_space<hbm>> -> memref<200x64xf32, #tpu.memory_space<hbm>>
      %dma_wait3A_346 = arith.constant 0 : i32
      %dma_wait3A_347 = arith.constant 0 : i32
      %dma_wait3A_348 = tpu.memref_slice %arg3[%dma_wait3A_346, %dma_wait3A_347] : memref<1000000x64xf32, #tpu.memory_space<hbm>> -> memref<200x64xf32, #tpu.memory_space<hbm>>
      tpu.wait_dma2 semaphore(%arg14 : memref<!tpu.dma_semaphore, #tpu.memory_space<semaphore_mem>>) src(%dma_wait3A_348 : memref<200x64xf32, #tpu.memory_space<hbm>>) dst(%arg9 : memref<200x64xf32, #tpu.memory_space<vmem>>)
      %add3A_349 = arith.constant 3 : i32
      %add3A_350 = arith.addi %mul3A_161, %add3A_349 : i32
      %broadcast_in_dim3A_351 = arith.constant 0.000000e+00 : f32
      %broadcast_in_dim3A_352 = vector.broadcast %broadcast_in_dim3A_351 : f32 to vector<16xf32>
      %scan3A_353 = arith.constant 0 : i32
      %scan3A_354 = arith.constant 10 : i32
      %scan3A_355 = arith.addi %scan3A_353, %scan3A_354 : i32
      %scan3A_356 = arith.constant 1 : i32
      %scan3A_357:4 = scf.for %scan3A_391 = %scan3A_353 to %scan3A_355 step %scan3A_356 iter_args(%scan3A_392 = %broadcast_in_dim3A_352, %scan3A_393 = %broadcast_in_dim3A_352, %scan3A_394 = %broadcast_in_dim3A_352, %scan3A_395 = %broadcast_in_dim3A_352) -> (vector<16xf32>, vector<16xf32>, vector<16xf32>, vector<16xf32>)  : i32 {
        %mul3A_396 = arith.constant 20 : i32
        %mul3A_397 = arith.muli %mul3A_396, %scan3A_391 : i32
        %add3A_398 = arith.constant 0 : i32
        %add3A_399 = arith.addi %mul3A_397, %add3A_398 : i32
        %get3A = arith.index_cast %add3A_399 : i32 to index
        %get3A_400 = arith.constant 0 : index
        %get3A_401 = tpu.vector_load %arg9[%get3A, %get3A_400] {strides = array<i32>} : memref<200x64xf32, #tpu.memory_space<vmem>>, vector<1x16xf32>,
        %get3A_402 = vector.shape_cast %get3A_401 : vector<1x16xf32> to vector<16xf32>
        %add3A_403 = arith.addf %scan3A_392, %get3A_402 : vector<16xf32>
        %add3A_404 = arith.constant 0 : i32
        %add3A_405 = arith.addi %mul3A_397, %add3A_404 : i32
        %get3A_406 = arith.index_cast %add3A_405 : i32 to index
        %get3A_407 = arith.constant 16 : index
        %get3A_408 = tpu.vector_load %arg9[%get3A_406, %get3A_407] {strides = array<i32>} : memref<200x64xf32, #tpu.memory_space<vmem>>, vector<1x16xf32>,
        %get3A_409 = vector.shape_cast %get3A_408 : vector<1x16xf32> to vector<16xf32>
        %add3A_410 = arith.addf %scan3A_393, %get3A_409 : vector<16xf32>
        %add3A_411 = arith.constant 0 : i32
        %add3A_412 = arith.addi %mul3A_397, %add3A_411 : i32
        %get3A_413 = arith.index_cast %add3A_412 : i32 to index
        %get3A_414 = arith.constant 32 : index
        %get3A_415 = tpu.vector_load %arg9[%get3A_413, %get3A_414] {strides = array<i32>} : memref<200x64xf32, #tpu.memory_space<vmem>>, vector<1x16xf32>,
        %get3A_416 = vector.shape_cast %get3A_415 : vector<1x16xf32> to vector<16xf32>
        %add3A_417 = arith.addf %scan3A_394, %get3A_416 : vector<16xf32>
        %add3A_418 = arith.constant 0 : i32
        %add3A_419 = arith.addi %mul3A_397, %add3A_418 : i32
        %get3A_420 = arith.index_cast %add3A_419 : i32 to index
        %get3A_421 = arith.constant 48 : index
        %get3A_422 = tpu.vector_load %arg9[%get3A_420, %get3A_421] {strides = array<i32>} : memref<200x64xf32, #tpu.memory_space<vmem>>, vector<1x16xf32>,
        %get3A_423 = vector.shape_cast %get3A_422 : vector<1x16xf32> to vector<16xf32>
        %add3A_424 = arith.addf %scan3A_395, %get3A_423 : vector<16xf32>
        %add3A_425 = arith.constant 1 : i32
        %add3A_426 = arith.addi %mul3A_397, %add3A_425 : i32
        %get3A_427 = arith.index_cast %add3A_426 : i32 to index
        %get3A_428 = arith.constant 0 : index
        %get3A_429 = tpu.vector_load %arg9[%get3A_427, %get3A_428] {strides = array<i32>} : memref<200x64xf32, #tpu.memory_space<vmem>>, vector<1x16xf32>,
        %get3A_430 = vector.shape_cast %get3A_429 : vector<1x16xf32> to vector<16xf32>
        %add3A_431 = arith.addf %add3A_403, %get3A_430 : vector<16xf32>
        %add3A_432 = arith.constant 1 : i32
        %add3A_433 = arith.addi %mul3A_397, %add3A_432 : i32
        %get3A_434 = arith.index_cast %add3A_433 : i32 to index
        %get3A_435 = arith.constant 16 : index
        %get3A_436 = tpu.vector_load %arg9[%get3A_434, %get3A_435] {strides = array<i32>} : memref<200x64xf32, #tpu.memory_space<vmem>>, vector<1x16xf32>,
        %get3A_437 = vector.shape_cast %get3A_436 : vector<1x16xf32> to vector<16xf32>
        %add3A_438 = arith.addf %add3A_410, %get3A_437 : vector<16xf32>
        %add3A_439 = arith.constant 1 : i32
        %add3A_440 = arith.addi %mul3A_397, %add3A_439 : i32
        %get3A_441 = arith.index_cast %add3A_440 : i32 to index
        %get3A_442 = arith.constant 32 : index
        %get3A_443 = tpu.vector_load %arg9[%get3A_441, %get3A_442] {strides = array<i32>} : memref<200x64xf32, #tpu.memory_space<vmem>>, vector<1x16xf32>,
        %get3A_444 = vector.shape_cast %get3A_443 : vector<1x16xf32> to vector<16xf32>
        %add3A_445 = arith.addf %add3A_417, %get3A_444 : vector<16xf32>
        %add3A_446 = arith.constant 1 : i32
        %add3A_447 = arith.addi %mul3A_397, %add3A_446 : i32
        %get3A_448 = arith.index_cast %add3A_447 : i32 to index
        %get3A_449 = arith.constant 48 : index
        %get3A_450 = tpu.vector_load %arg9[%get3A_448, %get3A_449] {strides = array<i32>} : memref<200x64xf32, #tpu.memory_space<vmem>>, vector<1x16xf32>,
        %get3A_451 = vector.shape_cast %get3A_450 : vector<1x16xf32> to vector<16xf32>
        %add3A_452 = arith.addf %add3A_424, %get3A_451 : vector<16xf32>
        %add3A_453 = arith.constant 2 : i32
        %add3A_454 = arith.addi %mul3A_397, %add3A_453 : i32
        %get3A_455 = arith.index_cast %add3A_454 : i32 to index
        %get3A_456 = arith.constant 0 : index
        %get3A_457 = tpu.vector_load %arg9[%get3A_455, %get3A_456] {strides = array<i32>} : memref<200x64xf32, #tpu.memory_space<vmem>>, vector<1x16xf32>,
        %get3A_458 = vector.shape_cast %get3A_457 : vector<1x16xf32> to vector<16xf32>
        %add3A_459 = arith.addf %add3A_431, %get3A_458 : vector<16xf32>
        %add3A_460 = arith.constant 2 : i32
        %add3A_461 = arith.addi %mul3A_397, %add3A_460 : i32
        %get3A_462 = arith.index_cast %add3A_461 : i32 to index
        %get3A_463 = arith.constant 16 : index
        %get3A_464 = tpu.vector_load %arg9[%get3A_462, %get3A_463] {strides = array<i32>} : memref<200x64xf32, #tpu.memory_space<vmem>>, vector<1x16xf32>,
        %get3A_465 = vector.shape_cast %get3A_464 : vector<1x16xf32> to vector<16xf32>
        %add3A_466 = arith.addf %add3A_438, %get3A_465 : vector<16xf32>
        %add3A_467 = arith.constant 2 : i32
        %add3A_468 = arith.addi %mul3A_397, %add3A_467 : i32
        %get3A_469 = arith.index_cast %add3A_468 : i32 to index
        %get3A_470 = arith.constant 32 : index
        %get3A_471 = tpu.vector_load %arg9[%get3A_469, %get3A_470] {strides = array<i32>} : memref<200x64xf32, #tpu.memory_space<vmem>>, vector<1x16xf32>,
        %get3A_472 = vector.shape_cast %get3A_471 : vector<1x16xf32> to vector<16xf32>
        %add3A_473 = arith.addf %add3A_445, %get3A_472 : vector<16xf32>
        %add3A_474 = arith.constant 2 : i32
        %add3A_475 = arith.addi %mul3A_397, %add3A_474 : i32
        %get3A_476 = arith.index_cast %add3A_475 : i32 to index
        %get3A_477 = arith.constant 48 : index
        %get3A_478 = tpu.vector_load %arg9[%get3A_476, %get3A_477] {strides = array<i32>} : memref<200x64xf32, #tpu.memory_space<vmem>>, vector<1x16xf32>,
        %get3A_479 = vector.shape_cast %get3A_478 : vector<1x16xf32> to vector<16xf32>
        %add3A_480 = arith.addf %add3A_452, %get3A_479 : vector<16xf32>
        %add3A_481 = arith.constant 3 : i32
        %add3A_482 = arith.addi %mul3A_397, %add3A_481 : i32
        %get3A_483 = arith.index_cast %add3A_482 : i32 to index
        %get3A_484 = arith.constant 0 : index
        %get3A_485 = tpu.vector_load %arg9[%get3A_483, %get3A_484] {strides = array<i32>} : memref<200x64xf32, #tpu.memory_space<vmem>>, vector<1x16xf32>,
        %get3A_486 = vector.shape_cast %get3A_485 : vector<1x16xf32> to vector<16xf32>
        %add3A_487 = arith.addf %add3A_459, %get3A_486 : vector<16xf32>
        %add3A_488 = arith.constant 3 : i32
        %add3A_489 = arith.addi %mul3A_397, %add3A_488 : i32
        %get3A_490 = arith.index_cast %add3A_489 : i32 to index
        %get3A_491 = arith.constant 16 : index
        %get3A_492 = tpu.vector_load %arg9[%get3A_490, %get3A_491] {strides = array<i32>} : memref<200x64xf32, #tpu.memory_space<vmem>>, vector<1x16xf32>,
        %get3A_493 = vector.shape_cast %get3A_492 : vector<1x16xf32> to vector<16xf32>
        %add3A_494 = arith.addf %add3A_466, %get3A_493 : vector<16xf32>
        %add3A_495 = arith.constant 3 : i32
        %add3A_496 = arith.addi %mul3A_397, %add3A_495 : i32
        %get3A_497 = arith.index_cast %add3A_496 : i32 to index
        %get3A_498 = arith.constant 32 : index
        %get3A_499 = tpu.vector_load %arg9[%get3A_497, %get3A_498] {strides = array<i32>} : memref<200x64xf32, #tpu.memory_space<vmem>>, vector<1x16xf32>,
        %get3A_500 = vector.shape_cast %get3A_499 : vector<1x16xf32> to vector<16xf32>
        %add3A_501 = arith.addf %add3A_473, %get3A_500 : vector<16xf32>
        %add3A_502 = arith.constant 3 : i32
        %add3A_503 = arith.addi %mul3A_397, %add3A_502 : i32
        %get3A_504 = arith.index_cast %add3A_503 : i32 to index
        %get3A_505 = arith.constant 48 : index
        %get3A_506 = tpu.vector_load %arg9[%get3A_504, %get3A_505] {strides = array<i32>} : memref<200x64xf32, #tpu.memory_space<vmem>>, vector<1x16xf32>,
        %get3A_507 = vector.shape_cast %get3A_506 : vector<1x16xf32> to vector<16xf32>
        %add3A_508 = arith.addf %add3A_480, %get3A_507 : vector<16xf32>
        %add3A_509 = arith.constant 4 : i32
        %add3A_510 = arith.addi %mul3A_397, %add3A_509 : i32
        %get3A_511 = arith.index_cast %add3A_510 : i32 to index
        %get3A_512 = arith.constant 0 : index
        %get3A_513 = tpu.vector_load %arg9[%get3A_511, %get3A_512] {strides = array<i32>} : memref<200x64xf32, #tpu.memory_space<vmem>>, vector<1x16xf32>,
        %get3A_514 = vector.shape_cast %get3A_513 : vector<1x16xf32> to vector<16xf32>
        %add3A_515 = arith.addf %add3A_487, %get3A_514 : vector<16xf32>
        %add3A_516 = arith.constant 4 : i32
        %add3A_517 = arith.addi %mul3A_397, %add3A_516 : i32
        %get3A_518 = arith.index_cast %add3A_517 : i32 to index
        %get3A_519 = arith.constant 16 : index
        %get3A_520 = tpu.vector_load %arg9[%get3A_518, %get3A_519] {strides = array<i32>} : memref<200x64xf32, #tpu.memory_space<vmem>>, vector<1x16xf32>,
        %get3A_521 = vector.shape_cast %get3A_520 : vector<1x16xf32> to vector<16xf32>
        %add3A_522 = arith.addf %add3A_494, %get3A_521 : vector<16xf32>
        %add3A_523 = arith.constant 4 : i32
        %add3A_524 = arith.addi %mul3A_397, %add3A_523 : i32
        %get3A_525 = arith.index_cast %add3A_524 : i32 to index
        %get3A_526 = arith.constant 32 : index
        %get3A_527 = tpu.vector_load %arg9[%get3A_525, %get3A_526] {strides = array<i32>} : memref<200x64xf32, #tpu.memory_space<vmem>>, vector<1x16xf32>,
        %get3A_528 = vector.shape_cast %get3A_527 : vector<1x16xf32> to vector<16xf32>
        %add3A_529 = arith.addf %add3A_501, %get3A_528 : vector<16xf32>
        %add3A_530 = arith.constant 4 : i32
        %add3A_531 = arith.addi %mul3A_397, %add3A_530 : i32
        %get3A_532 = arith.index_cast %add3A_531 : i32 to index
        %get3A_533 = arith.constant 48 : index
        %get3A_534 = tpu.vector_load %arg9[%get3A_532, %get3A_533] {strides = array<i32>} : memref<200x64xf32, #tpu.memory_space<vmem>>, vector<1x16xf32>,
        %get3A_535 = vector.shape_cast %get3A_534 : vector<1x16xf32> to vector<16xf32>
        %add3A_536 = arith.addf %add3A_508, %get3A_535 : vector<16xf32>
        %add3A_537 = arith.constant 5 : i32
        %add3A_538 = arith.addi %mul3A_397, %add3A_537 : i32
        %get3A_539 = arith.index_cast %add3A_538 : i32 to index
        %get3A_540 = arith.constant 0 : index
        %get3A_541 = tpu.vector_load %arg9[%get3A_539, %get3A_540] {strides = array<i32>} : memref<200x64xf32, #tpu.memory_space<vmem>>, vector<1x16xf32>,
        %get3A_542 = vector.shape_cast %get3A_541 : vector<1x16xf32> to vector<16xf32>
        %add3A_543 = arith.addf %add3A_515, %get3A_542 : vector<16xf32>
        %add3A_544 = arith.constant 5 : i32
        %add3A_545 = arith.addi %mul3A_397, %add3A_544 : i32
        %get3A_546 = arith.index_cast %add3A_545 : i32 to index
        %get3A_547 = arith.constant 16 : index
        %get3A_548 = tpu.vector_load %arg9[%get3A_546, %get3A_547] {strides = array<i32>} : memref<200x64xf32, #tpu.memory_space<vmem>>, vector<1x16xf32>,
        %get3A_549 = vector.shape_cast %get3A_548 : vector<1x16xf32> to vector<16xf32>
        %add3A_550 = arith.addf %add3A_522, %get3A_549 : vector<16xf32>
        %add3A_551 = arith.constant 5 : i32
        %add3A_552 = arith.addi %mul3A_397, %add3A_551 : i32
        %get3A_553 = arith.index_cast %add3A_552 : i32 to index
        %get3A_554 = arith.constant 32 : index
        %get3A_555 = tpu.vector_load %arg9[%get3A_553, %get3A_554] {strides = array<i32>} : memref<200x64xf32, #tpu.memory_space<vmem>>, vector<1x16xf32>,
        %get3A_556 = vector.shape_cast %get3A_555 : vector<1x16xf32> to vector<16xf32>
        %add3A_557 = arith.addf %add3A_529, %get3A_556 : vector<16xf32>
        %add3A_558 = arith.constant 5 : i32
        %add3A_559 = arith.addi %mul3A_397, %add3A_558 : i32
        %get3A_560 = arith.index_cast %add3A_559 : i32 to index
        %get3A_561 = arith.constant 48 : index
        %get3A_562 = tpu.vector_load %arg9[%get3A_560, %get3A_561] {strides = array<i32>} : memref<200x64xf32, #tpu.memory_space<vmem>>, vector<1x16xf32>,
        %get3A_563 = vector.shape_cast %get3A_562 : vector<1x16xf32> to vector<16xf32>
        %add3A_564 = arith.addf %add3A_536, %get3A_563 : vector<16xf32>
        %add3A_565 = arith.constant 6 : i32
        %add3A_566 = arith.addi %mul3A_397, %add3A_565 : i32
        %get3A_567 = arith.index_cast %add3A_566 : i32 to index
        %get3A_568 = arith.constant 0 : index
        %get3A_569 = tpu.vector_load %arg9[%get3A_567, %get3A_568] {strides = array<i32>} : memref<200x64xf32, #tpu.memory_space<vmem>>, vector<1x16xf32>,
        %get3A_570 = vector.shape_cast %get3A_569 : vector<1x16xf32> to vector<16xf32>
        %add3A_571 = arith.addf %add3A_543, %get3A_570 : vector<16xf32>
        %add3A_572 = arith.constant 6 : i32
        %add3A_573 = arith.addi %mul3A_397, %add3A_572 : i32
        %get3A_574 = arith.index_cast %add3A_573 : i32 to index
        %get3A_575 = arith.constant 16 : index
        %get3A_576 = tpu.vector_load %arg9[%get3A_574, %get3A_575] {strides = array<i32>} : memref<200x64xf32, #tpu.memory_space<vmem>>, vector<1x16xf32>,
        %get3A_577 = vector.shape_cast %get3A_576 : vector<1x16xf32> to vector<16xf32>
        %add3A_578 = arith.addf %add3A_550, %get3A_577 : vector<16xf32>
        %add3A_579 = arith.constant 6 : i32
        %add3A_580 = arith.addi %mul3A_397, %add3A_579 : i32
        %get3A_581 = arith.index_cast %add3A_580 : i32 to index
        %get3A_582 = arith.constant 32 : index
        %get3A_583 = tpu.vector_load %arg9[%get3A_581, %get3A_582] {strides = array<i32>} : memref<200x64xf32, #tpu.memory_space<vmem>>, vector<1x16xf32>,
        %get3A_584 = vector.shape_cast %get3A_583 : vector<1x16xf32> to vector<16xf32>
        %add3A_585 = arith.addf %add3A_557, %get3A_584 : vector<16xf32>
        %add3A_586 = arith.constant 6 : i32
        %add3A_587 = arith.addi %mul3A_397, %add3A_586 : i32
        %get3A_588 = arith.index_cast %add3A_587 : i32 to index
        %get3A_589 = arith.constant 48 : index
        %get3A_590 = tpu.vector_load %arg9[%get3A_588, %get3A_589] {strides = array<i32>} : memref<200x64xf32, #tpu.memory_space<vmem>>, vector<1x16xf32>,
        %get3A_591 = vector.shape_cast %get3A_590 : vector<1x16xf32> to vector<16xf32>
        %add3A_592 = arith.addf %add3A_564, %get3A_591 : vector<16xf32>
        %add3A_593 = arith.constant 7 : i32
        %add3A_594 = arith.addi %mul3A_397, %add3A_593 : i32
        %get3A_595 = arith.index_cast %add3A_594 : i32 to index
        %get3A_596 = arith.constant 0 : index
        %get3A_597 = tpu.vector_load %arg9[%get3A_595, %get3A_596] {strides = array<i32>} : memref<200x64xf32, #tpu.memory_space<vmem>>, vector<1x16xf32>,
        %get3A_598 = vector.shape_cast %get3A_597 : vector<1x16xf32> to vector<16xf32>
        %add3A_599 = arith.addf %add3A_571, %get3A_598 : vector<16xf32>
        %add3A_600 = arith.constant 7 : i32
        %add3A_601 = arith.addi %mul3A_397, %add3A_600 : i32
        %get3A_602 = arith.index_cast %add3A_601 : i32 to index
        %get3A_603 = arith.constant 16 : index
        %get3A_604 = tpu.vector_load %arg9[%get3A_602, %get3A_603] {strides = array<i32>} : memref<200x64xf32, #tpu.memory_space<vmem>>, vector<1x16xf32>,
        %get3A_605 = vector.shape_cast %get3A_604 : vector<1x16xf32> to vector<16xf32>
        %add3A_606 = arith.addf %add3A_578, %get3A_605 : vector<16xf32>
        %add3A_607 = arith.constant 7 : i32
        %add3A_608 = arith.addi %mul3A_397, %add3A_607 : i32
        %get3A_609 = arith.index_cast %add3A_608 : i32 to index
        %get3A_610 = arith.constant 32 : index
        %get3A_611 = tpu.vector_load %arg9[%get3A_609, %get3A_610] {strides = array<i32>} : memref<200x64xf32, #tpu.memory_space<vmem>>, vector<1x16xf32>,
        %get3A_612 = vector.shape_cast %get3A_611 : vector<1x16xf32> to vector<16xf32>
        %add3A_613 = arith.addf %add3A_585, %get3A_612 : vector<16xf32>
        %add3A_614 = arith.constant 7 : i32
        %add3A_615 = arith.addi %mul3A_397, %add3A_614 : i32
        %get3A_616 = arith.index_cast %add3A_615 : i32 to index
        %get3A_617 = arith.constant 48 : index
        %get3A_618 = tpu.vector_load %arg9[%get3A_616, %get3A_617] {strides = array<i32>} : memref<200x64xf32, #tpu.memory_space<vmem>>, vector<1x16xf32>,
        %get3A_619 = vector.shape_cast %get3A_618 : vector<1x16xf32> to vector<16xf32>
        %add3A_620 = arith.addf %add3A_592, %get3A_619 : vector<16xf32>
        %add3A_621 = arith.constant 8 : i32
        %add3A_622 = arith.addi %mul3A_397, %add3A_621 : i32
        %get3A_623 = arith.index_cast %add3A_622 : i32 to index
        %get3A_624 = arith.constant 0 : index
        %get3A_625 = tpu.vector_load %arg9[%get3A_623, %get3A_624] {strides = array<i32>} : memref<200x64xf32, #tpu.memory_space<vmem>>, vector<1x16xf32>,
        %get3A_626 = vector.shape_cast %get3A_625 : vector<1x16xf32> to vector<16xf32>
        %add3A_627 = arith.addf %add3A_599, %get3A_626 : vector<16xf32>
        %add3A_628 = arith.constant 8 : i32
        %add3A_629 = arith.addi %mul3A_397, %add3A_628 : i32
        %get3A_630 = arith.index_cast %add3A_629 : i32 to index
        %get3A_631 = arith.constant 16 : index
        %get3A_632 = tpu.vector_load %arg9[%get3A_630, %get3A_631] {strides = array<i32>} : memref<200x64xf32, #tpu.memory_space<vmem>>, vector<1x16xf32>,
        %get3A_633 = vector.shape_cast %get3A_632 : vector<1x16xf32> to vector<16xf32>
        %add3A_634 = arith.addf %add3A_606, %get3A_633 : vector<16xf32>
        %add3A_635 = arith.constant 8 : i32
        %add3A_636 = arith.addi %mul3A_397, %add3A_635 : i32
        %get3A_637 = arith.index_cast %add3A_636 : i32 to index
        %get3A_638 = arith.constant 32 : index
        %get3A_639 = tpu.vector_load %arg9[%get3A_637, %get3A_638] {strides = array<i32>} : memref<200x64xf32, #tpu.memory_space<vmem>>, vector<1x16xf32>,
        %get3A_640 = vector.shape_cast %get3A_639 : vector<1x16xf32> to vector<16xf32>
        %add3A_641 = arith.addf %add3A_613, %get3A_640 : vector<16xf32>
        %add3A_642 = arith.constant 8 : i32
        %add3A_643 = arith.addi %mul3A_397, %add3A_642 : i32
        %get3A_644 = arith.index_cast %add3A_643 : i32 to index
        %get3A_645 = arith.constant 48 : index
        %get3A_646 = tpu.vector_load %arg9[%get3A_644, %get3A_645] {strides = array<i32>} : memref<200x64xf32, #tpu.memory_space<vmem>>, vector<1x16xf32>,
        %get3A_647 = vector.shape_cast %get3A_646 : vector<1x16xf32> to vector<16xf32>
        %add3A_648 = arith.addf %add3A_620, %get3A_647 : vector<16xf32>
        %add3A_649 = arith.constant 9 : i32
        %add3A_650 = arith.addi %mul3A_397, %add3A_649 : i32
        %get3A_651 = arith.index_cast %add3A_650 : i32 to index
        %get3A_652 = arith.constant 0 : index
        %get3A_653 = tpu.vector_load %arg9[%get3A_651, %get3A_652] {strides = array<i32>} : memref<200x64xf32, #tpu.memory_space<vmem>>, vector<1x16xf32>,
        %get3A_654 = vector.shape_cast %get3A_653 : vector<1x16xf32> to vector<16xf32>
        %add3A_655 = arith.addf %add3A_627, %get3A_654 : vector<16xf32>
        %add3A_656 = arith.constant 9 : i32
        %add3A_657 = arith.addi %mul3A_397, %add3A_656 : i32
        %get3A_658 = arith.index_cast %add3A_657 : i32 to index
        %get3A_659 = arith.constant 16 : index
        %get3A_660 = tpu.vector_load %arg9[%get3A_658, %get3A_659] {strides = array<i32>} : memref<200x64xf32, #tpu.memory_space<vmem>>, vector<1x16xf32>,
        %get3A_661 = vector.shape_cast %get3A_660 : vector<1x16xf32> to vector<16xf32>
        %add3A_662 = arith.addf %add3A_634, %get3A_661 : vector<16xf32>
        %add3A_663 = arith.constant 9 : i32
        %add3A_664 = arith.addi %mul3A_397, %add3A_663 : i32
        %get3A_665 = arith.index_cast %add3A_664 : i32 to index
        %get3A_666 = arith.constant 32 : index
        %get3A_667 = tpu.vector_load %arg9[%get3A_665, %get3A_666] {strides = array<i32>} : memref<200x64xf32, #tpu.memory_space<vmem>>, vector<1x16xf32>,
        %get3A_668 = vector.shape_cast %get3A_667 : vector<1x16xf32> to vector<16xf32>
        %add3A_669 = arith.addf %add3A_641, %get3A_668 : vector<16xf32>
        %add3A_670 = arith.constant 9 : i32
        %add3A_671 = arith.addi %mul3A_397, %add3A_670 : i32
        %get3A_672 = arith.index_cast %add3A_671 : i32 to index
        %get3A_673 = arith.constant 48 : index
        %get3A_674 = tpu.vector_load %arg9[%get3A_672, %get3A_673] {strides = array<i32>} : memref<200x64xf32, #tpu.memory_space<vmem>>, vector<1x16xf32>,
        %get3A_675 = vector.shape_cast %get3A_674 : vector<1x16xf32> to vector<16xf32>
        %add3A_676 = arith.addf %add3A_648, %get3A_675 : vector<16xf32>
        %add3A_677 = arith.constant 10 : i32
        %add3A_678 = arith.addi %mul3A_397, %add3A_677 : i32
        %get3A_679 = arith.index_cast %add3A_678 : i32 to index
        %get3A_680 = arith.constant 0 : index
        %get3A_681 = tpu.vector_load %arg9[%get3A_679, %get3A_680] {strides = array<i32>} : memref<200x64xf32, #tpu.memory_space<vmem>>, vector<1x16xf32>,
        %get3A_682 = vector.shape_cast %get3A_681 : vector<1x16xf32> to vector<16xf32>
        %add3A_683 = arith.addf %add3A_655, %get3A_682 : vector<16xf32>
        %add3A_684 = arith.constant 10 : i32
        %add3A_685 = arith.addi %mul3A_397, %add3A_684 : i32
        %get3A_686 = arith.index_cast %add3A_685 : i32 to index
        %get3A_687 = arith.constant 16 : index
        %get3A_688 = tpu.vector_load %arg9[%get3A_686, %get3A_687] {strides = array<i32>} : memref<200x64xf32, #tpu.memory_space<vmem>>, vector<1x16xf32>,
        %get3A_689 = vector.shape_cast %get3A_688 : vector<1x16xf32> to vector<16xf32>
        %add3A_690 = arith.addf %add3A_662, %get3A_689 : vector<16xf32>
        %add3A_691 = arith.constant 10 : i32
        %add3A_692 = arith.addi %mul3A_397, %add3A_691 : i32
        %get3A_693 = arith.index_cast %add3A_692 : i32 to index
        %get3A_694 = arith.constant 32 : index
        %get3A_695 = tpu.vector_load %arg9[%get3A_693, %get3A_694] {strides = array<i32>} : memref<200x64xf32, #tpu.memory_space<vmem>>, vector<1x16xf32>,
        %get3A_696 = vector.shape_cast %get3A_695 : vector<1x16xf32> to vector<16xf32>
        %add3A_697 = arith.addf %add3A_669, %get3A_696 : vector<16xf32>
        %add3A_698 = arith.constant 10 : i32
        %add3A_699 = arith.addi %mul3A_397, %add3A_698 : i32
        %get3A_700 = arith.index_cast %add3A_699 : i32 to index
        %get3A_701 = arith.constant 48 : index
        %get3A_702 = tpu.vector_load %arg9[%get3A_700, %get3A_701] {strides = array<i32>} : memref<200x64xf32, #tpu.memory_space<vmem>>, vector<1x16xf32>,
        %get3A_703 = vector.shape_cast %get3A_702 : vector<1x16xf32> to vector<16xf32>
        %add3A_704 = arith.addf %add3A_676, %get3A_703 : vector<16xf32>
        %add3A_705 = arith.constant 11 : i32
        %add3A_706 = arith.addi %mul3A_397, %add3A_705 : i32
        %get3A_707 = arith.index_cast %add3A_706 : i32 to index
        %get3A_708 = arith.constant 0 : index
        %get3A_709 = tpu.vector_load %arg9[%get3A_707, %get3A_708] {strides = array<i32>} : memref<200x64xf32, #tpu.memory_space<vmem>>, vector<1x16xf32>,
        %get3A_710 = vector.shape_cast %get3A_709 : vector<1x16xf32> to vector<16xf32>
        %add3A_711 = arith.addf %add3A_683, %get3A_710 : vector<16xf32>
        %add3A_712 = arith.constant 11 : i32
        %add3A_713 = arith.addi %mul3A_397, %add3A_712 : i32
        %get3A_714 = arith.index_cast %add3A_713 : i32 to index
        %get3A_715 = arith.constant 16 : index
        %get3A_716 = tpu.vector_load %arg9[%get3A_714, %get3A_715] {strides = array<i32>} : memref<200x64xf32, #tpu.memory_space<vmem>>, vector<1x16xf32>,
        %get3A_717 = vector.shape_cast %get3A_716 : vector<1x16xf32> to vector<16xf32>
        %add3A_718 = arith.addf %add3A_690, %get3A_717 : vector<16xf32>
        %add3A_719 = arith.constant 11 : i32
        %add3A_720 = arith.addi %mul3A_397, %add3A_719 : i32
        %get3A_721 = arith.index_cast %add3A_720 : i32 to index
        %get3A_722 = arith.constant 32 : index
        %get3A_723 = tpu.vector_load %arg9[%get3A_721, %get3A_722] {strides = array<i32>} : memref<200x64xf32, #tpu.memory_space<vmem>>, vector<1x16xf32>,
        %get3A_724 = vector.shape_cast %get3A_723 : vector<1x16xf32> to vector<16xf32>
        %add3A_725 = arith.addf %add3A_697, %get3A_724 : vector<16xf32>
        %add3A_726 = arith.constant 11 : i32
        %add3A_727 = arith.addi %mul3A_397, %add3A_726 : i32
        %get3A_728 = arith.index_cast %add3A_727 : i32 to index
        %get3A_729 = arith.constant 48 : index
        %get3A_730 = tpu.vector_load %arg9[%get3A_728, %get3A_729] {strides = array<i32>} : memref<200x64xf32, #tpu.memory_space<vmem>>, vector<1x16xf32>,
        %get3A_731 = vector.shape_cast %get3A_730 : vector<1x16xf32> to vector<16xf32>
        %add3A_732 = arith.addf %add3A_704, %get3A_731 : vector<16xf32>
        %add3A_733 = arith.constant 12 : i32
        %add3A_734 = arith.addi %mul3A_397, %add3A_733 : i32
        %get3A_735 = arith.index_cast %add3A_734 : i32 to index
        %get3A_736 = arith.constant 0 : index
        %get3A_737 = tpu.vector_load %arg9[%get3A_735, %get3A_736] {strides = array<i32>} : memref<200x64xf32, #tpu.memory_space<vmem>>, vector<1x16xf32>,
        %get3A_738 = vector.shape_cast %get3A_737 : vector<1x16xf32> to vector<16xf32>
        %add3A_739 = arith.addf %add3A_711, %get3A_738 : vector<16xf32>
        %add3A_740 = arith.constant 12 : i32
        %add3A_741 = arith.addi %mul3A_397, %add3A_740 : i32
        %get3A_742 = arith.index_cast %add3A_741 : i32 to index
        %get3A_743 = arith.constant 16 : index
        %get3A_744 = tpu.vector_load %arg9[%get3A_742, %get3A_743] {strides = array<i32>} : memref<200x64xf32, #tpu.memory_space<vmem>>, vector<1x16xf32>,
        %get3A_745 = vector.shape_cast %get3A_744 : vector<1x16xf32> to vector<16xf32>
        %add3A_746 = arith.addf %add3A_718, %get3A_745 : vector<16xf32>
        %add3A_747 = arith.constant 12 : i32
        %add3A_748 = arith.addi %mul3A_397, %add3A_747 : i32
        %get3A_749 = arith.index_cast %add3A_748 : i32 to index
        %get3A_750 = arith.constant 32 : index
        %get3A_751 = tpu.vector_load %arg9[%get3A_749, %get3A_750] {strides = array<i32>} : memref<200x64xf32, #tpu.memory_space<vmem>>, vector<1x16xf32>,
        %get3A_752 = vector.shape_cast %get3A_751 : vector<1x16xf32> to vector<16xf32>
        %add3A_753 = arith.addf %add3A_725, %get3A_752 : vector<16xf32>
        %add3A_754 = arith.constant 12 : i32
        %add3A_755 = arith.addi %mul3A_397, %add3A_754 : i32
        %get3A_756 = arith.index_cast %add3A_755 : i32 to index
        %get3A_757 = arith.constant 48 : index
        %get3A_758 = tpu.vector_load %arg9[%get3A_756, %get3A_757] {strides = array<i32>} : memref<200x64xf32, #tpu.memory_space<vmem>>, vector<1x16xf32>,
        %get3A_759 = vector.shape_cast %get3A_758 : vector<1x16xf32> to vector<16xf32>
        %add3A_760 = arith.addf %add3A_732, %get3A_759 : vector<16xf32>
        %add3A_761 = arith.constant 13 : i32
        %add3A_762 = arith.addi %mul3A_397, %add3A_761 : i32
        %get3A_763 = arith.index_cast %add3A_762 : i32 to index
        %get3A_764 = arith.constant 0 : index
        %get3A_765 = tpu.vector_load %arg9[%get3A_763, %get3A_764] {strides = array<i32>} : memref<200x64xf32, #tpu.memory_space<vmem>>, vector<1x16xf32>,
        %get3A_766 = vector.shape_cast %get3A_765 : vector<1x16xf32> to vector<16xf32>
        %add3A_767 = arith.addf %add3A_739, %get3A_766 : vector<16xf32>
        %add3A_768 = arith.constant 13 : i32
        %add3A_769 = arith.addi %mul3A_397, %add3A_768 : i32
        %get3A_770 = arith.index_cast %add3A_769 : i32 to index
        %get3A_771 = arith.constant 16 : index
        %get3A_772 = tpu.vector_load %arg9[%get3A_770, %get3A_771] {strides = array<i32>} : memref<200x64xf32, #tpu.memory_space<vmem>>, vector<1x16xf32>,
        %get3A_773 = vector.shape_cast %get3A_772 : vector<1x16xf32> to vector<16xf32>
        %add3A_774 = arith.addf %add3A_746, %get3A_773 : vector<16xf32>
        %add3A_775 = arith.constant 13 : i32
        %add3A_776 = arith.addi %mul3A_397, %add3A_775 : i32
        %get3A_777 = arith.index_cast %add3A_776 : i32 to index
        %get3A_778 = arith.constant 32 : index
        %get3A_779 = tpu.vector_load %arg9[%get3A_777, %get3A_778] {strides = array<i32>} : memref<200x64xf32, #tpu.memory_space<vmem>>, vector<1x16xf32>,
        %get3A_780 = vector.shape_cast %get3A_779 : vector<1x16xf32> to vector<16xf32>
        %add3A_781 = arith.addf %add3A_753, %get3A_780 : vector<16xf32>
        %add3A_782 = arith.constant 13 : i32
        %add3A_783 = arith.addi %mul3A_397, %add3A_782 : i32
        %get3A_784 = arith.index_cast %add3A_783 : i32 to index
        %get3A_785 = arith.constant 48 : index
        %get3A_786 = tpu.vector_load %arg9[%get3A_784, %get3A_785] {strides = array<i32>} : memref<200x64xf32, #tpu.memory_space<vmem>>, vector<1x16xf32>,
        %get3A_787 = vector.shape_cast %get3A_786 : vector<1x16xf32> to vector<16xf32>
        %add3A_788 = arith.addf %add3A_760, %get3A_787 : vector<16xf32>
        %add3A_789 = arith.constant 14 : i32
        %add3A_790 = arith.addi %mul3A_397, %add3A_789 : i32
        %get3A_791 = arith.index_cast %add3A_790 : i32 to index
        %get3A_792 = arith.constant 0 : index
        %get3A_793 = tpu.vector_load %arg9[%get3A_791, %get3A_792] {strides = array<i32>} : memref<200x64xf32, #tpu.memory_space<vmem>>, vector<1x16xf32>,
        %get3A_794 = vector.shape_cast %get3A_793 : vector<1x16xf32> to vector<16xf32>
        %add3A_795 = arith.addf %add3A_767, %get3A_794 : vector<16xf32>
        %add3A_796 = arith.constant 14 : i32
        %add3A_797 = arith.addi %mul3A_397, %add3A_796 : i32
        %get3A_798 = arith.index_cast %add3A_797 : i32 to index
        %get3A_799 = arith.constant 16 : index
        %get3A_800 = tpu.vector_load %arg9[%get3A_798, %get3A_799] {strides = array<i32>} : memref<200x64xf32, #tpu.memory_space<vmem>>, vector<1x16xf32>,
        %get3A_801 = vector.shape_cast %get3A_800 : vector<1x16xf32> to vector<16xf32>
        %add3A_802 = arith.addf %add3A_774, %get3A_801 : vector<16xf32>
        %add3A_803 = arith.constant 14 : i32
        %add3A_804 = arith.addi %mul3A_397, %add3A_803 : i32
        %get3A_805 = arith.index_cast %add3A_804 : i32 to index
        %get3A_806 = arith.constant 32 : index
        %get3A_807 = tpu.vector_load %arg9[%get3A_805, %get3A_806] {strides = array<i32>} : memref<200x64xf32, #tpu.memory_space<vmem>>, vector<1x16xf32>,
        %get3A_808 = vector.shape_cast %get3A_807 : vector<1x16xf32> to vector<16xf32>
        %add3A_809 = arith.addf %add3A_781, %get3A_808 : vector<16xf32>
        %add3A_810 = arith.constant 14 : i32
        %add3A_811 = arith.addi %mul3A_397, %add3A_810 : i32
        %get3A_812 = arith.index_cast %add3A_811 : i32 to index
        %get3A_813 = arith.constant 48 : index
        %get3A_814 = tpu.vector_load %arg9[%get3A_812, %get3A_813] {strides = array<i32>} : memref<200x64xf32, #tpu.memory_space<vmem>>, vector<1x16xf32>,
        %get3A_815 = vector.shape_cast %get3A_814 : vector<1x16xf32> to vector<16xf32>
        %add3A_816 = arith.addf %add3A_788, %get3A_815 : vector<16xf32>
        %add3A_817 = arith.constant 15 : i32
        %add3A_818 = arith.addi %mul3A_397, %add3A_817 : i32
        %get3A_819 = arith.index_cast %add3A_818 : i32 to index
        %get3A_820 = arith.constant 0 : index
        %get3A_821 = tpu.vector_load %arg9[%get3A_819, %get3A_820] {strides = array<i32>} : memref<200x64xf32, #tpu.memory_space<vmem>>, vector<1x16xf32>,
        %get3A_822 = vector.shape_cast %get3A_821 : vector<1x16xf32> to vector<16xf32>
        %add3A_823 = arith.addf %add3A_795, %get3A_822 : vector<16xf32>
        %add3A_824 = arith.constant 15 : i32
        %add3A_825 = arith.addi %mul3A_397, %add3A_824 : i32
        %get3A_826 = arith.index_cast %add3A_825 : i32 to index
        %get3A_827 = arith.constant 16 : index
        %get3A_828 = tpu.vector_load %arg9[%get3A_826, %get3A_827] {strides = array<i32>} : memref<200x64xf32, #tpu.memory_space<vmem>>, vector<1x16xf32>,
        %get3A_829 = vector.shape_cast %get3A_828 : vector<1x16xf32> to vector<16xf32>
        %add3A_830 = arith.addf %add3A_802, %get3A_829 : vector<16xf32>
        %add3A_831 = arith.constant 15 : i32
        %add3A_832 = arith.addi %mul3A_397, %add3A_831 : i32
        %get3A_833 = arith.index_cast %add3A_832 : i32 to index
        %get3A_834 = arith.constant 32 : index
        %get3A_835 = tpu.vector_load %arg9[%get3A_833, %get3A_834] {strides = array<i32>} : memref<200x64xf32, #tpu.memory_space<vmem>>, vector<1x16xf32>,
        %get3A_836 = vector.shape_cast %get3A_835 : vector<1x16xf32> to vector<16xf32>
        %add3A_837 = arith.addf %add3A_809, %get3A_836 : vector<16xf32>
        %add3A_838 = arith.constant 15 : i32
        %add3A_839 = arith.addi %mul3A_397, %add3A_838 : i32
        %get3A_840 = arith.index_cast %add3A_839 : i32 to index
        %get3A_841 = arith.constant 48 : index
        %get3A_842 = tpu.vector_load %arg9[%get3A_840, %get3A_841] {strides = array<i32>} : memref<200x64xf32, #tpu.memory_space<vmem>>, vector<1x16xf32>,
        %get3A_843 = vector.shape_cast %get3A_842 : vector<1x16xf32> to vector<16xf32>
        %add3A_844 = arith.addf %add3A_816, %get3A_843 : vector<16xf32>
        %add3A_845 = arith.constant 16 : i32
        %add3A_846 = arith.addi %mul3A_397, %add3A_845 : i32
        %get3A_847 = arith.index_cast %add3A_846 : i32 to index
        %get3A_848 = arith.constant 0 : index
        %get3A_849 = tpu.vector_load %arg9[%get3A_847, %get3A_848] {strides = array<i32>} : memref<200x64xf32, #tpu.memory_space<vmem>>, vector<1x16xf32>,
        %get3A_850 = vector.shape_cast %get3A_849 : vector<1x16xf32> to vector<16xf32>
        %add3A_851 = arith.addf %add3A_823, %get3A_850 : vector<16xf32>
        %add3A_852 = arith.constant 16 : i32
        %add3A_853 = arith.addi %mul3A_397, %add3A_852 : i32
        %get3A_854 = arith.index_cast %add3A_853 : i32 to index
        %get3A_855 = arith.constant 16 : index
        %get3A_856 = tpu.vector_load %arg9[%get3A_854, %get3A_855] {strides = array<i32>} : memref<200x64xf32, #tpu.memory_space<vmem>>, vector<1x16xf32>,
        %get3A_857 = vector.shape_cast %get3A_856 : vector<1x16xf32> to vector<16xf32>
        %add3A_858 = arith.addf %add3A_830, %get3A_857 : vector<16xf32>
        %add3A_859 = arith.constant 16 : i32
        %add3A_860 = arith.addi %mul3A_397, %add3A_859 : i32
        %get3A_861 = arith.index_cast %add3A_860 : i32 to index
        %get3A_862 = arith.constant 32 : index
        %get3A_863 = tpu.vector_load %arg9[%get3A_861, %get3A_862] {strides = array<i32>} : memref<200x64xf32, #tpu.memory_space<vmem>>, vector<1x16xf32>,
        %get3A_864 = vector.shape_cast %get3A_863 : vector<1x16xf32> to vector<16xf32>
        %add3A_865 = arith.addf %add3A_837, %get3A_864 : vector<16xf32>
        %add3A_866 = arith.constant 16 : i32
        %add3A_867 = arith.addi %mul3A_397, %add3A_866 : i32
        %get3A_868 = arith.index_cast %add3A_867 : i32 to index
        %get3A_869 = arith.constant 48 : index
        %get3A_870 = tpu.vector_load %arg9[%get3A_868, %get3A_869] {strides = array<i32>} : memref<200x64xf32, #tpu.memory_space<vmem>>, vector<1x16xf32>,
        %get3A_871 = vector.shape_cast %get3A_870 : vector<1x16xf32> to vector<16xf32>
        %add3A_872 = arith.addf %add3A_844, %get3A_871 : vector<16xf32>
        %add3A_873 = arith.constant 17 : i32
        %add3A_874 = arith.addi %mul3A_397, %add3A_873 : i32
        %get3A_875 = arith.index_cast %add3A_874 : i32 to index
        %get3A_876 = arith.constant 0 : index
        %get3A_877 = tpu.vector_load %arg9[%get3A_875, %get3A_876] {strides = array<i32>} : memref<200x64xf32, #tpu.memory_space<vmem>>, vector<1x16xf32>,
        %get3A_878 = vector.shape_cast %get3A_877 : vector<1x16xf32> to vector<16xf32>
        %add3A_879 = arith.addf %add3A_851, %get3A_878 : vector<16xf32>
        %add3A_880 = arith.constant 17 : i32
        %add3A_881 = arith.addi %mul3A_397, %add3A_880 : i32
        %get3A_882 = arith.index_cast %add3A_881 : i32 to index
        %get3A_883 = arith.constant 16 : index
        %get3A_884 = tpu.vector_load %arg9[%get3A_882, %get3A_883] {strides = array<i32>} : memref<200x64xf32, #tpu.memory_space<vmem>>, vector<1x16xf32>,
        %get3A_885 = vector.shape_cast %get3A_884 : vector<1x16xf32> to vector<16xf32>
        %add3A_886 = arith.addf %add3A_858, %get3A_885 : vector<16xf32>
        %add3A_887 = arith.constant 17 : i32
        %add3A_888 = arith.addi %mul3A_397, %add3A_887 : i32
        %get3A_889 = arith.index_cast %add3A_888 : i32 to index
        %get3A_890 = arith.constant 32 : index
        %get3A_891 = tpu.vector_load %arg9[%get3A_889, %get3A_890] {strides = array<i32>} : memref<200x64xf32, #tpu.memory_space<vmem>>, vector<1x16xf32>,
        %get3A_892 = vector.shape_cast %get3A_891 : vector<1x16xf32> to vector<16xf32>
        %add3A_893 = arith.addf %add3A_865, %get3A_892 : vector<16xf32>
        %add3A_894 = arith.constant 17 : i32
        %add3A_895 = arith.addi %mul3A_397, %add3A_894 : i32
        %get3A_896 = arith.index_cast %add3A_895 : i32 to index
        %get3A_897 = arith.constant 48 : index
        %get3A_898 = tpu.vector_load %arg9[%get3A_896, %get3A_897] {strides = array<i32>} : memref<200x64xf32, #tpu.memory_space<vmem>>, vector<1x16xf32>,
        %get3A_899 = vector.shape_cast %get3A_898 : vector<1x16xf32> to vector<16xf32>
        %add3A_900 = arith.addf %add3A_872, %get3A_899 : vector<16xf32>
        %add3A_901 = arith.constant 18 : i32
        %add3A_902 = arith.addi %mul3A_397, %add3A_901 : i32
        %get3A_903 = arith.index_cast %add3A_902 : i32 to index
        %get3A_904 = arith.constant 0 : index
        %get3A_905 = tpu.vector_load %arg9[%get3A_903, %get3A_904] {strides = array<i32>} : memref<200x64xf32, #tpu.memory_space<vmem>>, vector<1x16xf32>,
        %get3A_906 = vector.shape_cast %get3A_905 : vector<1x16xf32> to vector<16xf32>
        %add3A_907 = arith.addf %add3A_879, %get3A_906 : vector<16xf32>
        %add3A_908 = arith.constant 18 : i32
        %add3A_909 = arith.addi %mul3A_397, %add3A_908 : i32
        %get3A_910 = arith.index_cast %add3A_909 : i32 to index
        %get3A_911 = arith.constant 16 : index
        %get3A_912 = tpu.vector_load %arg9[%get3A_910, %get3A_911] {strides = array<i32>} : memref<200x64xf32, #tpu.memory_space<vmem>>, vector<1x16xf32>,
        %get3A_913 = vector.shape_cast %get3A_912 : vector<1x16xf32> to vector<16xf32>
        %add3A_914 = arith.addf %add3A_886, %get3A_913 : vector<16xf32>
        %add3A_915 = arith.constant 18 : i32
        %add3A_916 = arith.addi %mul3A_397, %add3A_915 : i32
        %get3A_917 = arith.index_cast %add3A_916 : i32 to index
        %get3A_918 = arith.constant 32 : index
        %get3A_919 = tpu.vector_load %arg9[%get3A_917, %get3A_918] {strides = array<i32>} : memref<200x64xf32, #tpu.memory_space<vmem>>, vector<1x16xf32>,
        %get3A_920 = vector.shape_cast %get3A_919 : vector<1x16xf32> to vector<16xf32>
        %add3A_921 = arith.addf %add3A_893, %get3A_920 : vector<16xf32>
        %add3A_922 = arith.constant 18 : i32
        %add3A_923 = arith.addi %mul3A_397, %add3A_922 : i32
        %get3A_924 = arith.index_cast %add3A_923 : i32 to index
        %get3A_925 = arith.constant 48 : index
        %get3A_926 = tpu.vector_load %arg9[%get3A_924, %get3A_925] {strides = array<i32>} : memref<200x64xf32, #tpu.memory_space<vmem>>, vector<1x16xf32>,
        %get3A_927 = vector.shape_cast %get3A_926 : vector<1x16xf32> to vector<16xf32>
        %add3A_928 = arith.addf %add3A_900, %get3A_927 : vector<16xf32>
        %add3A_929 = arith.constant 19 : i32
        %add3A_930 = arith.addi %mul3A_397, %add3A_929 : i32
        %get3A_931 = arith.index_cast %add3A_930 : i32 to index
        %get3A_932 = arith.constant 0 : index
        %get3A_933 = tpu.vector_load %arg9[%get3A_931, %get3A_932] {strides = array<i32>} : memref<200x64xf32, #tpu.memory_space<vmem>>, vector<1x16xf32>,
        %get3A_934 = vector.shape_cast %get3A_933 : vector<1x16xf32> to vector<16xf32>
        %add3A_935 = arith.addf %add3A_907, %get3A_934 : vector<16xf32>
        %add3A_936 = arith.constant 19 : i32
        %add3A_937 = arith.addi %mul3A_397, %add3A_936 : i32
        %get3A_938 = arith.index_cast %add3A_937 : i32 to index
        %get3A_939 = arith.constant 16 : index
        %get3A_940 = tpu.vector_load %arg9[%get3A_938, %get3A_939] {strides = array<i32>} : memref<200x64xf32, #tpu.memory_space<vmem>>, vector<1x16xf32>,
        %get3A_941 = vector.shape_cast %get3A_940 : vector<1x16xf32> to vector<16xf32>
        %add3A_942 = arith.addf %add3A_914, %get3A_941 : vector<16xf32>
        %add3A_943 = arith.constant 19 : i32
        %add3A_944 = arith.addi %mul3A_397, %add3A_943 : i32
        %get3A_945 = arith.index_cast %add3A_944 : i32 to index
        %get3A_946 = arith.constant 32 : index
        %get3A_947 = tpu.vector_load %arg9[%get3A_945, %get3A_946] {strides = array<i32>} : memref<200x64xf32, #tpu.memory_space<vmem>>, vector<1x16xf32>,
        %get3A_948 = vector.shape_cast %get3A_947 : vector<1x16xf32> to vector<16xf32>
        %add3A_949 = arith.addf %add3A_921, %get3A_948 : vector<16xf32>
        %add3A_950 = arith.constant 19 : i32
        %add3A_951 = arith.addi %mul3A_397, %add3A_950 : i32
        %get3A_952 = arith.index_cast %add3A_951 : i32 to index
        %get3A_953 = arith.constant 48 : index
        %get3A_954 = tpu.vector_load %arg9[%get3A_952, %get3A_953] {strides = array<i32>} : memref<200x64xf32, #tpu.memory_space<vmem>>, vector<1x16xf32>,
        %get3A_955 = vector.shape_cast %get3A_954 : vector<1x16xf32> to vector<16xf32>
        %add3A_956 = arith.addf %add3A_928, %get3A_955 : vector<16xf32>
        scf.yield %add3A_935, %add3A_942, %add3A_949, %add3A_956 : vector<16xf32>, vector<16xf32>, vector<16xf32>, vector<16xf32>
      }
      %scan3A_358 = arith.constant 10 : i32
      %mul3A_359 = arith.constant 5.000000e-03 : f32
      %mul3A_360 = vector.broadcast %mul3A_359 : f32 to vector<16xf32>
      %mul3A_361 = arith.mulf %scan3A_357#0, %mul3A_360 : vector<16xf32>
      %swap3A_362 = arith.index_cast %add3A_350 : i32 to index
      %swap3A_363 = arith.constant 0 : index
      %swap3A_364 = tpu.vector_load %arg10[%swap3A_362, %swap3A_363] {strides = array<i32>} : memref<128x64xf32, #tpu.memory_space<vmem>>, vector<1x16xf32>,
      %swap3A_365 = vector.shape_cast %swap3A_364 : vector<1x16xf32> to vector<16xf32>
      %swap3A_366 = vector.shape_cast %mul3A_361 : vector<16xf32> to vector<1x16xf32>
      tpu.vector_store %arg10[%swap3A_362, %swap3A_363], %swap3A_366 {strides = array<i32>} : memref<128x64xf32, #tpu.memory_space<vmem>>, vector<1x16xf32>,
      %mul3A_367 = arith.constant 5.000000e-03 : f32
      %mul3A_368 = vector.broadcast %mul3A_367 : f32 to vector<16xf32>
      %mul3A_369 = arith.mulf %scan3A_357#1, %mul3A_368 : vector<16xf32>
      %swap3A_370 = arith.index_cast %add3A_350 : i32 to index
      %swap3A_371 = arith.constant 16 : index
      %swap3A_372 = tpu.vector_load %arg10[%swap3A_370, %swap3A_371] {strides = array<i32>} : memref<128x64xf32, #tpu.memory_space<vmem>>, vector<1x16xf32>,
      %swap3A_373 = vector.shape_cast %swap3A_372 : vector<1x16xf32> to vector<16xf32>
      %swap3A_374 = vector.shape_cast %mul3A_369 : vector<16xf32> to vector<1x16xf32>
      tpu.vector_store %arg10[%swap3A_370, %swap3A_371], %swap3A_374 {strides = array<i32>} : memref<128x64xf32, #tpu.memory_space<vmem>>, vector<1x16xf32>,
      %mul3A_375 = arith.constant 5.000000e-03 : f32
      %mul3A_376 = vector.broadcast %mul3A_375 : f32 to vector<16xf32>
      %mul3A_377 = arith.mulf %scan3A_357#2, %mul3A_376 : vector<16xf32>
      %swap3A_378 = arith.index_cast %add3A_350 : i32 to index
      %swap3A_379 = arith.constant 32 : index
      %swap3A_380 = tpu.vector_load %arg10[%swap3A_378, %swap3A_379] {strides = array<i32>} : memref<128x64xf32, #tpu.memory_space<vmem>>, vector<1x16xf32>,
      %swap3A_381 = vector.shape_cast %swap3A_380 : vector<1x16xf32> to vector<16xf32>
      %swap3A_382 = vector.shape_cast %mul3A_377 : vector<16xf32> to vector<1x16xf32>
      tpu.vector_store %arg10[%swap3A_378, %swap3A_379], %swap3A_382 {strides = array<i32>} : memref<128x64xf32, #tpu.memory_space<vmem>>, vector<1x16xf32>,
      %mul3A_383 = arith.constant 5.000000e-03 : f32
      %mul3A_384 = vector.broadcast %mul3A_383 : f32 to vector<16xf32>
      %mul3A_385 = arith.mulf %scan3A_357#3, %mul3A_384 : vector<16xf32>
      %swap3A_386 = arith.index_cast %add3A_350 : i32 to index
      %swap3A_387 = arith.constant 48 : index
      %swap3A_388 = tpu.vector_load %arg10[%swap3A_386, %swap3A_387] {strides = array<i32>} : memref<128x64xf32, #tpu.memory_space<vmem>>, vector<1x16xf32>,
      %swap3A_389 = vector.shape_cast %swap3A_388 : vector<1x16xf32> to vector<16xf32>
      %swap3A_390 = vector.shape_cast %mul3A_385 : vector<16xf32> to vector<1x16xf32>
      tpu.vector_store %arg10[%swap3A_386, %swap3A_387], %swap3A_390 {strides = array<i32>} : memref<128x64xf32, #tpu.memory_space<vmem>>, vector<1x16xf32>,
    }
    %scan3A_158 = arith.constant 32 : i32
    "tpu.region"() ({
      %run_scoped3A = tpu.sem_alloc : memref<!tpu.dma_semaphore, #tpu.memory_space<semaphore_mem>>
      %dma_start3A_159 = arith.constant 0 : i32
      %dma_start3A_160 = tpu.memref_slice %arg4[%mul3A_2, %dma_start3A_159] : memref<4096x64xf32, #tpu.memory_space<hbm>> -> memref<128x64xf32, #tpu.memory_space<hbm>>
      %dma_start3A_161 = arith.constant 0 : i32
      %dma_start3A_162 = tpu.memref_slice %arg4[%mul3A_2, %dma_start3A_161] : memref<4096x64xf32, #tpu.memory_space<hbm>> -> memref<128x64xf32, #tpu.memory_space<hbm>>
      tpu.enqueue_dma source(%arg10 : memref<128x64xf32, #tpu.memory_space<vmem>>) target(%dma_start3A_162 : memref<128x64xf32, #tpu.memory_space<hbm>>) target_semaphore(%run_scoped3A : memref<!tpu.dma_semaphore, #tpu.memory_space<semaphore_mem>>)
      %dma_wait3A = arith.constant 0 : i32
      %dma_wait3A_163 = tpu.memref_slice %arg4[%mul3A_2, %dma_wait3A] : memref<4096x64xf32, #tpu.memory_space<hbm>> -> memref<128x64xf32, #tpu.memory_space<hbm>>
      %dma_wait3A_164 = arith.constant 0 : i32
      %dma_wait3A_165 = tpu.memref_slice %arg4[%mul3A_2, %dma_wait3A_164] : memref<4096x64xf32, #tpu.memory_space<hbm>> -> memref<128x64xf32, #tpu.memory_space<hbm>>
      tpu.wait_dma2 semaphore(%run_scoped3A : memref<!tpu.dma_semaphore, #tpu.memory_space<semaphore_mem>>) src(%arg10 : memref<128x64xf32, #tpu.memory_space<vmem>>) dst(%dma_wait3A_165 : memref<128x64xf32, #tpu.memory_space<hbm>>)
      tpu.yield
    }) : () -> ()
    return
  }
}

module attributes {stable_mosaic.version = 14 : i64} {
  func.func @_mlp_body(%arg0: memref<4096x64xf32, #tpu.memory_space<vmem>>, %arg1: memref<64x64xf32, #tpu.memory_space<vmem>>, %arg2: memref<1x64xf32, #tpu.memory_space<vmem>>, %arg3: memref<64x64xf32, #tpu.memory_space<vmem>>, %arg4: memref<1x64xf32, #tpu.memory_space<vmem>>, %arg5: memref<4096x64xf32, #tpu.memory_space<vmem>>) attributes {dimension_semantics = [], scalar_prefetch = 0 : i64, scratch_operands = 0 : i64, tpu.core_type = #tpu.core_type<tc>} {
    %get3A = arith.constant 0 : index
    %get3A_0 = arith.constant 0 : index
    %get3A_1 = vector.load %arg0[%get3A, %get3A_0] : memref<4096x64xf32, #tpu.memory_space<vmem>>, vector<4096x64xf32>
    %get3A_2 = arith.constant 0 : index
    %get3A_3 = arith.constant 0 : index
    %get3A_4 = vector.load %arg1[%get3A_2, %get3A_3] : memref<64x64xf32, #tpu.memory_space<vmem>>, vector<64x64xf32>
    %dot_general3A = arith.constant dense<0.000000e+00> : vector<4096x64xf32>
    %dot_general3A_5 = tpu.matmul %get3A_1, %get3A_4, %dot_general3A {dimension_numbers = #tpu.dot_dimension_numbers<[1], [0], [0], [1], [0, 0, 1, 1], [], []>, transpose_lhs_hint = false} : vector<4096x64xf32>, vector<64x64xf32>, vector<4096x64xf32> -> vector<4096x64xf32>
    %get3A_6 = arith.constant 0 : index
    %get3A_7 = arith.constant 0 : index
    %get3A_8 = vector.load %arg2[%get3A_6, %get3A_7] : memref<1x64xf32, #tpu.memory_space<vmem>>, vector<1x64xf32>
    %add3A = vector.broadcast %get3A_8 : vector<1x64xf32> to vector<4096x64xf32>
    %add3A_9 = arith.addf %dot_general3A_5, %add3A : vector<4096x64xf32>
    %max3A = arith.constant 0.000000e+00 : f32
    %max3A_10 = vector.broadcast %max3A : f32 to vector<4096x64xf32>
    %max3A_11 = arith.maximumf %add3A_9, %max3A_10 : vector<4096x64xf32>
    %get3A_12 = arith.constant 0 : index
    %get3A_13 = arith.constant 0 : index
    %get3A_14 = vector.load %arg3[%get3A_12, %get3A_13] : memref<64x64xf32, #tpu.memory_space<vmem>>, vector<64x64xf32>
    %dot_general3A_15 = arith.constant dense<0.000000e+00> : vector<4096x64xf32>
    %dot_general3A_16 = tpu.matmul %max3A_11, %get3A_14, %dot_general3A_15 {dimension_numbers = #tpu.dot_dimension_numbers<[1], [0], [0], [1], [0, 0, 1, 1], [], []>, transpose_lhs_hint = false} : vector<4096x64xf32>, vector<64x64xf32>, vector<4096x64xf32> -> vector<4096x64xf32>
    %get3A_17 = arith.constant 0 : index
    %get3A_18 = arith.constant 0 : index
    %get3A_19 = vector.load %arg4[%get3A_17, %get3A_18] : memref<1x64xf32, #tpu.memory_space<vmem>>, vector<1x64xf32>
    %add3A_20 = vector.broadcast %get3A_19 : vector<1x64xf32> to vector<4096x64xf32>
    %add3A_21 = arith.addf %dot_general3A_16, %add3A_20 : vector<4096x64xf32>
    %swap3A = arith.constant 0 : index
    %swap3A_22 = arith.constant 0 : index
    %swap3A_23 = vector.load %arg5[%swap3A, %swap3A_22] : memref<4096x64xf32, #tpu.memory_space<vmem>>, vector<4096x64xf32>
    tpu.vector_store %arg5[%swap3A, %swap3A_22], %add3A_21 {strides = array<i32>} : memref<4096x64xf32, #tpu.memory_space<vmem>>, vector<4096x64xf32>,
    return
  }
}

</mosaic_0001>

<sc_bundles>
// kernel: kernel.4.cloned.1.call-start
scs
__scs_entry_jumppad:
0x0: {  	(pc) =	sbr.rel $0x88, $3  }
0x1: {  	(tag) =	ssettag $0x0;
	lr =	simm.s32 $0x1  }
0x2: {  	[smem:$0x3F9B] =	sst lr;
	_ =	strace $0xD0000000  }
0x3: {  	_ = 	snop  }
0x4: {  	_ = 	snop  }
0x5: {  	_ = 	snop  }
0x6: {  	_ = 	snop  }
0x7: {  	_ = 	snop  }
__scs_overlays_trampoline_lowered:
0x8: {  	[smem:$0x3FAA] =	sst s0  }
0x9: {  	[smem:$0x3FAB] =	sst s1  }
0xa: {  	[smem:$0x3FAC] =	sst s2  }
0xb: {  	[smem:$0x3FAD] =	sst s3  }
0xc: {  	[smem:$0x3FAE] =	sst s4  }
0xd: {  	[smem:$0x3FAF] =	sst s5  }
0xe: {  	[smem:$0x3FB0] =	sst s6  }
0xf: {  	[smem:$0x3FB1] =	sst s7  }
0x10: {  	[smem:$0x3FB2] =	sst s8  }
0x11: {  	[smem:$0x3FB3] =	sst s9;
	s0 =	simm.s32 @!p0 $0x0  }
0x12: {  	s1 =	sld [smem:$0x3F99];
	s0 =	simm.s32 @p0 $0x1  }
0x13: {  	[smem:$0x3FB4] =	sst s0;
	s0 =	simm.s32 @!p1 $0x0  }
0x14: {  	s2 =	sld [smem:$0x3F98];
	s0 =	simm.s32 @p1 $0x1  }
0x15: {  	[smem:$0x3FB5] =	sst s0;
	s0 =	simm.s32 @!p2 $0x0  }
0x16: {  	s3 =	sld [smem:$0x3FDB];
	s0 =	simm.s32 @p2 $0x1  }
0x17: {  	s4 =	simm.s32 $0x1BF5;
	[smem:$0x3FB7] =	sst s0  }
0x18: {  	s0 =	sld [smem:$0x3F9A];
	_ =	swait.ge [sflag:s4], $0x0  }
0x19: {  	s7 =	sld [smem:$0x3F9B]  }
0x1a: {  	s8 =	sadd.s32 $0xFFFFE003, lr  }
0x1b: {  	s9 =	sadd.s32 $0xFFFFFEF7, lr;
	s5 =	simm.s32 $0xFFFFFFFF;
	p2 =	slt.u32 s8, $0xFFFFF086  }
0x1c: {  	p1 =	slt.u32 s9, $0xF7A;
	s5 =	simm.s32 @!p2 $0x0  }
0x1d: {  	s5 =	simm.s32 @p1 $0x1;
	p0 =	seq.s32 s7, s2  }
0x1e: {  	s7 =	smul.u32 @!p0 $0xF7A, s2;
	p2 =	seq.s32 @!p0 s5, $0x0  }
0x1f: {  	s9 =	smul.u32 $0xF7A, s1;
	s8 =	simm.s32 @!p0 $0x1BF5;
	p2 =	por !p2, p0  }
0x20: {  	[sflag:s8] =	ssyncset.s32 @!p0 $0xFFFFF086;
	s6 =	sadd.s32 @!p0 s3, s7;
	s7 =	simm.s32 @!p0 $0x108  }
0x21: {  	s3 =	sadd.s32 s3, s9;
	s6 =	sadd.s32 @!p0 $0x88, s6;
	s7 =	simm.s32 @p2 $0x1082  }
0x22: {  	[simem:s7], [sflag:s8] =	dma.local @!p0 [hbm:s6], $0xF7A  }
0x23: {  	s9 =	sor.u32 $0xD0000000, s2;
	s6 =	simm.s32 $0x108;
	_ =	swait.ge @!p0 [sflag:s8], $0x0  }
0x24: {  	s3 =	sadd.s32 $0x88, s3;
	s6 =	simm.s32 @!p1 $0x1082;
	[sflag:s4] =	ssyncset.s32 $0xFFFFF086  }
0x25: {  	[simem:s6], [sflag:s4] =	dma.local [hbm:s3], $0xF7A  }
0x26: {  	[smem:$0x3F9B] =	sst s1;
	(tag) =	ssettag s2;
	_ =	strace s9  }
0x27: {  	s1 =	sld [smem:$0x3FAB]  }
0x28: {  	s2 =	sld [smem:$0x3FAC]  }
0x29: {  	s4 =	sld [smem:$0x3FAE]  }
0x2a: {  	p0 =	seq.s32 s5, $0x0;
	s5 =	sld [smem:$0x3FAF]  }
0x2b: {  	s6 =	sld [smem:$0x3FB0]  }
0x2c: {  	s7 =	sld [smem:$0x3FB1]  }
0x2d: {  	s3 =	simm.s32 $0x108;
	s8 =	sld [smem:$0x3FB2]  }
0x2e: {  	s3 =	simm.s32 @!p0 $0x1082;
	s9 =	sld [smem:$0x3FB3]  }
0x2f: {  	lr =	sadd.s32 s0, s3;
	s0 =	sld [smem:$0x3FAA]  }
0x30: {  	s3 =	sld [smem:$0x3FAD]  }
0x31: {  	[smem:$0x3FB6] =	sst s10  }
0x32: {  	s10 =	sld [smem:$0x3FB4];
	_ =	sdelay $0x3  }
0x33: {  	p0 =	seq.s32 s10, $0x1;
	s10 =	sld [smem:$0x3FB6];
	_ =	sdelay $0x3  }
0x34: {  	[smem:$0x3FB6] =	sst s10  }
0x35: {  	s10 =	sld [smem:$0x3FB5];
	_ =	sdelay $0x3  }
0x36: {  	p1 =	seq.s32 s10, $0x1;
	s10 =	sld [smem:$0x3FB6];
	_ =	sdelay $0x3  }
0x37: {  	[smem:$0x3FB6] =	sst s10  }
0x38: {  	s10 =	sld [smem:$0x3FB7]  }
0x39: {  	_ = 	snop;
	(pc) =	sbr.ind lr, $3  }
0x3a: {  	_ = 	snop  }
0x3b: {  	_ = 	snop  }
0x3c: {  	p2 =	seq.s32 s10, $0x1;
	s10 =	sld [smem:$0x3FB6]  }
0x3d: {  	_ =	shalt  }
0x3e: {  	_ =	shalt  }
0x3f: {  	_ =	shalt  }
0x40: {  	_ =	shalt  }
0x41: {  	_ =	shalt  }
0x42: {  	_ =	shalt  }
0x43: {  	_ =	shalt  }
0x44: {  	_ =	shalt  }
0x45: {  	_ =	shalt  }
0x46: {  	_ =	shalt  }
0x47: {  	_ =	shalt  }
0x48: {  	_ =	shalt  }
0x49: {  	_ =	shalt  }
0x4a: {  	_ =	shalt  }
0x4b: {  	_ =	shalt  }
0x4c: {  	_ =	shalt  }
0x4d: {  	_ =	shalt  }
0x4e: {  	_ =	shalt  }
0x4f: {  	_ =	shalt  }
0x50: {  	_ =	shalt  }
0x51: {  	_ =	shalt  }
0x52: {  	_ =	shalt  }
0x53: {  	_ =	shalt  }
0x54: {  	_ =	shalt  }
0x55: {  	_ =	shalt  }
0x56: {  	_ =	shalt  }
0x57: {  	_ =	shalt  }
0x58: {  	_ =	shalt  }
0x59: {  	_ =	shalt  }
0x5a: {  	_ =	shalt  }
0x5b: {  	_ =	shalt  }
0x5c: {  	_ =	shalt  }
0x5d: {  	_ =	shalt  }
0x5e: {  	_ =	shalt  }
0x5f: {  	_ =	shalt  }
0x60: {  	_ =	shalt  }
0x61: {  	_ =	shalt  }
0x62: {  	_ =	shalt  }
0x63: {  	_ =	shalt  }
0x64: {  	_ =	shalt  }
0x65: {  	_ =	shalt  }
0x66: {  	_ =	shalt  }
0x67: {  	_ =	shalt  }
0x68: {  	_ =	shalt  }
0x69: {  	_ =	shalt  }
0x6a: {  	_ =	shalt  }
0x6b: {  	_ =	shalt  }
0x6c: {  	_ =	shalt  }
0x6d: {  	_ =	shalt  }
0x6e: {  	_ =	shalt  }
0x6f: {  	_ =	shalt  }
0x70: {  	_ =	shalt  }
0x71: {  	_ =	shalt  }
0x72: {  	_ =	shalt  }
0x73: {  	_ =	shalt  }
0x74: {  	_ =	shalt  }
0x75: {  	_ =	shalt  }
0x76: {  	_ =	shalt  }
0x77: {  	_ =	shalt  }
0x78: {  	_ =	shalt  }
0x79: {  	_ =	shalt  }
0x7a: {  	_ =	shalt  }
0x7b: {  	_ =	shalt  }
0x7c: {  	_ =	shalt  }
0x7d: {  	_ =	shalt  }
0x7e: {  	_ =	shalt  }
0x7f: {  	_ =	shalt  }
0x80: {  	_ =	shalt  }
0x81: {  	_ =	shalt  }
0x82: {  	_ =	shalt  }
0x83: {  	_ =	shalt  }
0x84: {  	_ =	shalt  }
0x85: {  	_ =	shalt  }
0x86: {  	_ =	shalt  }
0x87: {  	_ =	shalt  }
.Lfunc_end0:
.L_simem_size_0:
called_computation_lowered:
.L_overlay_start_0:
0x88: {  	s2 =	sld [smem:$0x3FD9]  }
0x89: {  	s3 =	sld [smem:$0x3FFE];
	_ =	sdelay $0x1  }
0x8a: {  	s1 =	srdreg.scid  }
0x8b: {  	s0 =	sand.u32 $0x1, s1  }
0x8c: {  	s17 =	sshll.u32 s0, $0xA;
	s2 =	sadd.s32 s3, s2  }
0x8d: {  	s2 =	sadd.s32 s2, s17  }
0x8e: {  	[smem:$0x3FC2] =	sst s2  }
0x8f: {  	_ = 	snop  }
0x90: {  	s2 =	sld [smem:$0x3FD0];
	(tm) =	ssettm $0x1  }
0x91: {  	s18 =	sld [smem:$0x3FFB];
	_ =	sdelay $0x3  }
0x92: {  	_ =	strace s18  }
0x93: {  	s3 =	sld [smem:$0x3FFC];
	_ =	sdelay $0x3  }
0x94: {  	_ =	strace s3  }
0x95: {  	s3 =	sld [smem:$0x3FFD];
	_ =	sdelay $0x3  }
0x96: {  	_ =	strace s3  }
0x97: {  	_ =	strace $0x8FFFFFFF  }
0x98: {  	s19 =	sld [smem:$0x3FDB];
	_ =	sdelay $0x1  }
0x99: {  	s4 =	simm.s32 $_scs_section_size  }
0x9a: {  	s5 =	simm.s32 $_size__tile_overlayer_lowered;
	s6 =	simm.s32 $_tile_overlayer_lowered  }
0x9b: {  	s22 =	simm.s32 $0x1BFF;
	s21 =	sshll.u32 s6, $0x1;
	s3 =	sadd.s32 s4, s19  }
0x9c: {  	s7 =	simm.s32 $0x0;
	s20 =	sshll.u32 s5, $0x1;
	s5 =	sadd.s32 s21, s3  }
0x9d: {  	[timem:s7], [sflag:s22] =	dma.local [hbm:s5], s20  }
0x9e: {  	_ =	swait.ge [sflag:s22], s20  }
0x9f: {  	s4 =	ssub.s32 $0x0, s20;
	[sflag:s22] =	ssyncset.done $0x0  }
0xa0: {  	[sflag:s22] =	ssyncadd.s32 s4;
	_ =	sdelay $0x1  }
0xa1: {  	s23 =	simm.s32 $0x1B8B  }
0xa2: {  	_ =	swait.ge [sflag:s23], $0x1  }
0xa3: {  	[sflag:s23] =	ssyncset.done $0x0  }
0xa4: {  	s25 =	simm.s32 $0x1B8E;
	s24 =	sld [smem:$0x3FFE];
	[sflag:s23] =	ssyncadd.s32 $0xFFFFFFFF  }
0xa5: {  	s26 =	simm.s32 $execute0_lowered;
	[smem:$0x3FD2] =	sst s25  }
0xa6: {  	s5 =	sshll.u32 s26, $0x1;
	_ =	strace $0x80000046;
	[dreg:$0x1] =	wrdreg $0xFFFFFFFF  }
0xa7: {  	s28 =	simm.s32 $_size_execute0_lowered;
	s3 =	sadd.s32 s3, s5;
	[dreg:$0x0] =	wrdreg $0x0  }
0xa8: {  	s5 =	sshll.u32 s28, $0x1;
	[dreg:$0x2] =	wrdreg s3  }
0xa9: {  	[dreg:$0x3] =	wrdreg s5  }
0xaa: {  	[dreg:$0x4] =	wrdreg $0xC0  }
0xab: {  	_ =	task [dreg:s7], $0x5FFFF  }
0xac: {  	[dreg:$0x1] =	wrdreg $0xFFFFFFFF  }
0xad: {  	[dreg:$0x0] =	wrdreg $0x60  }
0xae: {  	[dreg:$0x2] =	wrdreg s24  }
0xaf: {  	[dreg:$0x3] =	wrdreg s2  }
0xb0: {  	[dreg:$0x4] =	wrdreg $0x9  }
0xb1: {  	_ =	task.clear_ibuf [dreg:s7], $0x5FFFF;
	_ =	strace $0x90000046  }
0xb2: {  	s29 =	simm.s32 $0x9;
	_ =	strace $0x80000048  }
0xb3: {  	_ =	swait.ge [sflag:s29], $0x1  }
0xb4: {  	[sflag:s29] =	ssyncadd.s32 $0xFFFFFFFF  }
0xb5: {  	_ =	strace $0x90000048  }
0xb6: {  	_ =	sfence  }
0xb7: {  	s30 =	sld [smem:$0x0];
	_ =	sdelay $0x2  }
0xb8: {  	s31 =	sshll.u32 s1, $0xD;
	s1 =	sshrl.u32 s1, $0x2  }
0xb9: {  	s3 =	sand.u32 $0x4000, s31;
	s1 =	sadd.s32 s1, s30  }
0xba: {  	s0 =	sor.u32 s3, s0;
	s1 =	sshll.u32 s1, $0x11  }
0xbb: {  	s0 =	sor.u32 s1, s0  }
0xbc: {  	s0 =	sadd.s32 $0x8F2B, s0  }
0xbd: {  	[sflag:s0] =	ssyncadd.remote.s32 $0x1  }
0xbe: {  	_ =	sfence.sel $0xFFFF  }
0xbf: {  	[dreg:$0x0] =	wrdreg $0xFFFFFFFF;
	(pc) =	sbr.abs _section_cstart, $3  }
0xc0: {  	[dreg:$0x1] =	wrdreg $0xFFFFFFFF  }
0xc1: {  	_ =	task.clear_ibuf [dreg:s7], $0x2FFFF;
	_ =	strace $0x9FFFFFFF  }
0xc2: {  	(tm) =	ssettm $0x7FFFFFFF  }
0xc3: {  	_ =	shalt  }
tec
execute0_lowered:
.L_overlay_start_1:
0x0: {  	(tag) =	ssettag $0x1  }
0x1: {  	s0 =	srdreg.scid  }
0x2: {  	s2 =	stileid.u32;
	s1 =	rddreg [dreg:$0x0]  }
0x3: {  	s5 =	rddreg [dreg:$0x1];
	s8 =	simm.s32 $0x28;
	s9 =	simm.s32 $0x208  }
0x4: {  	s10 =	simm.s32 $0xE600;
	s11 =	simm.s32 $0x230;
	s12 =	simm.s32 $0xF000  }
0x5: {  	s13 =	simm.s32 $0xFA00;
	s14 =	simm.s32 $0x10400;
	s15 =	simm.s32 $0x10E00  }
0x6: {  	s16 =	simm.s32 $0x11800;
	s17 =	simm.s32 $0x12200;
	s18 =	simm.s32 $0x1  }
0x7: {  	s19 =	simm.s32 $0x2;
	s20 =	simm.s32 $0x3;
	s21 =	simm.s32 $0x4  }
0x8: {  	s22 =	simm.s32 $0x12C00;
	s0 =	sand.u32 $0x1, s0;
	s2 =	sshll.u32 s2, $0x1  }
0x9: {  	s23 =	simm.s32 $0x0;
	s4 =	sor.u32 s0, s2;
	s2 =	simm.s32 $0x0  }
0xa: {  	s0 =	ssub.s32 $0x2, s0;
	s3 =	smul.u32 $0xC80, s4;
	[smem:$0x7FF] =	sst s2  }
0xb: {  	s31 =	sshrl.u32 s0, $0x1;
	s7 =	sshll.u32 s4, $0xA;
	_ =	strace $0x80000047  }
0xc: {  	s0 =	ssub.s32 s0, s31;
	s5 =	sadd.s32 s5, s7;
	s7 =	simm.s32 $0x5  }
0xd: {  	s6 =	sadd.s32 s3, s1;
	s3 =	sadd.s32 $0xF43200, s1;
	s1 =	simm.s32 $0x1E0  }
0xe: {  	s4 =	sadd.s32 $0xE00, s6;
	s6 =	smax.u32 s0, $0x1;
	s0 =	simm.s32 $0xDC00  }
.LBB2_1:
0xf: {  	[tilespmem:s2], [sflag:$0x5] =	stream.linear.gather [hbm4b:s4+s2], $0x6400, $0x38;
	[tilespmem:$0x14C00] =	vst v63  }
0x10: {  	_ =	swait.ge [sflag:s7], $0x6400  }
0x11: {  	[sflag:s7] =	ssyncset.done $0x0  }
0x12: {  	s24 =	simm.s32 $0x6400;
	[sflag:s7] =	ssyncadd.s32 $0xFFFF9C00  }
0x13: {  	[tilespmem:s24], [sflag:$0x1] =	stream.indirect.gather [hbm4b:s3+s8], $0x40, s2, s8, $0xb8;
	[tilespmem:$0x14C00] =	vst v63  }
0x14: {  	s30 =	simm.s32 $0x6E00  }
0x15: {  	[tilespmem:s30], [sflag:$0x1] =	stream.indirect.gather [hbm4b:s3+s8], $0x40, s8, s8, $0xb8;
	[tilespmem:$0x14C00] =	vst v63  }
0x16: {  	s31 =	simm.s32 $0x50;
	s25 =	simm.s32 $0x7800  }
0x17: {  	[tilespmem:s25], [sflag:$0x1] =	stream.indirect.gather [hbm4b:s3+s8], $0x40, s31, s8, $0xb8;
	[tilespmem:$0x14C00] =	vst v63  }
0x18: {  	s26 =	simm.s32 $0x8200;
	s25 =	simm.s32 $0x78  }
0x19: {  	[tilespmem:s26], [sflag:$0x1] =	stream.indirect.gather [hbm4b:s3+s8], $0x40, s25, s8, $0xb8;
	[tilespmem:$0x14C00] =	vst v63  }
0x1a: {  	s28 =	simm.s32 $0xA0;
	s29 =	simm.s32 $0x8C00  }
0x1b: {  	[tilespmem:s29], [sflag:$0x1] =	stream.indirect.gather [hbm4b:s3+s8], $0x40, s28, s8, $0xb8;
	[tilespmem:$0x14C00] =	vst v63  }
0x1c: {  	s30 =	simm.s32 $0xC8;
	s31 =	simm.s32 $0x9600  }
0x1d: {  	[tilespmem:s31], [sflag:$0x2] =	stream.indirect.gather [hbm4b:s3+s8], $0x40, s30, s8, $0xb8;
	[tilespmem:$0x14C00] =	vst v63  }
0x1e: {  	s25 =	simm.s32 $0xF0;
	s26 =	simm.s32 $0xA000  }
0x1f: {  	[tilespmem:s26], [sflag:$0x2] =	stream.indirect.gather [hbm4b:s3+s8], $0x40, s25, s8, $0xb8;
	[tilespmem:$0x14C00] =	vst v63  }
0x20: {  	s28 =	simm.s32 $0x118;
	s29 =	simm.s32 $0xAA00  }
0x21: {  	[tilespmem:s29], [sflag:$0x2] =	stream.indirect.gather [hbm4b:s3+s8], $0x40, s28, s8, $0xb8;
	[tilespmem:$0x14C00] =	vst v63  }
0x22: {  	s30 =	simm.s32 $0x140;
	s31 =	simm.s32 $0xB400  }
0x23: {  	[tilespmem:s31], [sflag:$0x2] =	stream.indirect.gather [hbm4b:s3+s8], $0x40, s30, s8, $0xb8;
	[tilespmem:$0x14C00] =	vst v63  }
0x24: {  	s25 =	simm.s32 $0x168;
	s26 =	simm.s32 $0xBE00  }
0x25: {  	[tilespmem:s26], [sflag:$0x2] =	stream.indirect.gather [hbm4b:s3+s8], $0x40, s25, s8, $0xb8;
	[tilespmem:$0x14C00] =	vst v63  }
0x26: {  	s28 =	simm.s32 $0x190;
	s29 =	simm.s32 $0xC800  }
0x27: {  	[tilespmem:s29], [sflag:$0x3] =	stream.indirect.gather [hbm4b:s3+s8], $0x40, s28, s8, $0xb8;
	[tilespmem:$0x14C00] =	vst v63  }
0x28: {  	s30 =	simm.s32 $0x1B8;
	s31 =	simm.s32 $0xD200  }
0x29: {  	[tilespmem:s31], [sflag:$0x3] =	stream.indirect.gather [hbm4b:s3+s8], $0x40, s30, s8, $0xb8;
	[tilespmem:$0x14C00] =	vst v63  }
0x2a: {  	_ = 	snop  }
0x2b: {  	[tilespmem:s0], [sflag:$0x3] =	stream.indirect.gather [hbm4b:s3+s8], $0x40, s1, s8, $0xb8;
	[tilespmem:$0x14C00] =	vst v63  }
0x2c: {  	_ = 	snop  }
0x2d: {  	[tilespmem:s10], [sflag:$0x3] =	stream.indirect.gather [hbm4b:s3+s8], $0x40, s9, s8, $0xb8;
	[tilespmem:$0x14C00] =	vst v63  }
0x2e: {  	s24 =	simm.s32 $0x0  }
0x2f: {  	[tilespmem:s12], [sflag:$0x3] =	stream.indirect.gather [hbm4b:s3+s8], $0x40, s11, s8, $0xb8;
	[tilespmem:$0x14C00] =	vst v63  }
.LBB2_2:
0x30: {  	s25 =	sshllo.u32 s24, $0x2  }
0x31: {  	s26 =	smul.u32 $0x320, s25;
	_ =	sdelay $0x1  }
0x32: {  	s26 =	sshra.s32 s26, $0x2  }
0x33: {  	[tilespmem:s13], [sflag:$0x4] =	stream.indirect.gather [hbm4b:s3+s8], $0x40, s26, s8, $0xb8;
	[tilespmem:$0x14C00] =	vst v63  }
0x34: {  	s28 =	sadd.s32 $0x28, s26  }
0x35: {  	[tilespmem:s14], [sflag:$0x4] =	stream.indirect.gather [hbm4b:s3+s8], $0x40, s28, s8, $0xb8;
	[tilespmem:$0x14C00] =	vst v63  }
0x36: {  	s28 =	sadd.s32 $0x50, s26  }
0x37: {  	[tilespmem:s15], [sflag:$0x4] =	stream.indirect.gather [hbm4b:s3+s8], $0x40, s28, s8, $0xb8;
	[tilespmem:$0x14C00] =	vst v63  }
0x38: {  	s28 =	sadd.s32 $0x78, s26  }
0x39: {  	[tilespmem:s16], [sflag:$0x4] =	stream.indirect.gather [hbm4b:s3+s8], $0x40, s28, s8, $0xb8;
	[tilespmem:$0x14C00] =	vst v63  }
0x3a: {  	s26 =	sadd.s32 $0xA0, s26  }
0x3b: {  	[tilespmem:s17], [sflag:$0x4] =	stream.indirect.gather [hbm4b:s3+s8], $0x40, s26, s8, $0xb8;
	[tilespmem:$0x14C00] =	vst v63  }
0x3c: {  	_ =	swait.ge [sflag:s18], $0x3200  }
0x3d: {  	[sflag:s18] =	ssyncset.done $0x0  }
0x3e: {  	s26 =	simm.s32 $0x0;
	[sflag:s18] =	ssyncadd.s32 $0xFFFFCE00  }
0x3f: {  	v0 =	vld [tilespmem:s26+$0x68C0]  }
0x40: {  	v1 =	vld [tilespmem:s26+$0x68D0]  }
0x41: {  	v2 =	vld [tilespmem:s26+$0x6880]  }
0x42: {  	v3 =	vld [tilespmem:s26+$0x6890]  }
0x43: {  	v4 =	vld [tilespmem:s26+$0x6840]  }
0x44: {  	v5 =	vld [tilespmem:s26+$0x6850]  }
0x45: {  	v6 =	vld [tilespmem:s26+$0x6800]  }
0x46: {  	v7 =	vld [tilespmem:s26+$0x6810]  }
0x47: {  	v9 =	vld [tilespmem:s26+$0x67C0]  }
0x48: {  	v8 =	vld [tilespmem:s26+$0x67D0]  }
0x49: {  	v11 =	vld [tilespmem:s26+$0x6780]  }
0x4a: {  	v10 =	vld [tilespmem:s26+$0x6790]  }
0x4b: {  	v13 =	vld [tilespmem:s26+$0x6740]  }
0x4c: {  	v12 =	vld [tilespmem:s26+$0x6750]  }
0x4d: {  	v15 =	vld [tilespmem:s26+$0x6700]  }
0x4e: {  	v14 =	vld [tilespmem:s26+$0x6710]  }
0x4f: {  	v17 =	vld [tilespmem:s26+$0x66C0]  }
0x50: {  	v16 =	vld [tilespmem:s26+$0x66D0]  }
0x51: {  	v19 =	vld [tilespmem:s26+$0x6680]  }
0x52: {  	v18 =	vld [tilespmem:s26+$0x6690]  }
0x53: {  	v21 =	vld [tilespmem:s26+$0x6640]  }
0x54: {  	v20 =	vld [tilespmem:s26+$0x6650]  }
0x55: {  	v23 =	vld [tilespmem:s26+$0x6600]  }
0x56: {  	v22 =	vld [tilespmem:s26+$0x6610]  }
0x57: {  	v25 =	vld [tilespmem:s26+$0x65C0]  }
0x58: {  	v24 =	vld [tilespmem:s26+$0x65D0]  }
0x59: {  	v27 =	vld [tilespmem:s26+$0x6580]  }
0x5a: {  	v26 =	vld [tilespmem:s26+$0x6590]  }
0x5b: {  	v29 =	vld [tilespmem:s26+$0x6540]  }
0x5c: {  	v28 =	vld [tilespmem:s26+$0x6550]  }
0x5d: {  	v31 =	vld [tilespmem:s26+$0x6500]  }
0x5e: {  	v30 =	vld [tilespmem:s26+$0x6510]  }
0x5f: {  	v37 =	vld [tilespmem:s26+$0x64C0]  }
0x60: {  	v36 =	vld [tilespmem:s26+$0x64D0]  }
0x61: {  	v39 =	vld [tilespmem:s26+$0x6480]  }
0x62: {  	v38 =	vld [tilespmem:s26+$0x6490]  }
0x63: {  	v41 =	vld [tilespmem:s26+$0x6440]  }
0x64: {  	v40 =	vld [tilespmem:s26+$0x6450]  }
0x65: {  	v43 =	vld [tilespmem:s26+$0x6400]  }
0x66: {  	v32 =	vimm.f32 $0.0e+00;
	v44 =	vld [tilespmem:s26+$0x6410]  }
0x67: {  	v35 =	vimm.f32 $0.0e+00;
	v34 =	vimm.f32 $0.0e+00;
	v33 =	vimm.f32 $0.0e+00;
	s28 =	simm.s32 $0x1400;
	v42 =	vld [tilespmem:s26+$0x6420]  }
.LBB2_3:
0x68: {  	p0 =	sne.s32 s28, $0xB400;
	v45 =	vld [tilespmem:s26+$0x6430]  }
0x69: {  	v46 =	vld [tilespmem:s26+$0x6460]  }
0x6a: {  	v47 =	vld [tilespmem:s26+$0x6470]  }
0x6b: {  	v48 =	vld [tilespmem:s26+$0x64A0]  }
0x6c: {  	v32 =	vadd.f32 v43, v32;
	v35 =	vadd.f32 v44, v35;
	v43 =	vld [tilespmem:s26+$0x64B0]  }
0x6d: {  	v34 =	vadd.f32 v42, v34;
	v33 =	vadd.f32 v45, v33;
	v42 =	vld [tilespmem:s26+$0x64E0]  }
0x6e: {  	v32 =	vadd.f32 v41, v32;
	v35 =	vadd.f32 v40, v35;
	v40 =	vld [tilespmem:s26+$0x64F0]  }
0x6f: {  	v34 =	vadd.f32 v46, v34;
	v33 =	vadd.f32 v47, v33;
	v41 =	vld [tilespmem:s26+$0x6520]  }
0x70: {  	v32 =	vadd.f32 v39, v32;
	v35 =	vadd.f32 v38, v35;
	v38 =	vld [tilespmem:s26+$0x6530]  }
0x71: {  	v34 =	vadd.f32 v48, v34;
	v33 =	vadd.f32 v43, v33;
	v39 =	vld [tilespmem:s26+$0x6560]  }
0x72: {  	v32 =	vadd.f32 v37, v32;
	v35 =	vadd.f32 v36, v35;
	v36 =	vld [tilespmem:s26+$0x6570]  }
0x73: {  	v34 =	vadd.f32 v42, v34;
	v33 =	vadd.f32 v40, v33;
	v37 =	vld [tilespmem:s26+$0x65A0]  }
0x74: {  	v31 =	vadd.f32 v31, v32;
	v30 =	vadd.f32 v30, v35;
	v32 =	vld [tilespmem:s26+$0x65B0]  }
0x75: {  	v34 =	vadd.f32 v41, v34;
	v33 =	vadd.f32 v38, v33;
	v35 =	vld [tilespmem:s26+$0x65E0]  }
0x76: {  	v29 =	vadd.f32 v29, v31;
	v28 =	vadd.f32 v28, v30;
	v30 =	vld [tilespmem:s26+$0x65F0]  }
0x77: {  	v31 =	vadd.f32 v39, v34;
	v33 =	vadd.f32 v36, v33;
	v34 =	vld [tilespmem:s26+$0x6620]  }
0x78: {  	v27 =	vadd.f32 v27, v29;
	v26 =	vadd.f32 v26, v28;
	v28 =	vld [tilespmem:s26+$0x6630]  }
0x79: {  	v29 =	vadd.f32 v37, v31;
	v31 =	vadd.f32 v32, v33;
	v32 =	vld [tilespmem:s26+$0x6660]  }
0x7a: {  	v25 =	vadd.f32 v25, v27;
	v24 =	vadd.f32 v24, v26;
	v26 =	vld [tilespmem:s26+$0x6670]  }
0x7b: {  	v27 =	vadd.f32 v35, v29;
	v29 =	vadd.f32 v30, v31;
	v30 =	vld [tilespmem:s26+$0x66A0]  }
0x7c: {  	v23 =	vadd.f32 v23, v25;
	v22 =	vadd.f32 v22, v24;
	v24 =	vld [tilespmem:s26+$0x66B0]  }
0x7d: {  	v25 =	vadd.f32 v34, v27;
	v27 =	vadd.f32 v28, v29;
	v28 =	vld [tilespmem:s26+$0x66E0]  }
0x7e: {  	v21 =	vadd.f32 v21, v23;
	v20 =	vadd.f32 v20, v22;
	v22 =	vld [tilespmem:s26+$0x66F0]  }
0x7f: {  	v23 =	vadd.f32 v32, v25;
	v25 =	vadd.f32 v26, v27;
	v26 =	vld [tilespmem:s26+$0x6720]  }
0x80: {  	v19 =	vadd.f32 v19, v21;
	v18 =	vadd.f32 v18, v20;
	v20 =	vld [tilespmem:s26+$0x6730]  }
0x81: {  	v21 =	vadd.f32 v30, v23;
	v23 =	vadd.f32 v24, v25;
	v24 =	vld [tilespmem:s26+$0x6760]  }
0x82: {  	v17 =	vadd.f32 v17, v19;
	v16 =	vadd.f32 v16, v18;
	v18 =	vld [tilespmem:s26+$0x6770]  }
0x83: {  	v19 =	vadd.f32 v28, v21;
	v21 =	vadd.f32 v22, v23;
	v22 =	vld [tilespmem:s26+$0x67A0]  }
0x84: {  	v15 =	vadd.f32 v15, v17;
	v14 =	vadd.f32 v14, v16;
	v16 =	vld [tilespmem:s26+$0x67B0]  }
0x85: {  	v17 =	vadd.f32 v26, v19;
	v19 =	vadd.f32 v20, v21;
	v20 =	vld [tilespmem:s26+$0x67E0]  }
0x86: {  	v13 =	vadd.f32 v13, v15;
	v12 =	vadd.f32 v12, v14;
	v14 =	vld [tilespmem:s26+$0x67F0]  }
0x87: {  	v15 =	vadd.f32 v24, v17;
	v17 =	vadd.f32 v18, v19;
	v18 =	vld [tilespmem:s26+$0x6820]  }
0x88: {  	v11 =	vadd.f32 v11, v13;
	v10 =	vadd.f32 v10, v12;
	v12 =	vld [tilespmem:s26+$0x6830]  }
0x89: {  	v13 =	vadd.f32 v22, v15;
	v15 =	vadd.f32 v16, v17;
	v16 =	vld [tilespmem:s26+$0x6860]  }
0x8a: {  	v9 =	vadd.f32 v9, v11;
	v8 =	vadd.f32 v8, v10;
	v10 =	vld [tilespmem:s26+$0x6870]  }
0x8b: {  	v11 =	vadd.f32 v20, v13;
	v13 =	vadd.f32 v14, v15;
	v14 =	vld [tilespmem:s26+$0x68A0]  }
0x8c: {  	v6 =	vadd.f32 v6, v9;
	v7 =	vadd.f32 v7, v8;
	v8 =	vld [tilespmem:s26+$0x68B0]  }
0x8d: {  	v9 =	vadd.f32 v18, v11;
	v11 =	vadd.f32 v12, v13;
	v12 =	vld [tilespmem:s26+$0x68E0]  }
0x8e: {  	v4 =	vadd.f32 v4, v6;
	v5 =	vadd.f32 v5, v7;
	v6 =	vld [tilespmem:s26+$0x68F0];
	s26 =	sshra.s32 s28, $0x2  }
0x8f: {  	v9 =	vadd.f32 v16, v9;
	v7 =	vld [tilespmem:s26+$0x68C0];
	v10 =	vadd.f32 v10, v11  }
0x90: {  	v4 =	vadd.f32 v2, v4;
	v5 =	vadd.f32 v3, v5;
	v11 =	vld [tilespmem:s26+$0x68D0]  }
0x91: {  	v9 =	vadd.f32 v14, v9;
	v2 =	vld [tilespmem:s26+$0x6880];
	v8 =	vadd.f32 v8, v10  }
0x92: {  	v32 =	vadd.f32 v0, v4;
	v35 =	vadd.f32 v1, v5;
	v3 =	vld [tilespmem:s26+$0x6890]  }
0x93: {  	v34 =	vadd.f32 v12, v9;
	v4 =	vld [tilespmem:s26+$0x6840];
	v33 =	vadd.f32 v6, v8  }
0x94: {  	v5 =	vld [tilespmem:s26+$0x6850];
	v0 =	vmov v7  }
0x95: {  	v6 =	vld [tilespmem:s26+$0x6800];
	v1 =	vmov v11  }
0x96: {  	v7 =	vld [tilespmem:s26+$0x6810]  }
0x97: {  	v9 =	vld [tilespmem:s26+$0x67C0]  }
0x98: {  	v8 =	vld [tilespmem:s26+$0x67D0]  }
0x99: {  	v11 =	vld [tilespmem:s26+$0x6780]  }
0x9a: {  	v10 =	vld [tilespmem:s26+$0x6790]  }
0x9b: {  	v13 =	vld [tilespmem:s26+$0x6740]  }
0x9c: {  	v12 =	vld [tilespmem:s26+$0x6750]  }
0x9d: {  	v15 =	vld [tilespmem:s26+$0x6700]  }
0x9e: {  	v14 =	vld [tilespmem:s26+$0x6710]  }
0x9f: {  	v17 =	vld [tilespmem:s26+$0x66C0]  }
0xa0: {  	v16 =	vld [tilespmem:s26+$0x66D0]  }
0xa1: {  	v19 =	vld [tilespmem:s26+$0x6680]  }
0xa2: {  	v18 =	vld [tilespmem:s26+$0x6690]  }
0xa3: {  	v21 =	vld [tilespmem:s26+$0x6640]  }
0xa4: {  	v20 =	vld [tilespmem:s26+$0x6650]  }
0xa5: {  	v23 =	vld [tilespmem:s26+$0x6600]  }
0xa6: {  	v22 =	vld [tilespmem:s26+$0x6610]  }
0xa7: {  	v25 =	vld [tilespmem:s26+$0x65C0]  }
0xa8: {  	v24 =	vld [tilespmem:s26+$0x65D0]  }
0xa9: {  	v27 =	vld [tilespmem:s26+$0x6580]  }
0xaa: {  	v26 =	vld [tilespmem:s26+$0x6590]  }
0xab: {  	v29 =	vld [tilespmem:s26+$0x6540]  }
0xac: {  	v28 =	vld [tilespmem:s26+$0x6550]  }
0xad: {  	v31 =	vld [tilespmem:s26+$0x6500]  }
0xae: {  	v30 =	vld [tilespmem:s26+$0x6510]  }
0xaf: {  	v37 =	vld [tilespmem:s26+$0x64C0]  }
0xb0: {  	v36 =	vld [tilespmem:s26+$0x64D0]  }
0xb1: {  	v39 =	vld [tilespmem:s26+$0x6480]  }
0xb2: {  	v38 =	vld [tilespmem:s26+$0x6490]  }
.Ltmp0:
0xb3: {  	v41 =	vld [tilespmem:s26+$0x6440];
	(pc) =	sbr.rel @p0 .LBB2_3-.Ltmp0, $4  }
0xb4: {  	v40 =	vld [tilespmem:s26+$0x6450]  }
0xb5: {  	v43 =	vld [tilespmem:s26+$0x6400]  }
0xb6: {  	v44 =	vld [tilespmem:s26+$0x6410]  }
0xb7: {  	s28 =	sadd.s32 $0x1400, s28;
	v42 =	vld [tilespmem:s26+$0x6420]  }
0xb8: {  	v45 =	vld [tilespmem:s26+$0x6430]  }
0xb9: {  	v46 =	vld [tilespmem:s26+$0x6460]  }
0xba: {  	v47 =	vld [tilespmem:s26+$0x6470];
	v32 =	vadd.f32 v43, v32  }
0xbb: {  	v52 =	vld [tilespmem:s26+$0x64A0];
	v35 =	vadd.f32 v44, v35  }
0xbc: {  	v53 =	vld [tilespmem:s26+$0x64B0];
	v34 =	vadd.f32 v42, v34;
	v32 =	vadd.f32 v41, v32  }
0xbd: {  	v54 =	vld [tilespmem:s26+$0x64E0];
	v33 =	vadd.f32 v45, v33;
	v35 =	vadd.f32 v40, v35  }
0xbe: {  	v55 =	vld [tilespmem:s26+$0x64F0];
	v34 =	vadd.f32 v46, v34;
	v32 =	vadd.f32 v39, v32  }
0xbf: {  	v56 =	vld [tilespmem:s26+$0x6520];
	v33 =	vadd.f32 v47, v33;
	v35 =	vadd.f32 v38, v35  }
0xc0: {  	v57 =	vld [tilespmem:s26+$0x6530];
	v34 =	vadd.f32 v52, v34;
	v32 =	vadd.f32 v37, v32  }
0xc1: {  	v58 =	vld [tilespmem:s26+$0x6560];
	v33 =	vadd.f32 v53, v33;
	v35 =	vadd.f32 v36, v35  }
0xc2: {  	v59 =	vld [tilespmem:s26+$0x6570];
	v34 =	vadd.f32 v54, v34;
	v31 =	vadd.f32 v31, v32  }
0xc3: {  	v61 =	vld [tilespmem:s26+$0x65A0];
	v60 =	vadd.f32 v55, v33;
	v30 =	vadd.f32 v30, v35  }
0xc4: {  	v62 =	vld [tilespmem:s26+$0x65B0];
	v34 =	vadd.f32 v56, v34;
	v29 =	vadd.f32 v29, v31  }
0xc5: {  	v63 =	vld [tilespmem:s26+$0x65E0];
	v31 =	vadd.f32 v57, v60;
	v28 =	vadd.f32 v28, v30  }
0xc6: {  	v30 =	vld [tilespmem:s26+$0x65F0];
	v34 =	vadd.f32 v58, v34;
	v27 =	vadd.f32 v27, v29  }
0xc7: {  	v29 =	vadd.f32 v59, v31;
	v31 =	vld [tilespmem:s26+$0x6620];
	v26 =	vadd.f32 v26, v28  }
0xc8: {  	v28 =	vld [tilespmem:s26+$0x6630];
	v33 =	vadd.f32 v61, v34;
	v25 =	vadd.f32 v25, v27  }
0xc9: {  	v27 =	vadd.f32 v62, v29;
	v29 =	vld [tilespmem:s26+$0x6660];
	v24 =	vadd.f32 v24, v26  }
0xca: {  	v26 =	vld [tilespmem:s26+$0x6670];
	v32 =	vadd.f32 v63, v33;
	v23 =	vadd.f32 v23, v25  }
0xcb: {  	v25 =	vadd.f32 v30, v27;
	v27 =	vld [tilespmem:s26+$0x66A0];
	v22 =	vadd.f32 v22, v24  }
0xcc: {  	v24 =	vld [tilespmem:s26+$0x66B0];
	v30 =	vadd.f32 v31, v32;
	v21 =	vadd.f32 v21, v23  }
0xcd: {  	v23 =	vadd.f32 v28, v25;
	v25 =	vld [tilespmem:s26+$0x66E0];
	v20 =	vadd.f32 v20, v22  }
0xce: {  	v22 =	vld [tilespmem:s26+$0x66F0];
	v28 =	vadd.f32 v29, v30;
	v19 =	vadd.f32 v19, v21  }
0xcf: {  	v21 =	vadd.f32 v26, v23;
	v23 =	vld [tilespmem:s26+$0x6720];
	v18 =	vadd.f32 v18, v20  }
0xd0: {  	v20 =	vld [tilespmem:s26+$0x6730];
	v26 =	vadd.f32 v27, v28;
	v17 =	vadd.f32 v17, v19  }
0xd1: {  	v19 =	vadd.f32 v24, v21;
	v21 =	vld [tilespmem:s26+$0x6760];
	v16 =	vadd.f32 v16, v18  }
0xd2: {  	v18 =	vld [tilespmem:s26+$0x6770];
	v24 =	vadd.f32 v25, v26;
	v15 =	vadd.f32 v15, v17  }
0xd3: {  	v17 =	vadd.f32 v22, v19;
	v19 =	vld [tilespmem:s26+$0x67A0];
	v14 =	vadd.f32 v14, v16  }
0xd4: {  	v16 =	vld [tilespmem:s26+$0x67B0];
	v22 =	vadd.f32 v23, v24;
	v13 =	vadd.f32 v13, v15  }
0xd5: {  	v15 =	vadd.f32 v20, v17;
	v17 =	vld [tilespmem:s26+$0x67E0];
	v12 =	vadd.f32 v12, v14  }
0xd6: {  	v14 =	vld [tilespmem:s26+$0x67F0];
	v20 =	vadd.f32 v21, v22;
	v11 =	vadd.f32 v11, v13  }
0xd7: {  	v13 =	vadd.f32 v18, v15;
	v15 =	vld [tilespmem:s26+$0x6820];
	v10 =	vadd.f32 v10, v12  }
0xd8: {  	v12 =	vld [tilespmem:s26+$0x6830];
	v18 =	vadd.f32 v19, v20;
	v9 =	vadd.f32 v9, v11  }
0xd9: {  	v11 =	vadd.f32 v16, v13;
	v13 =	vld [tilespmem:s26+$0x6860];
	v8 =	vadd.f32 v8, v10  }
0xda: {  	v10 =	vld [tilespmem:s26+$0x6870];
	v16 =	vadd.f32 v17, v18;
	v6 =	vadd.f32 v6, v9  }
0xdb: {  	v9 =	vadd.f32 v14, v11;
	v11 =	vld [tilespmem:s26+$0x68A0];
	v7 =	vadd.f32 v7, v8  }
0xdc: {  	v8 =	vld [tilespmem:s26+$0x68B0];
	v14 =	vadd.f32 v15, v16;
	v4 =	vadd.f32 v4, v6  }
0xdd: {  	v6 =	vadd.f32 v12, v9;
	v9 =	vld [tilespmem:s26+$0x68E0];
	v5 =	vadd.f32 v5, v7  }
0xde: {  	v7 =	vld [tilespmem:s26+$0x68F0];
	v12 =	vadd.f32 v13, v14;
	v2 =	vadd.f32 v2, v4  }
0xdf: {  	v4 =	vadd.f32 v10, v6;
	v3 =	vadd.f32 v3, v5  }
0xe0: {  	v5 =	vadd.f32 v11, v12;
	v0 =	vadd.f32 v0, v2  }
0xe1: {  	v2 =	vadd.f32 v8, v4;
	v1 =	vadd.f32 v1, v3  }
0xe2: {  	s31 =	sshll.u32 s24, $0x8;
	v3 =	vadd.f32 v9, v5;
	v0 =	vmul.f32 $4.999999890e-03, v0  }
0xe3: {  	p0 =	seq.s32 s24, $0x1F;
	s28 =	sand.u32 $0x3FFFFF00, s31;
	v2 =	vadd.f32 v7, v2;
	v1 =	vmul.f32 $4.999999890e-03, v1  }
0xe4: {  	s26 =	smul.u32 @!p0 $0xC80, s24;
	[tilespmem:s28+$0x12C00] =	vst v0;
	v0 =	vmul.f32 $4.999999890e-03, v3  }
0xe5: {  	[tilespmem:s28+$0x12C10] =	vst v1;
	v1 =	vmul.f32 $4.999999890e-03, v2  }
0xe6: {  	s26 =	sshra.s32 @!p0 s26, $0x2;
	[tilespmem:s28+$0x12C20] =	vst v0  }
0xe7: {  	s30 =	simm.s32 @!p0 $0x28;
	s31 =	simm.s32 @!p0 $0x6400;
	s29 =	sadd.s32 @!p0 $0x320, s26;
	[tilespmem:s28+$0x12C30] =	vst v1  }
0xe8: {  	[tilespmem:s31], [sflag:$0x1] =	stream.indirect.gather @!p0 [hbm4b:s3+s30], $0x40, s29, s30, $0xb8;
	[tilespmem:$0x14C00] =	vst v63  }
0xe9: {  	s29 =	sadd.s32 @!p0 $0x348, s26;
	s31 =	simm.s32 @!p0 $0x6E00  }
0xea: {  	[tilespmem:s31], [sflag:$0x1] =	stream.indirect.gather @!p0 [hbm4b:s3+s30], $0x40, s29, s30, $0xb8;
	[tilespmem:$0x14C00] =	vst v63  }
0xeb: {  	s29 =	sadd.s32 @!p0 $0x370, s26;
	s31 =	simm.s32 @!p0 $0x7800  }
0xec: {  	[tilespmem:s31], [sflag:$0x1] =	stream.indirect.gather @!p0 [hbm4b:s3+s30], $0x40, s29, s30, $0xb8;
	[tilespmem:$0x14C00] =	vst v63  }
0xed: {  	s29 =	sadd.s32 @!p0 $0x398, s26;
	s31 =	simm.s32 @!p0 $0x8200  }
0xee: {  	[tilespmem:s31], [sflag:$0x1] =	stream.indirect.gather @!p0 [hbm4b:s3+s30], $0x40, s29, s30, $0xb8;
	[tilespmem:$0x14C00] =	vst v63  }
0xef: {  	s29 =	sadd.s32 @!p0 $0x3C0, s26;
	s31 =	simm.s32 @!p0 $0x8C00  }
0xf0: {  	[tilespmem:s31], [sflag:$0x1] =	stream.indirect.gather @!p0 [hbm4b:s3+s30], $0x40, s29, s30, $0xb8;
	[tilespmem:$0x14C00] =	vst v63  }
0xf1: {  	_ =	swait.ge [sflag:s19], $0x3200  }
0xf2: {  	[sflag:s19] =	ssyncset.done $0x0  }
0xf3: {  	s29 =	simm.s32 $0x0;
	[sflag:s19] =	ssyncadd.s32 $0xFFFFCE00  }
0xf4: {  	v0 =	vld [tilespmem:s29+$0x9AC0]  }
0xf5: {  	v1 =	vld [tilespmem:s29+$0x9AD0]  }
0xf6: {  	v2 =	vld [tilespmem:s29+$0x9A80]  }
0xf7: {  	v3 =	vld [tilespmem:s29+$0x9A90]  }
0xf8: {  	v4 =	vld [tilespmem:s29+$0x9A40]  }
0xf9: {  	v5 =	vld [tilespmem:s29+$0x9A50]  }
0xfa: {  	v6 =	vld [tilespmem:s29+$0x9A00]  }
0xfb: {  	v7 =	vld [tilespmem:s29+$0x9A10]  }
0xfc: {  	v9 =	vld [tilespmem:s29+$0x99C0]  }
0xfd: {  	v8 =	vld [tilespmem:s29+$0x99D0]  }
0xfe: {  	v11 =	vld [tilespmem:s29+$0x9980]  }
0xff: {  	v10 =	vld [tilespmem:s29+$0x9990]  }
0x100: {  	v13 =	vld [tilespmem:s29+$0x9940]  }
0x101: {  	v12 =	vld [tilespmem:s29+$0x9950]  }
0x102: {  	v15 =	vld [tilespmem:s29+$0x9900]  }
0x103: {  	v14 =	vld [tilespmem:s29+$0x9910]  }
0x104: {  	v17 =	vld [tilespmem:s29+$0x98C0]  }
0x105: {  	v16 =	vld [tilespmem:s29+$0x98D0]  }
0x106: {  	v19 =	vld [tilespmem:s29+$0x9880]  }
0x107: {  	v18 =	vld [tilespmem:s29+$0x9890]  }
0x108: {  	v21 =	vld [tilespmem:s29+$0x9840]  }
0x109: {  	v20 =	vld [tilespmem:s29+$0x9850]  }
0x10a: {  	v23 =	vld [tilespmem:s29+$0x9800]  }
0x10b: {  	v22 =	vld [tilespmem:s29+$0x9810]  }
0x10c: {  	v25 =	vld [tilespmem:s29+$0x97C0]  }
0x10d: {  	v24 =	vld [tilespmem:s29+$0x97D0]  }
0x10e: {  	v27 =	vld [tilespmem:s29+$0x9780]  }
0x10f: {  	v26 =	vld [tilespmem:s29+$0x9790]  }
0x110: {  	v29 =	vld [tilespmem:s29+$0x9740]  }
0x111: {  	v28 =	vld [tilespmem:s29+$0x9750]  }
0x112: {  	v31 =	vld [tilespmem:s29+$0x9700]  }
0x113: {  	v30 =	vld [tilespmem:s29+$0x9710]  }
0x114: {  	v37 =	vld [tilespmem:s29+$0x96C0]  }
0x115: {  	v36 =	vld [tilespmem:s29+$0x96D0]  }
0x116: {  	v39 =	vld [tilespmem:s29+$0x9680]  }
0x117: {  	v38 =	vld [tilespmem:s29+$0x9690]  }
0x118: {  	v41 =	vld [tilespmem:s29+$0x9640]  }
0x119: {  	v40 =	vld [tilespmem:s29+$0x9650]  }
0x11a: {  	v43 =	vld [tilespmem:s29+$0x9600]  }
0x11b: {  	v35 =	vimm.f32 $0.0e+00;
	v44 =	vld [tilespmem:s29+$0x9610]  }
0x11c: {  	v34 =	vimm.f32 $0.0e+00;
	v33 =	vimm.f32 $0.0e+00;
	v32 =	vimm.f32 $0.0e+00;
	s30 =	simm.s32 $0x1400;
	v42 =	vld [tilespmem:s29+$0x9620]  }
.LBB2_5:
0x11d: {  	p1 =	sne.s32 s30, $0xB400;
	v45 =	vld [tilespmem:s29+$0x9630]  }
0x11e: {  	v46 =	vld [tilespmem:s29+$0x9660]  }
0x11f: {  	v47 =	vld [tilespmem:s29+$0x9670]  }
0x120: {  	v48 =	vld [tilespmem:s29+$0x96A0]  }
0x121: {  	v32 =	vadd.f32 v43, v32;
	v35 =	vadd.f32 v44, v35;
	v43 =	vld [tilespmem:s29+$0x96B0]  }
0x122: {  	v34 =	vadd.f32 v42, v34;
	v33 =	vadd.f32 v45, v33;
	v42 =	vld [tilespmem:s29+$0x96E0]  }
0x123: {  	v32 =	vadd.f32 v41, v32;
	v35 =	vadd.f32 v40, v35;
	v40 =	vld [tilespmem:s29+$0x96F0]  }
0x124: {  	v34 =	vadd.f32 v46, v34;
	v33 =	vadd.f32 v47, v33;
	v41 =	vld [tilespmem:s29+$0x9720]  }
0x125: {  	v32 =	vadd.f32 v39, v32;
	v35 =	vadd.f32 v38, v35;
	v38 =	vld [tilespmem:s29+$0x9730]  }
0x126: {  	v34 =	vadd.f32 v48, v34;
	v33 =	vadd.f32 v43, v33;
	v39 =	vld [tilespmem:s29+$0x9760]  }
0x127: {  	v32 =	vadd.f32 v37, v32;
	v35 =	vadd.f32 v36, v35;
	v36 =	vld [tilespmem:s29+$0x9770]  }
0x128: {  	v34 =	vadd.f32 v42, v34;
	v33 =	vadd.f32 v40, v33;
	v37 =	vld [tilespmem:s29+$0x97A0]  }
0x129: {  	v31 =	vadd.f32 v31, v32;
	v30 =	vadd.f32 v30, v35;
	v32 =	vld [tilespmem:s29+$0x97B0]  }
0x12a: {  	v34 =	vadd.f32 v41, v34;
	v33 =	vadd.f32 v38, v33;
	v35 =	vld [tilespmem:s29+$0x97E0]  }
0x12b: {  	v29 =	vadd.f32 v29, v31;
	v28 =	vadd.f32 v28, v30;
	v30 =	vld [tilespmem:s29+$0x97F0]  }
0x12c: {  	v31 =	vadd.f32 v39, v34;
	v33 =	vadd.f32 v36, v33;
	v34 =	vld [tilespmem:s29+$0x9820]  }
0x12d: {  	v27 =	vadd.f32 v27, v29;
	v26 =	vadd.f32 v26, v28;
	v28 =	vld [tilespmem:s29+$0x9830]  }
0x12e: {  	v29 =	vadd.f32 v37, v31;
	v31 =	vadd.f32 v32, v33;
	v32 =	vld [tilespmem:s29+$0x9860]  }
0x12f: {  	v25 =	vadd.f32 v25, v27;
	v24 =	vadd.f32 v24, v26;
	v26 =	vld [tilespmem:s29+$0x9870]  }
0x130: {  	v27 =	vadd.f32 v35, v29;
	v29 =	vadd.f32 v30, v31;
	v30 =	vld [tilespmem:s29+$0x98A0]  }
0x131: {  	v23 =	vadd.f32 v23, v25;
	v22 =	vadd.f32 v22, v24;
	v24 =	vld [tilespmem:s29+$0x98B0]  }
0x132: {  	v25 =	vadd.f32 v34, v27;
	v27 =	vadd.f32 v28, v29;
	v28 =	vld [tilespmem:s29+$0x98E0]  }
0x133: {  	v21 =	vadd.f32 v21, v23;
	v20 =	vadd.f32 v20, v22;
	v22 =	vld [tilespmem:s29+$0x98F0]  }
0x134: {  	v23 =	vadd.f32 v32, v25;
	v25 =	vadd.f32 v26, v27;
	v26 =	vld [tilespmem:s29+$0x9920]  }
0x135: {  	v19 =	vadd.f32 v19, v21;
	v18 =	vadd.f32 v18, v20;
	v20 =	vld [tilespmem:s29+$0x9930]  }
0x136: {  	v21 =	vadd.f32 v30, v23;
	v23 =	vadd.f32 v24, v25;
	v24 =	vld [tilespmem:s29+$0x9960]  }
0x137: {  	v17 =	vadd.f32 v17, v19;
	v16 =	vadd.f32 v16, v18;
	v18 =	vld [tilespmem:s29+$0x9970]  }
0x138: {  	v19 =	vadd.f32 v28, v21;
	v21 =	vadd.f32 v22, v23;
	v22 =	vld [tilespmem:s29+$0x99A0]  }
0x139: {  	v15 =	vadd.f32 v15, v17;
	v14 =	vadd.f32 v14, v16;
	v16 =	vld [tilespmem:s29+$0x99B0]  }
0x13a: {  	v17 =	vadd.f32 v26, v19;
	v19 =	vadd.f32 v20, v21;
	v20 =	vld [tilespmem:s29+$0x99E0]  }
0x13b: {  	v13 =	vadd.f32 v13, v15;
	v12 =	vadd.f32 v12, v14;
	v14 =	vld [tilespmem:s29+$0x99F0]  }
0x13c: {  	v15 =	vadd.f32 v24, v17;
	v17 =	vadd.f32 v18, v19;
	v18 =	vld [tilespmem:s29+$0x9A20]  }
0x13d: {  	v11 =	vadd.f32 v11, v13;
	v10 =	vadd.f32 v10, v12;
	v12 =	vld [tilespmem:s29+$0x9A30]  }
0x13e: {  	v13 =	vadd.f32 v22, v15;
	v15 =	vadd.f32 v16, v17;
	v16 =	vld [tilespmem:s29+$0x9A60]  }
0x13f: {  	v9 =	vadd.f32 v9, v11;
	v8 =	vadd.f32 v8, v10;
	v10 =	vld [tilespmem:s29+$0x9A70]  }
0x140: {  	v11 =	vadd.f32 v20, v13;
	v13 =	vadd.f32 v14, v15;
	v14 =	vld [tilespmem:s29+$0x9AA0]  }
0x141: {  	v6 =	vadd.f32 v6, v9;
	v7 =	vadd.f32 v7, v8;
	v8 =	vld [tilespmem:s29+$0x9AB0]  }
0x142: {  	v9 =	vadd.f32 v18, v11;
	v11 =	vadd.f32 v12, v13;
	v12 =	vld [tilespmem:s29+$0x9AE0]  }
0x143: {  	v4 =	vadd.f32 v4, v6;
	v5 =	vadd.f32 v5, v7;
	v6 =	vld [tilespmem:s29+$0x9AF0];
	s29 =	sshra.s32 s30, $0x2  }
0x144: {  	v9 =	vadd.f32 v16, v9;
	v7 =	vld [tilespmem:s29+$0x9AC0];
	v10 =	vadd.f32 v10, v11  }
0x145: {  	v4 =	vadd.f32 v2, v4;
	v5 =	vadd.f32 v3, v5;
	v11 =	vld [tilespmem:s29+$0x9AD0]  }
0x146: {  	v9 =	vadd.f32 v14, v9;
	v2 =	vld [tilespmem:s29+$0x9A80];
	v8 =	vadd.f32 v8, v10  }
0x147: {  	v32 =	vadd.f32 v0, v4;
	v35 =	vadd.f32 v1, v5;
	v3 =	vld [tilespmem:s29+$0x9A90]  }
0x148: {  	v34 =	vadd.f32 v12, v9;
	v4 =	vld [tilespmem:s29+$0x9A40];
	v33 =	vadd.f32 v6, v8  }
0x149: {  	v5 =	vld [tilespmem:s29+$0x9A50];
	v0 =	vmov v7  }
0x14a: {  	v6 =	vld [tilespmem:s29+$0x9A00];
	v1 =	vmov v11  }
0x14b: {  	v7 =	vld [tilespmem:s29+$0x9A10]  }
0x14c: {  	v9 =	vld [tilespmem:s29+$0x99C0]  }
0x14d: {  	v8 =	vld [tilespmem:s29+$0x99D0]  }
0x14e: {  	v11 =	vld [tilespmem:s29+$0x9980]  }
0x14f: {  	v10 =	vld [tilespmem:s29+$0x9990]  }
0x150: {  	v13 =	vld [tilespmem:s29+$0x9940]  }
0x151: {  	v12 =	vld [tilespmem:s29+$0x9950]  }
0x152: {  	v15 =	vld [tilespmem:s29+$0x9900]  }
0x153: {  	v14 =	vld [tilespmem:s29+$0x9910]  }
0x154: {  	v17 =	vld [tilespmem:s29+$0x98C0]  }
0x155: {  	v16 =	vld [tilespmem:s29+$0x98D0]  }
0x156: {  	v19 =	vld [tilespmem:s29+$0x9880]  }
0x157: {  	v18 =	vld [tilespmem:s29+$0x9890]  }
0x158: {  	v21 =	vld [tilespmem:s29+$0x9840]  }
0x159: {  	v20 =	vld [tilespmem:s29+$0x9850]  }
0x15a: {  	v23 =	vld [tilespmem:s29+$0x9800]  }
0x15b: {  	v22 =	vld [tilespmem:s29+$0x9810]  }
0x15c: {  	v25 =	vld [tilespmem:s29+$0x97C0]  }
0x15d: {  	v24 =	vld [tilespmem:s29+$0x97D0]  }
0x15e: {  	v27 =	vld [tilespmem:s29+$0x9780]  }
0x15f: {  	v26 =	vld [tilespmem:s29+$0x9790]  }
0x160: {  	v29 =	vld [tilespmem:s29+$0x9740]  }
0x161: {  	v28 =	vld [tilespmem:s29+$0x9750]  }
0x162: {  	v31 =	vld [tilespmem:s29+$0x9700]  }
0x163: {  	v30 =	vld [tilespmem:s29+$0x9710]  }
0x164: {  	v37 =	vld [tilespmem:s29+$0x96C0]  }
0x165: {  	v36 =	vld [tilespmem:s29+$0x96D0]  }
0x166: {  	v39 =	vld [tilespmem:s29+$0x9680]  }
0x167: {  	v38 =	vld [tilespmem:s29+$0x9690]  }
.Ltmp1:
0x168: {  	v41 =	vld [tilespmem:s29+$0x9640];
	(pc) =	sbr.rel @p1 .LBB2_5-.Ltmp1, $4  }
0x169: {  	v40 =	vld [tilespmem:s29+$0x9650]  }
0x16a: {  	v43 =	vld [tilespmem:s29+$0x9600]  }
0x16b: {  	v44 =	vld [tilespmem:s29+$0x9610]  }
0x16c: {  	s30 =	sadd.s32 $0x1400, s30;
	v42 =	vld [tilespmem:s29+$0x9620]  }
0x16d: {  	v45 =	vld [tilespmem:s29+$0x9630]  }
0x16e: {  	v46 =	vld [tilespmem:s29+$0x9660]  }
0x16f: {  	v47 =	vld [tilespmem:s29+$0x9670];
	v32 =	vadd.f32 v43, v32  }
0x170: {  	v52 =	vld [tilespmem:s29+$0x96A0];
	v35 =	vadd.f32 v44, v35  }
0x171: {  	v53 =	vld [tilespmem:s29+$0x96B0];
	v34 =	vadd.f32 v42, v34;
	v32 =	vadd.f32 v41, v32  }
0x172: {  	v54 =	vld [tilespmem:s29+$0x96E0];
	v33 =	vadd.f32 v45, v33;
	v35 =	vadd.f32 v40, v35  }
0x173: {  	v55 =	vld [tilespmem:s29+$0x96F0];
	v34 =	vadd.f32 v46, v34;
	v32 =	vadd.f32 v39, v32  }
0x174: {  	v56 =	vld [tilespmem:s29+$0x9720];
	v33 =	vadd.f32 v47, v33;
	v35 =	vadd.f32 v38, v35  }
0x175: {  	v57 =	vld [tilespmem:s29+$0x9730];
	v34 =	vadd.f32 v52, v34;
	v32 =	vadd.f32 v37, v32  }
0x176: {  	v58 =	vld [tilespmem:s29+$0x9760];
	v33 =	vadd.f32 v53, v33;
	v35 =	vadd.f32 v36, v35  }
0x177: {  	v59 =	vld [tilespmem:s29+$0x9770];
	v34 =	vadd.f32 v54, v34;
	v31 =	vadd.f32 v31, v32  }
0x178: {  	v61 =	vld [tilespmem:s29+$0x97A0];
	v60 =	vadd.f32 v55, v33;
	v30 =	vadd.f32 v30, v35  }
0x179: {  	v62 =	vld [tilespmem:s29+$0x97B0];
	v34 =	vadd.f32 v56, v34;
	v29 =	vadd.f32 v29, v31  }
0x17a: {  	v63 =	vld [tilespmem:s29+$0x97E0];
	v31 =	vadd.f32 v57, v60;
	v28 =	vadd.f32 v28, v30  }
0x17b: {  	v30 =	vld [tilespmem:s29+$0x97F0];
	v34 =	vadd.f32 v58, v34;
	v27 =	vadd.f32 v27, v29  }
0x17c: {  	v29 =	vadd.f32 v59, v31;
	v31 =	vld [tilespmem:s29+$0x9820];
	v26 =	vadd.f32 v26, v28  }
0x17d: {  	v28 =	vld [tilespmem:s29+$0x9830];
	v33 =	vadd.f32 v61, v34;
	v25 =	vadd.f32 v25, v27  }
0x17e: {  	v27 =	vadd.f32 v62, v29;
	v29 =	vld [tilespmem:s29+$0x9860];
	v24 =	vadd.f32 v24, v26  }
0x17f: {  	v26 =	vld [tilespmem:s29+$0x9870];
	v32 =	vadd.f32 v63, v33;
	v23 =	vadd.f32 v23, v25  }
0x180: {  	v25 =	vadd.f32 v30, v27;
	v27 =	vld [tilespmem:s29+$0x98A0];
	v22 =	vadd.f32 v22, v24  }
0x181: {  	v24 =	vld [tilespmem:s29+$0x98B0];
	v30 =	vadd.f32 v31, v32;
	v21 =	vadd.f32 v21, v23  }
0x182: {  	v23 =	vadd.f32 v28, v25;
	v25 =	vld [tilespmem:s29+$0x98E0];
	v20 =	vadd.f32 v20, v22  }
0x183: {  	v22 =	vld [tilespmem:s29+$0x98F0];
	v28 =	vadd.f32 v29, v30;
	v19 =	vadd.f32 v19, v21  }
0x184: {  	v21 =	vadd.f32 v26, v23;
	v23 =	vld [tilespmem:s29+$0x9920];
	v18 =	vadd.f32 v18, v20  }
0x185: {  	v20 =	vld [tilespmem:s29+$0x9930];
	v26 =	vadd.f32 v27, v28;
	v17 =	vadd.f32 v17, v19  }
0x186: {  	v19 =	vadd.f32 v24, v21;
	v21 =	vld [tilespmem:s29+$0x9960];
	v16 =	vadd.f32 v16, v18  }
0x187: {  	v18 =	vld [tilespmem:s29+$0x9970];
	v24 =	vadd.f32 v25, v26;
	v15 =	vadd.f32 v15, v17  }
0x188: {  	v17 =	vadd.f32 v22, v19;
	v19 =	vld [tilespmem:s29+$0x99A0];
	v14 =	vadd.f32 v14, v16  }
0x189: {  	v16 =	vld [tilespmem:s29+$0x99B0];
	v22 =	vadd.f32 v23, v24;
	v13 =	vadd.f32 v13, v15  }
0x18a: {  	v15 =	vadd.f32 v20, v17;
	v17 =	vld [tilespmem:s29+$0x99E0];
	v12 =	vadd.f32 v12, v14  }
0x18b: {  	v14 =	vld [tilespmem:s29+$0x99F0];
	v20 =	vadd.f32 v21, v22;
	v11 =	vadd.f32 v11, v13  }
0x18c: {  	v13 =	vadd.f32 v18, v15;
	v15 =	vld [tilespmem:s29+$0x9A20];
	v10 =	vadd.f32 v10, v12  }
0x18d: {  	v12 =	vld [tilespmem:s29+$0x9A30];
	v18 =	vadd.f32 v19, v20;
	v9 =	vadd.f32 v9, v11  }
0x18e: {  	v11 =	vadd.f32 v16, v13;
	v13 =	vld [tilespmem:s29+$0x9A60];
	v8 =	vadd.f32 v8, v10  }
0x18f: {  	v10 =	vld [tilespmem:s29+$0x9A70];
	v16 =	vadd.f32 v17, v18;
	v6 =	vadd.f32 v6, v9  }
0x190: {  	v9 =	vadd.f32 v14, v11;
	v11 =	vld [tilespmem:s29+$0x9AA0];
	v7 =	vadd.f32 v7, v8  }
0x191: {  	v8 =	vld [tilespmem:s29+$0x9AB0];
	v14 =	vadd.f32 v15, v16;
	v4 =	vadd.f32 v4, v6  }
0x192: {  	v6 =	vadd.f32 v12, v9;
	v9 =	vld [tilespmem:s29+$0x9AE0];
	v5 =	vadd.f32 v5, v7  }
0x193: {  	v7 =	vld [tilespmem:s29+$0x9AF0];
	v12 =	vadd.f32 v13, v14;
	v2 =	vadd.f32 v2, v4  }
0x194: {  	v4 =	vadd.f32 v10, v6;
	v3 =	vadd.f32 v3, v5  }
0x195: {  	v5 =	vadd.f32 v11, v12;
	v0 =	vadd.f32 v0, v2  }
0x196: {  	v2 =	vadd.f32 v8, v4;
	v1 =	vadd.f32 v1, v3  }
0x197: {  	v3 =	vadd.f32 v9, v5;
	v0 =	vmul.f32 $4.999999890e-03, v0  }
0x198: {  	v2 =	vadd.f32 v7, v2;
	v1 =	vmul.f32 $4.999999890e-03, v1  }
0x199: {  	[tilespmem:s28+$0x12C40] =	vst v0;
	v0 =	vmul.f32 $4.999999890e-03, v3  }
0x19a: {  	[tilespmem:s28+$0x12C50] =	vst v1;
	v1 =	vmul.f32 $4.999999890e-03, v2  }
0x19b: {  	[tilespmem:s28+$0x12C60] =	vst v0  }
0x19c: {  	s30 =	simm.s32 @!p0 $0x28;
	s31 =	simm.s32 @!p0 $0x9600;
	s29 =	sadd.s32 @!p0 $0x3E8, s26;
	[tilespmem:s28+$0x12C70] =	vst v1  }
0x19d: {  	[tilespmem:s31], [sflag:$0x2] =	stream.indirect.gather @!p0 [hbm4b:s3+s30], $0x40, s29, s30, $0xb8;
	[tilespmem:$0x14C00] =	vst v63  }
0x19e: {  	s29 =	sadd.s32 @!p0 $0x410, s26;
	s31 =	simm.s32 @!p0 $0xA000  }
0x19f: {  	[tilespmem:s31], [sflag:$0x2] =	stream.indirect.gather @!p0 [hbm4b:s3+s30], $0x40, s29, s30, $0xb8;
	[tilespmem:$0x14C00] =	vst v63  }
0x1a0: {  	s29 =	sadd.s32 @!p0 $0x438, s26;
	s31 =	simm.s32 @!p0 $0xAA00  }
0x1a1: {  	[tilespmem:s31], [sflag:$0x2] =	stream.indirect.gather @!p0 [hbm4b:s3+s30], $0x40, s29, s30, $0xb8;
	[tilespmem:$0x14C00] =	vst v63  }
0x1a2: {  	s29 =	sadd.s32 @!p0 $0x460, s26;
	s31 =	simm.s32 @!p0 $0xB400  }
0x1a3: {  	[tilespmem:s31], [sflag:$0x2] =	stream.indirect.gather @!p0 [hbm4b:s3+s30], $0x40, s29, s30, $0xb8;
	[tilespmem:$0x14C00] =	vst v63  }
0x1a4: {  	s29 =	sadd.s32 @!p0 $0x488, s26;
	s31 =	simm.s32 @!p0 $0xBE00  }
0x1a5: {  	[tilespmem:s31], [sflag:$0x2] =	stream.indirect.gather @!p0 [hbm4b:s3+s30], $0x40, s29, s30, $0xb8;
	[tilespmem:$0x14C00] =	vst v63  }
0x1a6: {  	_ =	swait.ge [sflag:s20], $0x3200  }
0x1a7: {  	[sflag:s20] =	ssyncset.done $0x0  }
0x1a8: {  	s29 =	simm.s32 $0x0;
	[sflag:s20] =	ssyncadd.s32 $0xFFFFCE00  }
0x1a9: {  	v0 =	vld [tilespmem:s29+$0xCCC0]  }
0x1aa: {  	v1 =	vld [tilespmem:s29+$0xCCD0]  }
0x1ab: {  	v2 =	vld [tilespmem:s29+$0xCC80]  }
0x1ac: {  	v3 =	vld [tilespmem:s29+$0xCC90]  }
0x1ad: {  	v4 =	vld [tilespmem:s29+$0xCC40]  }
0x1ae: {  	v5 =	vld [tilespmem:s29+$0xCC50]  }
0x1af: {  	v6 =	vld [tilespmem:s29+$0xCC00]  }
0x1b0: {  	v7 =	vld [tilespmem:s29+$0xCC10]  }
0x1b1: {  	v9 =	vld [tilespmem:s29+$0xCBC0]  }
0x1b2: {  	v8 =	vld [tilespmem:s29+$0xCBD0]  }
0x1b3: {  	v11 =	vld [tilespmem:s29+$0xCB80]  }
0x1b4: {  	v10 =	vld [tilespmem:s29+$0xCB90]  }
0x1b5: {  	v13 =	vld [tilespmem:s29+$0xCB40]  }
0x1b6: {  	v12 =	vld [tilespmem:s29+$0xCB50]  }
0x1b7: {  	v15 =	vld [tilespmem:s29+$0xCB00]  }
0x1b8: {  	v14 =	vld [tilespmem:s29+$0xCB10]  }
0x1b9: {  	v17 =	vld [tilespmem:s29+$0xCAC0]  }
0x1ba: {  	v16 =	vld [tilespmem:s29+$0xCAD0]  }
0x1bb: {  	v19 =	vld [tilespmem:s29+$0xCA80]  }
0x1bc: {  	v18 =	vld [tilespmem:s29+$0xCA90]  }
0x1bd: {  	v21 =	vld [tilespmem:s29+$0xCA40]  }
0x1be: {  	v20 =	vld [tilespmem:s29+$0xCA50]  }
0x1bf: {  	v23 =	vld [tilespmem:s29+$0xCA00]  }
0x1c0: {  	v22 =	vld [tilespmem:s29+$0xCA10]  }
0x1c1: {  	v25 =	vld [tilespmem:s29+$0xC9C0]  }
0x1c2: {  	v24 =	vld [tilespmem:s29+$0xC9D0]  }
0x1c3: {  	v27 =	vld [tilespmem:s29+$0xC980]  }
0x1c4: {  	v26 =	vld [tilespmem:s29+$0xC990]  }
0x1c5: {  	v29 =	vld [tilespmem:s29+$0xC940]  }
0x1c6: {  	v28 =	vld [tilespmem:s29+$0xC950]  }
0x1c7: {  	v31 =	vld [tilespmem:s29+$0xC900]  }
0x1c8: {  	v30 =	vld [tilespmem:s29+$0xC910]  }
0x1c9: {  	v37 =	vld [tilespmem:s29+$0xC8C0]  }
0x1ca: {  	v36 =	vld [tilespmem:s29+$0xC8D0]  }
0x1cb: {  	v39 =	vld [tilespmem:s29+$0xC880]  }
0x1cc: {  	v38 =	vld [tilespmem:s29+$0xC890]  }
0x1cd: {  	v41 =	vld [tilespmem:s29+$0xC840]  }
0x1ce: {  	v40 =	vld [tilespmem:s29+$0xC850]  }
0x1cf: {  	v43 =	vld [tilespmem:s29+$0xC800]  }
0x1d0: {  	v35 =	vimm.f32 $0.0e+00;
	v44 =	vld [tilespmem:s29+$0xC810]  }
0x1d1: {  	v34 =	vimm.f32 $0.0e+00;
	v33 =	vimm.f32 $0.0e+00;
	v32 =	vimm.f32 $0.0e+00;
	s30 =	simm.s32 $0x1400;
	v42 =	vld [tilespmem:s29+$0xC820]  }
.LBB2_7:
0x1d2: {  	p1 =	sne.s32 s30, $0xB400;
	v45 =	vld [tilespmem:s29+$0xC830]  }
0x1d3: {  	v46 =	vld [tilespmem:s29+$0xC860]  }
0x1d4: {  	v47 =	vld [tilespmem:s29+$0xC870]  }
0x1d5: {  	v48 =	vld [tilespmem:s29+$0xC8A0]  }
0x1d6: {  	v32 =	vadd.f32 v43, v32;
	v35 =	vadd.f32 v44, v35;
	v43 =	vld [tilespmem:s29+$0xC8B0]  }
0x1d7: {  	v34 =	vadd.f32 v42, v34;
	v33 =	vadd.f32 v45, v33;
	v42 =	vld [tilespmem:s29+$0xC8E0]  }
0x1d8: {  	v32 =	vadd.f32 v41, v32;
	v35 =	vadd.f32 v40, v35;
	v40 =	vld [tilespmem:s29+$0xC8F0]  }
0x1d9: {  	v34 =	vadd.f32 v46, v34;
	v33 =	vadd.f32 v47, v33;
	v41 =	vld [tilespmem:s29+$0xC920]  }
0x1da: {  	v32 =	vadd.f32 v39, v32;
	v35 =	vadd.f32 v38, v35;
	v38 =	vld [tilespmem:s29+$0xC930]  }
0x1db: {  	v34 =	vadd.f32 v48, v34;
	v33 =	vadd.f32 v43, v33;
	v39 =	vld [tilespmem:s29+$0xC960]  }
0x1dc: {  	v32 =	vadd.f32 v37, v32;
	v35 =	vadd.f32 v36, v35;
	v36 =	vld [tilespmem:s29+$0xC970]  }
0x1dd: {  	v34 =	vadd.f32 v42, v34;
	v33 =	vadd.f32 v40, v33;
	v37 =	vld [tilespmem:s29+$0xC9A0]  }
0x1de: {  	v31 =	vadd.f32 v31, v32;
	v30 =	vadd.f32 v30, v35;
	v32 =	vld [tilespmem:s29+$0xC9B0]  }
0x1df: {  	v34 =	vadd.f32 v41, v34;
	v33 =	vadd.f32 v38, v33;
	v35 =	vld [tilespmem:s29+$0xC9E0]  }
0x1e0: {  	v29 =	vadd.f32 v29, v31;
	v28 =	vadd.f32 v28, v30;
	v30 =	vld [tilespmem:s29+$0xC9F0]  }
0x1e1: {  	v31 =	vadd.f32 v39, v34;
	v33 =	vadd.f32 v36, v33;
	v34 =	vld [tilespmem:s29+$0xCA20]  }
0x1e2: {  	v27 =	vadd.f32 v27, v29;
	v26 =	vadd.f32 v26, v28;
	v28 =	vld [tilespmem:s29+$0xCA30]  }
0x1e3: {  	v29 =	vadd.f32 v37, v31;
	v31 =	vadd.f32 v32, v33;
	v32 =	vld [tilespmem:s29+$0xCA60]  }
0x1e4: {  	v25 =	vadd.f32 v25, v27;
	v24 =	vadd.f32 v24, v26;
	v26 =	vld [tilespmem:s29+$0xCA70]  }
0x1e5: {  	v27 =	vadd.f32 v35, v29;
	v29 =	vadd.f32 v30, v31;
	v30 =	vld [tilespmem:s29+$0xCAA0]  }
0x1e6: {  	v23 =	vadd.f32 v23, v25;
	v22 =	vadd.f32 v22, v24;
	v24 =	vld [tilespmem:s29+$0xCAB0]  }
0x1e7: {  	v25 =	vadd.f32 v34, v27;
	v27 =	vadd.f32 v28, v29;
	v28 =	vld [tilespmem:s29+$0xCAE0]  }
0x1e8: {  	v21 =	vadd.f32 v21, v23;
	v20 =	vadd.f32 v20, v22;
	v22 =	vld [tilespmem:s29+$0xCAF0]  }
0x1e9: {  	v23 =	vadd.f32 v32, v25;
	v25 =	vadd.f32 v26, v27;
	v26 =	vld [tilespmem:s29+$0xCB20]  }
0x1ea: {  	v19 =	vadd.f32 v19, v21;
	v18 =	vadd.f32 v18, v20;
	v20 =	vld [tilespmem:s29+$0xCB30]  }
0x1eb: {  	v21 =	vadd.f32 v30, v23;
	v23 =	vadd.f32 v24, v25;
	v24 =	vld [tilespmem:s29+$0xCB60]  }
0x1ec: {  	v17 =	vadd.f32 v17, v19;
	v16 =	vadd.f32 v16, v18;
	v18 =	vld [tilespmem:s29+$0xCB70]  }
0x1ed: {  	v19 =	vadd.f32 v28, v21;
	v21 =	vadd.f32 v22, v23;
	v22 =	vld [tilespmem:s29+$0xCBA0]  }
0x1ee: {  	v15 =	vadd.f32 v15, v17;
	v14 =	vadd.f32 v14, v16;
	v16 =	vld [tilespmem:s29+$0xCBB0]  }
0x1ef: {  	v17 =	vadd.f32 v26, v19;
	v19 =	vadd.f32 v20, v21;
	v20 =	vld [tilespmem:s29+$0xCBE0]  }
0x1f0: {  	v13 =	vadd.f32 v13, v15;
	v12 =	vadd.f32 v12, v14;
	v14 =	vld [tilespmem:s29+$0xCBF0]  }
0x1f1: {  	v15 =	vadd.f32 v24, v17;
	v17 =	vadd.f32 v18, v19;
	v18 =	vld [tilespmem:s29+$0xCC20]  }
0x1f2: {  	v11 =	vadd.f32 v11, v13;
	v10 =	vadd.f32 v10, v12;
	v12 =	vld [tilespmem:s29+$0xCC30]  }
0x1f3: {  	v13 =	vadd.f32 v22, v15;
	v15 =	vadd.f32 v16, v17;
	v16 =	vld [tilespmem:s29+$0xCC60]  }
0x1f4: {  	v9 =	vadd.f32 v9, v11;
	v8 =	vadd.f32 v8, v10;
	v10 =	vld [tilespmem:s29+$0xCC70]  }
0x1f5: {  	v11 =	vadd.f32 v20, v13;
	v13 =	vadd.f32 v14, v15;
	v14 =	vld [tilespmem:s29+$0xCCA0]  }
0x1f6: {  	v6 =	vadd.f32 v6, v9;
	v7 =	vadd.f32 v7, v8;
	v8 =	vld [tilespmem:s29+$0xCCB0]  }
0x1f7: {  	v9 =	vadd.f32 v18, v11;
	v11 =	vadd.f32 v12, v13;
	v12 =	vld [tilespmem:s29+$0xCCE0]  }
0x1f8: {  	v4 =	vadd.f32 v4, v6;
	v5 =	vadd.f32 v5, v7;
	v6 =	vld [tilespmem:s29+$0xCCF0];
	s29 =	sshra.s32 s30, $0x2  }
0x1f9: {  	v9 =	vadd.f32 v16, v9;
	v7 =	vld [tilespmem:s29+$0xCCC0];
	v10 =	vadd.f32 v10, v11  }
0x1fa: {  	v4 =	vadd.f32 v2, v4;
	v5 =	vadd.f32 v3, v5;
	v11 =	vld [tilespmem:s29+$0xCCD0]  }
0x1fb: {  	v9 =	vadd.f32 v14, v9;
	v2 =	vld [tilespmem:s29+$0xCC80];
	v8 =	vadd.f32 v8, v10  }
0x1fc: {  	v32 =	vadd.f32 v0, v4;
	v35 =	vadd.f32 v1, v5;
	v3 =	vld [tilespmem:s29+$0xCC90]  }
0x1fd: {  	v34 =	vadd.f32 v12, v9;
	v4 =	vld [tilespmem:s29+$0xCC40];
	v33 =	vadd.f32 v6, v8  }
0x1fe: {  	v5 =	vld [tilespmem:s29+$0xCC50];
	v0 =	vmov v7  }
0x1ff: {  	v6 =	vld [tilespmem:s29+$0xCC00];
	v1 =	vmov v11  }
0x200: {  	v7 =	vld [tilespmem:s29+$0xCC10]  }
0x201: {  	v9 =	vld [tilespmem:s29+$0xCBC0]  }
0x202: {  	v8 =	vld [tilespmem:s29+$0xCBD0]  }
0x203: {  	v11 =	vld [tilespmem:s29+$0xCB80]  }
0x204: {  	v10 =	vld [tilespmem:s29+$0xCB90]  }
0x205: {  	v13 =	vld [tilespmem:s29+$0xCB40]  }
0x206: {  	v12 =	vld [tilespmem:s29+$0xCB50]  }
0x207: {  	v15 =	vld [tilespmem:s29+$0xCB00]  }
0x208: {  	v14 =	vld [tilespmem:s29+$0xCB10]  }
0x209: {  	v17 =	vld [tilespmem:s29+$0xCAC0]  }
0x20a: {  	v16 =	vld [tilespmem:s29+$0xCAD0]  }
0x20b: {  	v19 =	vld [tilespmem:s29+$0xCA80]  }
0x20c: {  	v18 =	vld [tilespmem:s29+$0xCA90]  }
0x20d: {  	v21 =	vld [tilespmem:s29+$0xCA40]  }
0x20e: {  	v20 =	vld [tilespmem:s29+$0xCA50]  }
0x20f: {  	v23 =	vld [tilespmem:s29+$0xCA00]  }
0x210: {  	v22 =	vld [tilespmem:s29+$0xCA10]  }
0x211: {  	v25 =	vld [tilespmem:s29+$0xC9C0]  }
0x212: {  	v24 =	vld [tilespmem:s29+$0xC9D0]  }
0x213: {  	v27 =	vld [tilespmem:s29+$0xC980]  }
0x214: {  	v26 =	vld [tilespmem:s29+$0xC990]  }
0x215: {  	v29 =	vld [tilespmem:s29+$0xC940]  }
0x216: {  	v28 =	vld [tilespmem:s29+$0xC950]  }
0x217: {  	v31 =	vld [tilespmem:s29+$0xC900]  }
0x218: {  	v30 =	vld [tilespmem:s29+$0xC910]  }
0x219: {  	v37 =	vld [tilespmem:s29+$0xC8C0]  }
0x21a: {  	v36 =	vld [tilespmem:s29+$0xC8D0]  }
0x21b: {  	v39 =	vld [tilespmem:s29+$0xC880]  }
0x21c: {  	v38 =	vld [tilespmem:s29+$0xC890]  }
.Ltmp2:
0x21d: {  	v41 =	vld [tilespmem:s29+$0xC840];
	(pc) =	sbr.rel @p1 .LBB2_7-.Ltmp2, $4  }
0x21e: {  	v40 =	vld [tilespmem:s29+$0xC850]  }
0x21f: {  	v43 =	vld [tilespmem:s29+$0xC800]  }
0x220: {  	v44 =	vld [tilespmem:s29+$0xC810]  }
0x221: {  	s30 =	sadd.s32 $0x1400, s30;
	v42 =	vld [tilespmem:s29+$0xC820]  }
0x222: {  	v45 =	vld [tilespmem:s29+$0xC830]  }
0x223: {  	v46 =	vld [tilespmem:s29+$0xC860]  }
0x224: {  	v47 =	vld [tilespmem:s29+$0xC870];
	v32 =	vadd.f32 v43, v32  }
0x225: {  	v52 =	vld [tilespmem:s29+$0xC8A0];
	v35 =	vadd.f32 v44, v35  }
0x226: {  	v53 =	vld [tilespmem:s29+$0xC8B0];
	v34 =	vadd.f32 v42, v34;
	v32 =	vadd.f32 v41, v32  }
0x227: {  	v54 =	vld [tilespmem:s29+$0xC8E0];
	v33 =	vadd.f32 v45, v33;
	v35 =	vadd.f32 v40, v35  }
0x228: {  	v55 =	vld [tilespmem:s29+$0xC8F0];
	v34 =	vadd.f32 v46, v34;
	v32 =	vadd.f32 v39, v32  }
0x229: {  	v56 =	vld [tilespmem:s29+$0xC920];
	v33 =	vadd.f32 v47, v33;
	v35 =	vadd.f32 v38, v35  }
0x22a: {  	v57 =	vld [tilespmem:s29+$0xC930];
	v34 =	vadd.f32 v52, v34;
	v32 =	vadd.f32 v37, v32  }
0x22b: {  	v58 =	vld [tilespmem:s29+$0xC960];
	v33 =	vadd.f32 v53, v33;
	v35 =	vadd.f32 v36, v35  }
0x22c: {  	v59 =	vld [tilespmem:s29+$0xC970];
	v34 =	vadd.f32 v54, v34;
	v31 =	vadd.f32 v31, v32  }
0x22d: {  	v61 =	vld [tilespmem:s29+$0xC9A0];
	v60 =	vadd.f32 v55, v33;
	v30 =	vadd.f32 v30, v35  }
0x22e: {  	v62 =	vld [tilespmem:s29+$0xC9B0];
	v34 =	vadd.f32 v56, v34;
	v29 =	vadd.f32 v29, v31  }
0x22f: {  	v63 =	vld [tilespmem:s29+$0xC9E0];
	v31 =	vadd.f32 v57, v60;
	v28 =	vadd.f32 v28, v30  }
0x230: {  	v30 =	vld [tilespmem:s29+$0xC9F0];
	v34 =	vadd.f32 v58, v34;
	v27 =	vadd.f32 v27, v29  }
0x231: {  	v29 =	vadd.f32 v59, v31;
	v31 =	vld [tilespmem:s29+$0xCA20];
	v26 =	vadd.f32 v26, v28  }
0x232: {  	v28 =	vld [tilespmem:s29+$0xCA30];
	v33 =	vadd.f32 v61, v34;
	v25 =	vadd.f32 v25, v27  }
0x233: {  	v27 =	vadd.f32 v62, v29;
	v29 =	vld [tilespmem:s29+$0xCA60];
	v24 =	vadd.f32 v24, v26  }
0x234: {  	v26 =	vld [tilespmem:s29+$0xCA70];
	v32 =	vadd.f32 v63, v33;
	v23 =	vadd.f32 v23, v25  }
0x235: {  	v25 =	vadd.f32 v30, v27;
	v27 =	vld [tilespmem:s29+$0xCAA0];
	v22 =	vadd.f32 v22, v24  }
0x236: {  	v24 =	vld [tilespmem:s29+$0xCAB0];
	v30 =	vadd.f32 v31, v32;
	v21 =	vadd.f32 v21, v23  }
0x237: {  	v23 =	vadd.f32 v28, v25;
	v25 =	vld [tilespmem:s29+$0xCAE0];
	v20 =	vadd.f32 v20, v22  }
0x238: {  	v22 =	vld [tilespmem:s29+$0xCAF0];
	v28 =	vadd.f32 v29, v30;
	v19 =	vadd.f32 v19, v21  }
0x239: {  	v21 =	vadd.f32 v26, v23;
	v23 =	vld [tilespmem:s29+$0xCB20];
	v18 =	vadd.f32 v18, v20  }
0x23a: {  	v20 =	vld [tilespmem:s29+$0xCB30];
	v26 =	vadd.f32 v27, v28;
	v17 =	vadd.f32 v17, v19  }
0x23b: {  	v19 =	vadd.f32 v24, v21;
	v21 =	vld [tilespmem:s29+$0xCB60];
	v16 =	vadd.f32 v16, v18  }
0x23c: {  	v18 =	vld [tilespmem:s29+$0xCB70];
	v24 =	vadd.f32 v25, v26;
	v15 =	vadd.f32 v15, v17  }
0x23d: {  	v17 =	vadd.f32 v22, v19;
	v19 =	vld [tilespmem:s29+$0xCBA0];
	v14 =	vadd.f32 v14, v16  }
0x23e: {  	v16 =	vld [tilespmem:s29+$0xCBB0];
	v22 =	vadd.f32 v23, v24;
	v13 =	vadd.f32 v13, v15  }
0x23f: {  	v15 =	vadd.f32 v20, v17;
	v17 =	vld [tilespmem:s29+$0xCBE0];
	v12 =	vadd.f32 v12, v14  }
0x240: {  	v14 =	vld [tilespmem:s29+$0xCBF0];
	v20 =	vadd.f32 v21, v22;
	v11 =	vadd.f32 v11, v13  }
0x241: {  	v13 =	vadd.f32 v18, v15;
	v15 =	vld [tilespmem:s29+$0xCC20];
	v10 =	vadd.f32 v10, v12  }
0x242: {  	v12 =	vld [tilespmem:s29+$0xCC30];
	v18 =	vadd.f32 v19, v20;
	v9 =	vadd.f32 v9, v11  }
0x243: {  	v11 =	vadd.f32 v16, v13;
	v13 =	vld [tilespmem:s29+$0xCC60];
	v8 =	vadd.f32 v8, v10  }
0x244: {  	v10 =	vld [tilespmem:s29+$0xCC70];
	v16 =	vadd.f32 v17, v18;
	v6 =	vadd.f32 v6, v9  }
0x245: {  	v9 =	vadd.f32 v14, v11;
	v11 =	vld [tilespmem:s29+$0xCCA0];
	v7 =	vadd.f32 v7, v8  }
0x246: {  	v8 =	vld [tilespmem:s29+$0xCCB0];
	v14 =	vadd.f32 v15, v16;
	v4 =	vadd.f32 v4, v6  }
0x247: {  	v6 =	vadd.f32 v12, v9;
	v9 =	vld [tilespmem:s29+$0xCCE0];
	v5 =	vadd.f32 v5, v7  }
0x248: {  	v7 =	vld [tilespmem:s29+$0xCCF0];
	v12 =	vadd.f32 v13, v14;
	v2 =	vadd.f32 v2, v4  }
0x249: {  	v4 =	vadd.f32 v10, v6;
	v3 =	vadd.f32 v3, v5  }
0x24a: {  	v5 =	vadd.f32 v11, v12;
	v0 =	vadd.f32 v0, v2  }
0x24b: {  	v2 =	vadd.f32 v8, v4;
	v1 =	vadd.f32 v1, v3  }
0x24c: {  	v3 =	vadd.f32 v9, v5;
	v0 =	vmul.f32 $4.999999890e-03, v0  }
0x24d: {  	v2 =	vadd.f32 v7, v2;
	v1 =	vmul.f32 $4.999999890e-03, v1  }
0x24e: {  	[tilespmem:s28+$0x12C80] =	vst v0;
	v0 =	vmul.f32 $4.999999890e-03, v3  }
0x24f: {  	[tilespmem:s28+$0x12C90] =	vst v1;
	v1 =	vmul.f32 $4.999999890e-03, v2  }
0x250: {  	[tilespmem:s28+$0x12CA0] =	vst v0  }
0x251: {  	s30 =	simm.s32 @!p0 $0xC800;
	s29 =	simm.s32 @!p0 $0x28;
	[tilespmem:s28+$0x12CB0] =	vst v1;
	s28 =	sadd.s32 @!p0 $0x4B0, s26  }
0x252: {  	[tilespmem:s30], [sflag:$0x3] =	stream.indirect.gather @!p0 [hbm4b:s3+s29], $0x40, s28, s29, $0xb8;
	[tilespmem:$0x14C00] =	vst v63  }
0x253: {  	s28 =	sadd.s32 @!p0 $0x4D8, s26;
	s30 =	simm.s32 @!p0 $0xD200  }
0x254: {  	[tilespmem:s30], [sflag:$0x3] =	stream.indirect.gather @!p0 [hbm4b:s3+s29], $0x40, s28, s29, $0xb8;
	[tilespmem:$0x14C00] =	vst v63  }
0x255: {  	s28 =	sadd.s32 @!p0 $0x500, s26;
	s30 =	simm.s32 @!p0 $0xDC00  }
0x256: {  	[tilespmem:s30], [sflag:$0x3] =	stream.indirect.gather @!p0 [hbm4b:s3+s29], $0x40, s28, s29, $0xb8;
	[tilespmem:$0x14C00] =	vst v63  }
0x257: {  	s28 =	sadd.s32 @!p0 $0x528, s26;
	s30 =	simm.s32 @!p0 $0xE600  }
0x258: {  	[tilespmem:s30], [sflag:$0x3] =	stream.indirect.gather @!p0 [hbm4b:s3+s29], $0x40, s28, s29, $0xb8;
	[tilespmem:$0x14C00] =	vst v63  }
0x259: {  	s26 =	sadd.s32 @!p0 $0x550, s26;
	s28 =	simm.s32 @!p0 $0xF000  }
0x25a: {  	[tilespmem:s28], [sflag:$0x3] =	stream.indirect.gather @!p0 [hbm4b:s3+s29], $0x40, s26, s29, $0xb8;
	[tilespmem:$0x14C00] =	vst v63  }
0x25b: {  	_ =	swait.ge [sflag:s21], $0x3200  }
0x25c: {  	[sflag:s21] =	ssyncset.done $0x0  }
0x25d: {  	s26 =	simm.s32 $0x0;
	[sflag:s21] =	ssyncadd.s32 $0xFFFFCE00  }
0x25e: {  	v0 =	vld [tilespmem:s26+$0xFEC0]  }
0x25f: {  	v1 =	vld [tilespmem:s26+$0xFED0]  }
0x260: {  	v2 =	vld [tilespmem:s26+$0xFE80]  }
0x261: {  	v3 =	vld [tilespmem:s26+$0xFE90]  }
0x262: {  	v4 =	vld [tilespmem:s26+$0xFE40]  }
0x263: {  	v5 =	vld [tilespmem:s26+$0xFE50]  }
0x264: {  	v6 =	vld [tilespmem:s26+$0xFE00]  }
0x265: {  	v7 =	vld [tilespmem:s26+$0xFE10]  }
0x266: {  	v9 =	vld [tilespmem:s26+$0xFDC0]  }
0x267: {  	v8 =	vld [tilespmem:s26+$0xFDD0]  }
0x268: {  	v11 =	vld [tilespmem:s26+$0xFD80]  }
0x269: {  	v10 =	vld [tilespmem:s26+$0xFD90]  }
0x26a: {  	v13 =	vld [tilespmem:s26+$0xFD40]  }
0x26b: {  	v12 =	vld [tilespmem:s26+$0xFD50]  }
0x26c: {  	v15 =	vld [tilespmem:s26+$0xFD00]  }
0x26d: {  	v14 =	vld [tilespmem:s26+$0xFD10]  }
0x26e: {  	v17 =	vld [tilespmem:s26+$0xFCC0]  }
0x26f: {  	v16 =	vld [tilespmem:s26+$0xFCD0]  }
0x270: {  	v19 =	vld [tilespmem:s26+$0xFC80]  }
0x271: {  	v18 =	vld [tilespmem:s26+$0xFC90]  }
0x272: {  	v21 =	vld [tilespmem:s26+$0xFC40]  }
0x273: {  	v20 =	vld [tilespmem:s26+$0xFC50]  }
0x274: {  	v23 =	vld [tilespmem:s26+$0xFC00]  }
0x275: {  	v22 =	vld [tilespmem:s26+$0xFC10]  }
0x276: {  	v25 =	vld [tilespmem:s26+$0xFBC0]  }
0x277: {  	v24 =	vld [tilespmem:s26+$0xFBD0]  }
0x278: {  	v27 =	vld [tilespmem:s26+$0xFB80]  }
0x279: {  	v26 =	vld [tilespmem:s26+$0xFB90]  }
0x27a: {  	v29 =	vld [tilespmem:s26+$0xFB40]  }
0x27b: {  	v28 =	vld [tilespmem:s26+$0xFB50]  }
0x27c: {  	v31 =	vld [tilespmem:s26+$0xFB00]  }
0x27d: {  	v30 =	vld [tilespmem:s26+$0xFB10]  }
0x27e: {  	v37 =	vld [tilespmem:s26+$0xFAC0]  }
0x27f: {  	v36 =	vld [tilespmem:s26+$0xFAD0]  }
0x280: {  	v39 =	vld [tilespmem:s26+$0xFA80]  }
0x281: {  	v38 =	vld [tilespmem:s26+$0xFA90]  }
0x282: {  	v41 =	vld [tilespmem:s26+$0xFA40]  }
0x283: {  	v40 =	vld [tilespmem:s26+$0xFA50]  }
0x284: {  	v43 =	vld [tilespmem:s26+$0xFA00]  }
0x285: {  	v35 =	vimm.f32 $0.0e+00;
	v44 =	vld [tilespmem:s26+$0xFA10]  }
0x286: {  	v34 =	vimm.f32 $0.0e+00;
	v33 =	vimm.f32 $0.0e+00;
	v32 =	vimm.f32 $0.0e+00;
	s28 =	simm.s32 $0x1400;
	v42 =	vld [tilespmem:s26+$0xFA20]  }
.LBB2_9:
0x287: {  	p0 =	sne.s32 s28, $0xB400;
	v45 =	vld [tilespmem:s26+$0xFA30]  }
0x288: {  	v46 =	vld [tilespmem:s26+$0xFA60]  }
0x289: {  	v47 =	vld [tilespmem:s26+$0xFA70]  }
0x28a: {  	v48 =	vld [tilespmem:s26+$0xFAA0]  }
0x28b: {  	v32 =	vadd.f32 v43, v32;
	v35 =	vadd.f32 v44, v35;
	v43 =	vld [tilespmem:s26+$0xFAB0]  }
0x28c: {  	v34 =	vadd.f32 v42, v34;
	v33 =	vadd.f32 v45, v33;
	v42 =	vld [tilespmem:s26+$0xFAE0]  }
0x28d: {  	v32 =	vadd.f32 v41, v32;
	v35 =	vadd.f32 v40, v35;
	v40 =	vld [tilespmem:s26+$0xFAF0]  }
0x28e: {  	v34 =	vadd.f32 v46, v34;
	v33 =	vadd.f32 v47, v33;
	v41 =	vld [tilespmem:s26+$0xFB20]  }
0x28f: {  	v32 =	vadd.f32 v39, v32;
	v35 =	vadd.f32 v38, v35;
	v38 =	vld [tilespmem:s26+$0xFB30]  }
0x290: {  	v34 =	vadd.f32 v48, v34;
	v33 =	vadd.f32 v43, v33;
	v39 =	vld [tilespmem:s26+$0xFB60]  }
0x291: {  	v32 =	vadd.f32 v37, v32;
	v35 =	vadd.f32 v36, v35;
	v36 =	vld [tilespmem:s26+$0xFB70]  }
0x292: {  	v34 =	vadd.f32 v42, v34;
	v33 =	vadd.f32 v40, v33;
	v37 =	vld [tilespmem:s26+$0xFBA0]  }
0x293: {  	v31 =	vadd.f32 v31, v32;
	v30 =	vadd.f32 v30, v35;
	v32 =	vld [tilespmem:s26+$0xFBB0]  }
0x294: {  	v34 =	vadd.f32 v41, v34;
	v33 =	vadd.f32 v38, v33;
	v35 =	vld [tilespmem:s26+$0xFBE0]  }
0x295: {  	v29 =	vadd.f32 v29, v31;
	v28 =	vadd.f32 v28, v30;
	v30 =	vld [tilespmem:s26+$0xFBF0]  }
0x296: {  	v31 =	vadd.f32 v39, v34;
	v33 =	vadd.f32 v36, v33;
	v34 =	vld [tilespmem:s26+$0xFC20]  }
0x297: {  	v27 =	vadd.f32 v27, v29;
	v26 =	vadd.f32 v26, v28;
	v28 =	vld [tilespmem:s26+$0xFC30]  }
0x298: {  	v29 =	vadd.f32 v37, v31;
	v31 =	vadd.f32 v32, v33;
	v32 =	vld [tilespmem:s26+$0xFC60]  }
0x299: {  	v25 =	vadd.f32 v25, v27;
	v24 =	vadd.f32 v24, v26;
	v26 =	vld [tilespmem:s26+$0xFC70]  }
0x29a: {  	v27 =	vadd.f32 v35, v29;
	v29 =	vadd.f32 v30, v31;
	v30 =	vld [tilespmem:s26+$0xFCA0]  }
0x29b: {  	v23 =	vadd.f32 v23, v25;
	v22 =	vadd.f32 v22, v24;
	v24 =	vld [tilespmem:s26+$0xFCB0]  }
0x29c: {  	v25 =	vadd.f32 v34, v27;
	v27 =	vadd.f32 v28, v29;
	v28 =	vld [tilespmem:s26+$0xFCE0]  }
0x29d: {  	v21 =	vadd.f32 v21, v23;
	v20 =	vadd.f32 v20, v22;
	v22 =	vld [tilespmem:s26+$0xFCF0]  }
0x29e: {  	v23 =	vadd.f32 v32, v25;
	v25 =	vadd.f32 v26, v27;
	v26 =	vld [tilespmem:s26+$0xFD20]  }
0x29f: {  	v19 =	vadd.f32 v19, v21;
	v18 =	vadd.f32 v18, v20;
	v20 =	vld [tilespmem:s26+$0xFD30]  }
0x2a0: {  	v21 =	vadd.f32 v30, v23;
	v23 =	vadd.f32 v24, v25;
	v24 =	vld [tilespmem:s26+$0xFD60]  }
0x2a1: {  	v17 =	vadd.f32 v17, v19;
	v16 =	vadd.f32 v16, v18;
	v18 =	vld [tilespmem:s26+$0xFD70]  }
0x2a2: {  	v19 =	vadd.f32 v28, v21;
	v21 =	vadd.f32 v22, v23;
	v22 =	vld [tilespmem:s26+$0xFDA0]  }
0x2a3: {  	v15 =	vadd.f32 v15, v17;
	v14 =	vadd.f32 v14, v16;
	v16 =	vld [tilespmem:s26+$0xFDB0]  }
0x2a4: {  	v17 =	vadd.f32 v26, v19;
	v19 =	vadd.f32 v20, v21;
	v20 =	vld [tilespmem:s26+$0xFDE0]  }
0x2a5: {  	v13 =	vadd.f32 v13, v15;
	v12 =	vadd.f32 v12, v14;
	v14 =	vld [tilespmem:s26+$0xFDF0]  }
0x2a6: {  	v15 =	vadd.f32 v24, v17;
	v17 =	vadd.f32 v18, v19;
	v18 =	vld [tilespmem:s26+$0xFE20]  }
0x2a7: {  	v11 =	vadd.f32 v11, v13;
	v10 =	vadd.f32 v10, v12;
	v12 =	vld [tilespmem:s26+$0xFE30]  }
0x2a8: {  	v13 =	vadd.f32 v22, v15;
	v15 =	vadd.f32 v16, v17;
	v16 =	vld [tilespmem:s26+$0xFE60]  }
0x2a9: {  	v9 =	vadd.f32 v9, v11;
	v8 =	vadd.f32 v8, v10;
	v10 =	vld [tilespmem:s26+$0xFE70]  }
0x2aa: {  	v11 =	vadd.f32 v20, v13;
	v13 =	vadd.f32 v14, v15;
	v14 =	vld [tilespmem:s26+$0xFEA0]  }
0x2ab: {  	v6 =	vadd.f32 v6, v9;
	v7 =	vadd.f32 v7, v8;
	v8 =	vld [tilespmem:s26+$0xFEB0]  }
0x2ac: {  	v9 =	vadd.f32 v18, v11;
	v11 =	vadd.f32 v12, v13;
	v12 =	vld [tilespmem:s26+$0xFEE0]  }
0x2ad: {  	v4 =	vadd.f32 v4, v6;
	v5 =	vadd.f32 v5, v7;
	v6 =	vld [tilespmem:s26+$0xFEF0];
	s26 =	sshra.s32 s28, $0x2  }
0x2ae: {  	v9 =	vadd.f32 v16, v9;
	v7 =	vld [tilespmem:s26+$0xFEC0];
	v10 =	vadd.f32 v10, v11  }
0x2af: {  	v4 =	vadd.f32 v2, v4;
	v5 =	vadd.f32 v3, v5;
	v11 =	vld [tilespmem:s26+$0xFED0]  }
0x2b0: {  	v9 =	vadd.f32 v14, v9;
	v2 =	vld [tilespmem:s26+$0xFE80];
	v8 =	vadd.f32 v8, v10  }
0x2b1: {  	v32 =	vadd.f32 v0, v4;
	v35 =	vadd.f32 v1, v5;
	v3 =	vld [tilespmem:s26+$0xFE90]  }
0x2b2: {  	v34 =	vadd.f32 v12, v9;
	v4 =	vld [tilespmem:s26+$0xFE40];
	v33 =	vadd.f32 v6, v8  }
0x2b3: {  	v5 =	vld [tilespmem:s26+$0xFE50];
	v0 =	vmov v7  }
0x2b4: {  	v6 =	vld [tilespmem:s26+$0xFE00];
	v1 =	vmov v11  }
0x2b5: {  	v7 =	vld [tilespmem:s26+$0xFE10]  }
0x2b6: {  	v9 =	vld [tilespmem:s26+$0xFDC0]  }
0x2b7: {  	v8 =	vld [tilespmem:s26+$0xFDD0]  }
0x2b8: {  	v11 =	vld [tilespmem:s26+$0xFD80]  }
0x2b9: {  	v10 =	vld [tilespmem:s26+$0xFD90]  }
0x2ba: {  	v13 =	vld [tilespmem:s26+$0xFD40]  }
0x2bb: {  	v12 =	vld [tilespmem:s26+$0xFD50]  }
0x2bc: {  	v15 =	vld [tilespmem:s26+$0xFD00]  }
0x2bd: {  	v14 =	vld [tilespmem:s26+$0xFD10]  }
0x2be: {  	v17 =	vld [tilespmem:s26+$0xFCC0]  }
0x2bf: {  	v16 =	vld [tilespmem:s26+$0xFCD0]  }
0x2c0: {  	v19 =	vld [tilespmem:s26+$0xFC80]  }
0x2c1: {  	v18 =	vld [tilespmem:s26+$0xFC90]  }
0x2c2: {  	v21 =	vld [tilespmem:s26+$0xFC40]  }
0x2c3: {  	v20 =	vld [tilespmem:s26+$0xFC50]  }
0x2c4: {  	v23 =	vld [tilespmem:s26+$0xFC00]  }
0x2c5: {  	v22 =	vld [tilespmem:s26+$0xFC10]  }
0x2c6: {  	v25 =	vld [tilespmem:s26+$0xFBC0]  }
0x2c7: {  	v24 =	vld [tilespmem:s26+$0xFBD0]  }
0x2c8: {  	v27 =	vld [tilespmem:s26+$0xFB80]  }
0x2c9: {  	v26 =	vld [tilespmem:s26+$0xFB90]  }
0x2ca: {  	v29 =	vld [tilespmem:s26+$0xFB40]  }
0x2cb: {  	v28 =	vld [tilespmem:s26+$0xFB50]  }
0x2cc: {  	v31 =	vld [tilespmem:s26+$0xFB00]  }
0x2cd: {  	v30 =	vld [tilespmem:s26+$0xFB10]  }
0x2ce: {  	v37 =	vld [tilespmem:s26+$0xFAC0]  }
0x2cf: {  	v36 =	vld [tilespmem:s26+$0xFAD0]  }
0x2d0: {  	v39 =	vld [tilespmem:s26+$0xFA80]  }
0x2d1: {  	v38 =	vld [tilespmem:s26+$0xFA90]  }
.Ltmp3:
0x2d2: {  	v41 =	vld [tilespmem:s26+$0xFA40];
	(pc) =	sbr.rel @p0 .LBB2_9-.Ltmp3, $4  }
0x2d3: {  	v40 =	vld [tilespmem:s26+$0xFA50]  }
0x2d4: {  	v43 =	vld [tilespmem:s26+$0xFA00]  }
0x2d5: {  	v44 =	vld [tilespmem:s26+$0xFA10]  }
0x2d6: {  	s28 =	sadd.s32 $0x1400, s28;
	v42 =	vld [tilespmem:s26+$0xFA20]  }
0x2d7: {  	v45 =	vld [tilespmem:s26+$0xFA30]  }
0x2d8: {  	v46 =	vld [tilespmem:s26+$0xFA60]  }
0x2d9: {  	v47 =	vld [tilespmem:s26+$0xFA70];
	v32 =	vadd.f32 v43, v32  }
0x2da: {  	v56 =	vld [tilespmem:s26+$0xFAA0];
	v35 =	vadd.f32 v44, v35  }
0x2db: {  	v57 =	vld [tilespmem:s26+$0xFAB0];
	v34 =	vadd.f32 v42, v34;
	v32 =	vadd.f32 v41, v32  }
0x2dc: {  	v58 =	vld [tilespmem:s26+$0xFAE0];
	v33 =	vadd.f32 v45, v33;
	v35 =	vadd.f32 v40, v35  }
0x2dd: {  	v59 =	vld [tilespmem:s26+$0xFAF0];
	v34 =	vadd.f32 v46, v34;
	v32 =	vadd.f32 v39, v32  }
0x2de: {  	v60 =	vld [tilespmem:s26+$0xFB20];
	v33 =	vadd.f32 v47, v33;
	v35 =	vadd.f32 v38, v35  }
0x2df: {  	v61 =	vld [tilespmem:s26+$0xFB30];
	v34 =	vadd.f32 v56, v34;
	v32 =	vadd.f32 v37, v32  }
0x2e0: {  	v62 =	vld [tilespmem:s26+$0xFB60];
	v33 =	vadd.f32 v57, v33;
	v35 =	vadd.f32 v36, v35  }
0x2e1: {  	v63 =	vld [tilespmem:s26+$0xFB70];
	v34 =	vadd.f32 v58, v34;
	v31 =	vadd.f32 v31, v32  }
0x2e2: {  	v42 =	vld [tilespmem:s26+$0xFBA0];
	v41 =	vadd.f32 v59, v33;
	v30 =	vadd.f32 v30, v35  }
0x2e3: {  	v43 =	vld [tilespmem:s26+$0xFBB0];
	v34 =	vadd.f32 v60, v34;
	v29 =	vadd.f32 v29, v31  }
0x2e4: {  	v45 =	vld [tilespmem:s26+$0xFBE0];
	v44 =	vadd.f32 v61, v41;
	v28 =	vadd.f32 v28, v30  }
0x2e5: {  	v46 =	vld [tilespmem:s26+$0xFBF0];
	v34 =	vadd.f32 v62, v34;
	v27 =	vadd.f32 v27, v29  }
0x2e6: {  	v48 =	vld [tilespmem:s26+$0xFC20];
	v47 =	vadd.f32 v63, v44;
	v26 =	vadd.f32 v26, v28  }
0x2e7: {  	v49 =	vld [tilespmem:s26+$0xFC30];
	v33 =	vadd.f32 v42, v34;
	v25 =	vadd.f32 v25, v27  }
0x2e8: {  	v51 =	vld [tilespmem:s26+$0xFC60];
	v50 =	vadd.f32 v43, v47;
	v24 =	vadd.f32 v24, v26  }
0x2e9: {  	v52 =	vld [tilespmem:s26+$0xFC70];
	v32 =	vadd.f32 v45, v33;
	v23 =	vadd.f32 v23, v25  }
0x2ea: {  	v54 =	vld [tilespmem:s26+$0xFCA0];
	v53 =	vadd.f32 v46, v50;
	v22 =	vadd.f32 v22, v24  }
0x2eb: {  	v55 =	vld [tilespmem:s26+$0xFCB0];
	v56 =	vadd.f32 v48, v32;
	v21 =	vadd.f32 v21, v23  }
0x2ec: {  	v58 =	vld [tilespmem:s26+$0xFCE0];
	v57 =	vadd.f32 v49, v53;
	v20 =	vadd.f32 v20, v22  }
0x2ed: {  	v59 =	vld [tilespmem:s26+$0xFCF0];
	v60 =	vadd.f32 v51, v56;
	v19 =	vadd.f32 v19, v21  }
0x2ee: {  	v62 =	vld [tilespmem:s26+$0xFD20];
	v61 =	vadd.f32 v52, v57;
	v18 =	vadd.f32 v18, v20  }
0x2ef: {  	v63 =	vld [tilespmem:s26+$0xFD30];
	v29 =	vadd.f32 v54, v60;
	v17 =	vadd.f32 v17, v19  }
0x2f0: {  	v31 =	vld [tilespmem:s26+$0xFD60];
	v30 =	vadd.f32 v55, v61;
	v16 =	vadd.f32 v16, v18  }
0x2f1: {  	v32 =	vld [tilespmem:s26+$0xFD70];
	v33 =	vadd.f32 v58, v29;
	v15 =	vadd.f32 v15, v17  }
0x2f2: {  	v35 =	vld [tilespmem:s26+$0xFDA0];
	v34 =	vadd.f32 v59, v30;
	v14 =	vadd.f32 v14, v16  }
0x2f3: {  	v36 =	vld [tilespmem:s26+$0xFDB0];
	v37 =	vadd.f32 v62, v33;
	v13 =	vadd.f32 v13, v15  }
0x2f4: {  	v39 =	vld [tilespmem:s26+$0xFDE0];
	v38 =	vadd.f32 v63, v34;
	v12 =	vadd.f32 v12, v14  }
0x2f5: {  	v40 =	vld [tilespmem:s26+$0xFDF0];
	v41 =	vadd.f32 v31, v37;
	v11 =	vadd.f32 v11, v13  }
0x2f6: {  	v43 =	vld [tilespmem:s26+$0xFE20];
	v42 =	vadd.f32 v32, v38;
	v10 =	vadd.f32 v10, v12  }
0x2f7: {  	v44 =	vld [tilespmem:s26+$0xFE30];
	v45 =	vadd.f32 v35, v41;
	v9 =	vadd.f32 v9, v11  }
0x2f8: {  	v47 =	vld [tilespmem:s26+$0xFE60];
	v46 =	vadd.f32 v36, v42;
	v8 =	vadd.f32 v8, v10  }
0x2f9: {  	v48 =	vld [tilespmem:s26+$0xFE70];
	v49 =	vadd.f32 v39, v45;
	v6 =	vadd.f32 v6, v9  }
0x2fa: {  	v51 =	vld [tilespmem:s26+$0xFEA0];
	v50 =	vadd.f32 v40, v46;
	v7 =	vadd.f32 v7, v8  }
0x2fb: {  	v52 =	vld [tilespmem:s26+$0xFEB0];
	v53 =	vadd.f32 v43, v49;
	v4 =	vadd.f32 v4, v6  }
0x2fc: {  	v55 =	vld [tilespmem:s26+$0xFEE0];
	v54 =	vadd.f32 v44, v50;
	v5 =	vadd.f32 v5, v7  }
0x2fd: {  	v56 =	vld [tilespmem:s26+$0xFEF0];
	v57 =	vadd.f32 v47, v53;
	v2 =	vadd.f32 v2, v4  }
0x2fe: {  	v58 =	vadd.f32 v48, v54;
	v3 =	vadd.f32 v3, v5  }
0x2ff: {  	v59 =	vadd.f32 v51, v57;
	v0 =	vadd.f32 v0, v2  }
0x300: {  	s24 =	sadd.s32 $0x1, s24;
	v60 =	vadd.f32 v52, v58;
	v1 =	vadd.f32 v1, v3  }
0x301: {  	s25 =	sshll.u32 s25, $0x6;
	p0 =	sne.s32 s24, $0x20;
	v61 =	vadd.f32 v55, v59;
	v0 =	vmul.f32 $4.999999890e-03, v0  }
.Ltmp4:
0x302: {  	s25 =	sand.u32 $0x3FFFFFC0, s25;
	v2 =	vadd.f32 v56, v60;
	v1 =	vmul.f32 $4.999999890e-03, v1;
	(pc) =	sbr.rel @p0 .LBB2_2-.Ltmp4, $4  }
0x303: {  	[tilespmem:s25+$0x12C00] =	vst v0;
	v62 =	vmul.f32 $4.999999890e-03, v61  }
0x304: {  	[tilespmem:s25+$0x12C10] =	vst v1;
	v63 =	vmul.f32 $4.999999890e-03, v2  }
0x305: {  	[tilespmem:s25+$0x12C20] =	vst v62  }
0x306: {  	[tilespmem:s25+$0x12C30] =	vst v63  }
0x307: {  	s23 =	sadd.s32 $0x1, s23  }
0x308: {  	p0 =	sne.s32 s23, s6  }
.Ltmp5:
0x309: {  	_ = 	snop;
	(pc) =	sbr.rel @p0 .LBB2_1-.Ltmp5, $4  }
0x30a: {  	[hbm4b:s5+s2] =	stream.linear.scatter [tilespmem:s22], [sflag:$0x5], $0x2000, $0x38;
	[tilespmem:$0x14C00] =	vst v63  }
0x30b: {  	_ =	swait.ge [sflag:s7], $0x2000  }
0x30c: {  	[sflag:s7] =	ssyncset.done $0x0  }
0x30d: {  	[sflag:s7] =	ssyncadd.s32 $0xFFFFE000  }
0x30e: {  	_ =	sfence.sel $0x180000  }
0x30f: {  	[bflag:$0x0] =	sbarrier.arrive $0xFFFF  }
0x310: {  	_ =	strace $0x90000047  }
0x311: {  	s0 =	stileid.u32;
	[bflag:$0x2] =	sbarrier.arrive $0xFFFF  }
0x312: {  	p0 =	sne.s32 s0, $0x0;
	s0 =	rddreg [dreg:$0x2]  }
0x313: {  	s0 =	sadd.s32 @!p0 $0x100000, s0  }
0x314: {  	[sflag:s0] =	ssyncadd.tile.s32 @!p0 $0x1;
	_ =	shalt  }
.Lfunc_end2:
_tile_overlayer_lowered:
.L_overlay_start_2:
0x315: {  	(tag) =	ssettag $0x2  }
0x316: {  	s0 =	rddreg [dreg:$0x0];
	s2 =	stileid.u32  }
0x317: {  	s1 =	rddreg [dreg:$0x1];
	p0 =	sne.s32 s2, $0x0  }
0x318: {  	s3 =	rddreg [dreg:$0x2];
	[bflag:$0x3] =	sbarrier.arrive $0xFFFF;
	s2 =	simm.s32 @!p0 $0x1C05  }
0x319: {  	[timem:s3], [sflag:s2] =	dma.local @!p0 [hbm:s0], s1  }
0x31a: {  	s0 =	simm.s32 @!p0 $0x5  }
0x31b: {  	_ =	swait.ge @!p0 [sflag:s0], s1  }
0x31c: {  	s1 =	ssub.s32 @!p0 $0x0, s1;
	[sflag:s0] =	ssyncset.done @!p0 $0x0  }
0x31d: {  	[sflag:s0] =	ssyncadd.s32 @!p0 s1  }
0x31e: {  	[bflag:$0x3] =	sbarrier.arrive $0xFFFF  }
0x31f: {  	_ =	shalt  }

</sc_bundles>
